<compile_context>
chip_gen: v7x
topology: tpu7x:2x2x1
jax: 0.10.2.dev20260603
libtpu: 0.0.44.dev20260713+nightly
codegen_flags: <defaults>
</compile_context>

<pallas_src>
import functools

import jax
import jax.numpy as jnp
from jax import lax
from jax.experimental import pallas as pl
from jax.experimental.pallas import tpu as pltpu
from jax.experimental.pallas import tpu_sc as plsc

_NC = 2
_NS = 16
_NW = _NC * _NS
_CHUNK = 128
_DEGW = 16


def _deg_kernel_body(dst_hbm, degp_hbm, idx_all, deg_v, *, n_pad, e_per_w):
    cid = lax.axis_index("c")
    sid = lax.axis_index("s")
    wid = sid * _NC + cid
    zeros16 = jnp.zeros((16,), jnp.float32)
    ones16 = jnp.ones((16,), jnp.float32)

    def zstep(i, carry):
        deg_v[pl.ds(i * 16, 16)] = zeros16
        return carry

    lax.fori_loop(0, n_pad // 16, zstep, 0)
    pltpu.sync_copy(dst_hbm.at[pl.ds(wid * e_per_w, e_per_w)], idx_all)

    def step(i, carry):
        iv = idx_all[pl.ds(i * 16, 16)]
        plsc.addupdate_scatter(deg_v, [iv], ones16)
        return carry

    lax.fori_loop(0, e_per_w // 16, step, 0)
    pltpu.sync_copy(deg_v, degp_hbm.at[wid])


_K = 4


def _scatter_kernel_body(src2_hbm, dst2_hbm, hs_hbm, zeros_hbm, part_hbm,
                         sidx_all, didx_all, sic0, sic1, dic, rows0, rows1,
                         acc_shared, gs0, gs1, *, n_pad, chunks_per_w):
    cid = lax.axis_index("c")
    sid = lax.axis_index("s")
    wid = sid * _NC + cid
    rows_per_sub = n_pad // _NS
    row0 = sid * rows_per_sub
    pltpu.sync_copy(zeros_hbm.at[pl.ds(row0, rows_per_sub)],
                    acc_shared.at[pl.ds(row0, rows_per_sub)])
    plsc.subcore_barrier()
    half = chunks_per_w // 2
    rows = (rows0, rows1)
    sic = (sic0, sic1)
    gsems = (gs0, gs1)

    def fill(dstbuf, srcall, c):
        for k in range(_CHUNK // 16):
            dstbuf[pl.ds(16 * k, 16)] = srcall[c, pl.ds(16 * k, 16)]

    for p in range(2):
        c0 = wid * chunks_per_w + p * half
        pltpu.sync_copy(src2_hbm.at[pl.ds(c0, half)], sidx_all)
        pltpu.sync_copy(dst2_hbm.at[pl.ds(c0, half)], didx_all)
        fill(sic0, sidx_all, 0)
        pltpu.async_copy(hs_hbm.at[sic0], rows0, gs0)

        def body(i, carry):
            for j in range(2):
                c = 2 * i + j
                nxt = jnp.minimum(c + 1, half - 1)
                fill(sic[1 - j], sidx_all, nxt)
                pltpu.make_async_copy(hs_hbm.at[sic[j]], rows[j],
                                      gsems[j]).wait()
                pltpu.async_copy(hs_hbm.at[sic[1 - j]], rows[1 - j],
                                 gsems[1 - j])
                fill(dic, didx_all, c)
                pltpu.sync_copy(rows[j], acc_shared.at[dic], add=True)
            return carry

        lax.fori_loop(0, half // 2, body, 0)
        pltpu.make_async_copy(hs_hbm.at[sic0], rows0, gs0).wait()
    plsc.subcore_barrier()
    pltpu.sync_copy(acc_shared.at[pl.ds(row0, rows_per_sub)],
                    part_hbm.at[cid, pl.ds(row0, rows_per_sub)])


def _sc_degree(dst_p, n_pad):
    e_per_w = dst_p.shape[0] // _NW
    mesh = plsc.VectorSubcoreMesh(core_axis_name="c", subcore_axis_name="s")
    body = functools.partial(_deg_kernel_body, n_pad=n_pad, e_per_w=e_per_w)
    return pl.kernel(
        body,
        out_type=jax.ShapeDtypeStruct((_NW, n_pad), jnp.float32),
        mesh=mesh,
        scratch_types=[
            pltpu.VMEM((e_per_w,), jnp.int32),
            pltpu.VMEM((n_pad,), jnp.float32),
        ],
        compiler_params=pltpu.CompilerParams(needs_layout_passes=False),
        name="sc_degree",
    )(dst_p)


def _sc_scatter(src2, dst2, hs, n_pad):
    n_chunks = src2.shape[0]
    chunks_per_w = n_chunks // _NW
    d = hs.shape[1]
    zeros = jnp.zeros((n_pad, d), jnp.float32)
    mesh = plsc.VectorSubcoreMesh(core_axis_name="c", subcore_axis_name="s")
    body = functools.partial(_scatter_kernel_body, n_pad=n_pad,
                             chunks_per_w=chunks_per_w)
    return pl.kernel(
        body,
        out_type=jax.ShapeDtypeStruct((_NC, n_pad, d), jnp.float32),
        mesh=mesh,
        scratch_types=[
            pltpu.VMEM((chunks_per_w // 2, _CHUNK), jnp.int32),
            pltpu.VMEM((chunks_per_w // 2, _CHUNK), jnp.int32),
            pltpu.VMEM((_CHUNK,), jnp.int32),
            pltpu.VMEM((_CHUNK,), jnp.int32),
            pltpu.VMEM((_CHUNK,), jnp.int32),
            pltpu.VMEM((_CHUNK, d), jnp.float32),
            pltpu.VMEM((_CHUNK, d), jnp.float32),
            pltpu.VMEM_SHARED((n_pad, d), jnp.float32),
            pltpu.SemaphoreType.DMA,
            pltpu.SemaphoreType.DMA,
        ],
        compiler_params=pltpu.CompilerParams(needs_layout_passes=False),
        name="sc_scatter",
    )(src2, dst2, hs, zeros)



_ROWS = 2000


def _tc_scale1_body(degp_ref, x_ref, w_ref, hs_ref, dinv_ref):
    deg = jnp.sum(degp_ref[...], axis=1, keepdims=True)
    dinv = lax.rsqrt(jnp.maximum(deg + 1.0, 1.0))
    h = jnp.dot(x_ref[...], w_ref[...], preferred_element_type=jnp.float32)
    hs_ref[...] = h * dinv
    dinv_ref[...] = dinv


def _tc_scale1(degp, x, w1, n_nodes):
    d, h = w1.shape
    grid = (n_nodes // _ROWS,)
    return pl.pallas_call(
        _tc_scale1_body,
        grid=grid,
        in_specs=[
            pl.BlockSpec((_ROWS, _NW), lambda i: (i, 0)),
            pl.BlockSpec((_ROWS, d), lambda i: (i, 0)),
            pl.BlockSpec((d, h), lambda i: (0, 0)),
        ],
        out_specs=[
            pl.BlockSpec((_ROWS, h), lambda i: (i, 0)),
            pl.BlockSpec((_ROWS, 1), lambda i: (i, 0)),
        ],
        out_shape=[
            jax.ShapeDtypeStruct((n_nodes, h), jnp.float32),
            jax.ShapeDtypeStruct((n_nodes, 1), jnp.float32),
        ],
        name="tc_scale1",
    )(degp, x, w1)


def _tc_layer2_body(p_ref, hs_ref, dinv_ref, b_ref, w_ref, out_ref):
    dinv = dinv_ref[...]
    agg = (p_ref[0] + p_ref[1] + hs_ref[...]) * dinv
    h1 = jnp.maximum(agg + b_ref[...], 0.0)
    out_ref[...] = jnp.dot(h1, w_ref[...],
                           preferred_element_type=jnp.float32) * dinv


def _tc_layer2(p, hs, dinv, b1, w2, n_nodes):
    h, h2 = w2.shape
    grid = (n_nodes // _ROWS,)
    return pl.pallas_call(
        _tc_layer2_body,
        grid=grid,
        in_specs=[
            pl.BlockSpec((_NC, _ROWS, h), lambda i: (0, i, 0)),
            pl.BlockSpec((_ROWS, h), lambda i: (i, 0)),
            pl.BlockSpec((_ROWS, 1), lambda i: (i, 0)),
            pl.BlockSpec((1, h2), lambda i: (0, 0)),
            pl.BlockSpec((h, h2), lambda i: (0, 0)),
        ],
        out_specs=pl.BlockSpec((_ROWS, h2), lambda i: (i, 0)),
        out_shape=jax.ShapeDtypeStruct((n_nodes, h2), jnp.float32),
        name="tc_layer2",
    )(p, hs, dinv, b1.reshape(1, h2), w2)


def _tc_head_body(p_ref, hs_ref, dinv_ref, b_ref, batch_ref, fw1_ref,
                  fb1_ref, fw2_ref, fb2_ref, emb_ref, out_ref,
                  sums_ref, cnt_ref, *, n_groups, n_blocks):
    i = pl.program_id(0)
    agg = (p_ref[0] + p_ref[1] + hs_ref[...]) * dinv_ref[...]
    h2 = jnp.maximum(agg + b_ref[...], 0.0)
    gids = lax.broadcasted_iota(jnp.int32, (h2.shape[0], n_groups),
                                1).astype(jnp.float32)
    oh = (batch_ref[...] == gids).astype(jnp.float32)
    blk_sums = lax.dot_general(oh, h2, (((0,), (0,)), ((), ())),
                               preferred_element_type=jnp.float32,
                               precision=lax.Precision.HIGHEST)
    blk_cnt = jnp.sum(oh, axis=0)[:, None]

    @pl.when(i == 0)
    def _():
        sums_ref[...] = blk_sums
        cnt_ref[...] = blk_cnt

    @pl.when(i > 0)
    def _():
        sums_ref[...] += blk_sums
        cnt_ref[...] += blk_cnt

    @pl.when(i == n_blocks - 1)
    def _():
        pooled = sums_ref[...] / jnp.maximum(cnt_ref[...], 1.0)
        emb = jnp.maximum(
            jnp.dot(pooled, fw1_ref[...],
                    preferred_element_type=jnp.float32) + fb1_ref[...], 0.0)
        emb_ref[...] = emb
        out_ref[...] = jnp.dot(emb, fw2_ref[...],
                               preferred_element_type=jnp.float32) + fb2_ref[...]


def _tc_head(p, hs, dinv, b2, batchf, fw1, fb1, fw2, fb2, n_nodes, n_groups):
    h = hs.shape[1]
    emb_d = fw1.shape[1]
    out_d = fw2.shape[1]
    n_blocks = n_nodes // _ROWS
    body = functools.partial(_tc_head_body, n_groups=n_groups,
                             n_blocks=n_blocks)
    return pl.pallas_call(
        body,
        grid=(n_blocks,),
        in_specs=[
            pl.BlockSpec((_NC, _ROWS, h), lambda i: (0, i, 0)),
            pl.BlockSpec((_ROWS, h), lambda i: (i, 0)),
            pl.BlockSpec((_ROWS, 1), lambda i: (i, 0)),
            pl.BlockSpec((1, h), lambda i: (0, 0)),
            pl.BlockSpec((_ROWS, 1), lambda i: (i, 0)),
            pl.BlockSpec((h, emb_d), lambda i: (0, 0)),
            pl.BlockSpec((1, emb_d), lambda i: (0, 0)),
            pl.BlockSpec((emb_d, out_d), lambda i: (0, 0)),
            pl.BlockSpec((1, out_d), lambda i: (0, 0)),
        ],
        out_specs=[
            pl.BlockSpec((n_groups, emb_d), lambda i: (0, 0)),
            pl.BlockSpec((n_groups, out_d), lambda i: (0, 0)),
        ],
        out_shape=[
            jax.ShapeDtypeStruct((n_groups, emb_d), jnp.float32),
            jax.ShapeDtypeStruct((n_groups, out_d), jnp.float32),
        ],
        scratch_shapes=[
            pltpu.VMEM((n_groups, h), jnp.float32),
            pltpu.VMEM((n_groups, 1), jnp.float32),
        ],
        name="tc_head",
    )(p, hs, dinv, b2.reshape(1, h), batchf, fw1, fb1.reshape(1, emb_d),
      fw2, fb2.reshape(1, out_d))


def kernel(x, edge_index, batch, W1, b1, W2, b2, fcW1, fcb1, fcW2, fcb2):
    n = x.shape[0]
    n_pad = ((n + 8 * _NS - 1) // (8 * _NS)) * (8 * _NS)
    n_groups = 64
    src = edge_index[0]
    dst = edge_index[1]

    e = src.shape[0]
    epw = _CHUNK * _K * _NW
    e_pad = ((e + epw - 1) // epw) * epw
    src_p = jnp.concatenate([src, jnp.zeros((e_pad - e,), jnp.int32)])
    dst_p = jnp.concatenate(
        [dst, jnp.full((e_pad - e,), n_pad - 1, jnp.int32)])
    src2 = src_p.reshape(-1, _CHUNK)
    dst2 = dst_p.reshape(-1, _CHUNK)

    degp = _sc_degree(dst_p, n_pad).T
    hs1, dinv = _tc_scale1(degp, x, W1, n)
    p1 = _sc_scatter(src2, dst2, hs1, n_pad)
    hs2 = _tc_layer2(p1, hs1, dinv, b1, W2, n)
    p2 = _sc_scatter(src2, dst2, hs2, n_pad)
    batchf = batch.astype(jnp.float32).reshape(n, 1)
    emb, out = _tc_head(p2, hs2, dinv, b2, batchf, fcW1, fcb1, fcW2, fcb2,
                        n, n_groups)
    return (emb, out)

# --- scband reference (transcript-rebuilt; emitter-appended) ---
"""Pipeline reference for scband-lutmodel-46497315946700 (READ-ONLY COPY).

The authoritative reference and input builder live on the scoring server;
editing this copy changes nothing except your own understanding.
"""

import jax, jax.numpy as jnp
import numpy as np

N = 10000
E = 320000
D = 128
H = 128
EMB = 128
OUT = 1
G = 64


def setup_inputs(seed: int = 0) -> dict:
    key = jax.random.key(seed)
    ks = jax.random.split(key, 12)
    x = jax.random.normal(ks[0], (N, D), dtype=jnp.float32)
    edge_index = jax.random.randint(ks[1], (2, E), 0, N, dtype=jnp.int32)
    batch = jnp.sort(jax.random.randint(ks[2], (N,), 0, G, dtype=jnp.int32))
    W1 = jax.random.normal(ks[3], (D, H), dtype=jnp.float32) * 0.05
    b1 = jnp.zeros((H,), dtype=jnp.float32)
    W2 = jax.random.normal(ks[4], (H, H), dtype=jnp.float32) * 0.05
    b2 = jnp.zeros((H,), dtype=jnp.float32)
    fcW1 = jax.random.normal(ks[5], (H, EMB), dtype=jnp.float32) * 0.05
    fcb1 = jnp.zeros((EMB,), dtype=jnp.float32)
    fcW2 = jax.random.normal(ks[6], (EMB, OUT), dtype=jnp.float32) * 0.05
    fcb2 = jnp.zeros((OUT,), dtype=jnp.float32)
    return {"x": x, "edge_index": edge_index, "batch": batch,
            "W1": W1, "b1": b1, "W2": W2, "b2": b2,
            "fcW1": fcW1, "fcb1": fcb1, "fcW2": fcW2, "fcb2": fcb2}


def _gcn_conv(x, src, dst, W, b):
    n = x.shape[0]
    # symmetric GCN normalization with self-loops (already appended in src/dst)
    deg = jnp.zeros((n,), dtype=jnp.float32).at[dst].add(1.0)
    dinv = jax.lax.rsqrt(jnp.maximum(deg, 1.0))
    h = x @ W
    norm = dinv[src] * dinv[dst]
    msg = h[src] * norm[:, None]
    agg = jnp.zeros((n, W.shape[1]), dtype=x.dtype).at[dst].add(msg)
    return agg + b


def reference(x, edge_index, batch, W1, b1, W2, b2, fcW1, fcb1, fcW2, fcb2):
    n = x.shape[0]
    loop = jnp.arange(n, dtype=edge_index.dtype)
    src = jnp.concatenate([edge_index[0], loop])
    dst = jnp.concatenate([edge_index[1], loop])
    h = jax.nn.relu(_gcn_conv(x, src, dst, W1, b1))
    # dropout is identity in eval mode
    h = jax.nn.relu(_gcn_conv(h, src, dst, W2, b2))
    # global_mean_pool over batch ids
    counts = jnp.zeros((G,), dtype=jnp.float32).at[batch].add(1.0)
    sums = jnp.zeros((G, h.shape[1]), dtype=h.dtype).at[batch].add(h)
    pooled = sums / jnp.maximum(counts, 1.0)[:, None]
    emb = jax.nn.relu(pooled @ fcW1 + fcb1)
    out = emb @ fcW2 + fcb2
    return (emb, out)

if __name__ == "__main__":
    import jax
    _d = setup_inputs()
    print(jax.jit(kernel)(*tuple(_d.values())))

</pallas_src>

<mosaic_0001>
#map = affine_map<(d0, d1) -> (0)>
#map1 = affine_map<(d0, d1) -> (0, 0)>
module attributes {stable_mosaic.version = 14 : i64} {
  func.func @sc_degree(%arg0: i32, %arg1: i32, %arg2: memref<327680xi32, #tpu.memory_space<hbm>>, %arg3: memref<32x10112xf32, #tpu.memory_space<hbm>>, %arg4: memref<10240xi32, #tpu.memory_space<vmem>>, %arg5: memref<10112xf32, #tpu.memory_space<vmem>>) attributes {dimension_semantics = [#tpu.dimension_semantics<core_parallel>, #tpu.dimension_semantics<subcore_parallel>], iteration_bounds = array<i64: 2, 16>, scalar_prefetch = 0 : i64, scratch_operands = 2 : i64, tpu.core_type = #tpu.core_type<sc_vector_subcore>, window_params = [{transform_indices = #map}, {transform_indices = #map1}]} {
    %mul3A = arith.constant 2 : i32
    %mul3A_0 = arith.muli %arg1, %mul3A : i32
    %add3A = arith.addi %mul3A_0, %arg0 : i32
    %broadcast_in_dim3A = arith.constant 0.000000e+00 : f32
    %broadcast_in_dim3A_1 = vector.broadcast %broadcast_in_dim3A : f32 to vector<16xf32>
    %broadcast_in_dim3A_2 = arith.constant 1.000000e+00 : f32
    %broadcast_in_dim3A_3 = vector.broadcast %broadcast_in_dim3A_2 : f32 to vector<16xf32>
    %scan3A = arith.constant 0 : i32
    %scan3A_4 = arith.constant 0 : i32
    %scan3A_5 = arith.constant 632 : i32
    %scan3A_6 = arith.addi %scan3A_4, %scan3A_5 : i32
    %scan3A_7 = arith.constant 1 : i32
    scf.for %scan3A_17 = %scan3A_4 to %scan3A_6 step %scan3A_7  : i32 {
      %mul3A_18 = arith.constant 16 : i32
      %mul3A_19 = arith.muli %scan3A_17, %mul3A_18 : i32
      %swap3A = arith.index_cast %mul3A_19 : i32 to index
      %swap3A_20 = tpu.vector_load %arg5[%swap3A] {strides = array<i32>} : memref<10112xf32, #tpu.memory_space<vmem>>, vector<16xf32>,
      tpu.vector_store %arg5[%swap3A], %broadcast_in_dim3A_1 {strides = array<i32>} : memref<10112xf32, #tpu.memory_space<vmem>>, vector<16xf32>,
    }
    %scan3A_8 = arith.constant 632 : i32
    %mul3A_9 = arith.constant 10240 : i32
    %mul3A_10 = arith.muli %add3A, %mul3A_9 : i32
    "tpu.region"() ({
      %run_scoped3A = tpu.sem_alloc : memref<!tpu.dma_semaphore, #tpu.memory_space<semaphore_mem>>
      %dma_start3A = tpu.memref_slice %arg2[%mul3A_10] : memref<327680xi32, #tpu.memory_space<hbm>> -> memref<10240xi32, #tpu.memory_space<hbm>>
      %dma_start3A_17 = tpu.memref_slice %arg2[%mul3A_10] : memref<327680xi32, #tpu.memory_space<hbm>> -> memref<10240xi32, #tpu.memory_space<hbm>>
      tpu.enqueue_dma source(%dma_start3A_17 : memref<10240xi32, #tpu.memory_space<hbm>>) target(%arg4 : memref<10240xi32, #tpu.memory_space<vmem>>) target_semaphore(%run_scoped3A : memref<!tpu.dma_semaphore, #tpu.memory_space<semaphore_mem>>)
      %dma_wait3A = tpu.memref_slice %arg2[%mul3A_10] : memref<327680xi32, #tpu.memory_space<hbm>> -> memref<10240xi32, #tpu.memory_space<hbm>>
      %dma_wait3A_18 = tpu.memref_slice %arg2[%mul3A_10] : memref<327680xi32, #tpu.memory_space<hbm>> -> memref<10240xi32, #tpu.memory_space<hbm>>
      tpu.wait_dma2 semaphore(%run_scoped3A : memref<!tpu.dma_semaphore, #tpu.memory_space<semaphore_mem>>) src(%dma_wait3A_18 : memref<10240xi32, #tpu.memory_space<hbm>>) dst(%arg4 : memref<10240xi32, #tpu.memory_space<vmem>>)
      tpu.yield
    }) : () -> ()
    %scan3A_11 = arith.constant 0 : i32
    %scan3A_12 = arith.constant 0 : i32
    %scan3A_13 = arith.constant 640 : i32
    %scan3A_14 = arith.addi %scan3A_12, %scan3A_13 : i32
    %scan3A_15 = arith.constant 1 : i32
    scf.for %scan3A_17 = %scan3A_12 to %scan3A_14 step %scan3A_15  : i32 {
      %mul3A_18 = arith.constant 16 : i32
      %mul3A_19 = arith.muli %scan3A_17, %mul3A_18 : i32
      %get3A = arith.index_cast %mul3A_19 : i32 to index
      %get3A_20 = tpu.vector_load %arg4[%get3A] {strides = array<i32>} : memref<10240xi32, #tpu.memory_space<vmem>>, vector<16xi32>,
      tpu.vector_store_idx %arg5[%get3A_20], %broadcast_in_dim3A_3 {add = true} : memref<10112xf32, #tpu.memory_space<vmem>>[vector<16xi32>], vector<16xf32>,
    }
    %scan3A_16 = arith.constant 640 : i32
    "tpu.region"() ({
      %run_scoped3A = tpu.sem_alloc : memref<!tpu.dma_semaphore, #tpu.memory_space<semaphore_mem>>
      %dma_start3A = arith.constant 0 : i32
      %dma_start3A_17 = tpu.memref_slice %arg3[%add3A, %dma_start3A] : memref<32x10112xf32, #tpu.memory_space<hbm>> -> memref<1x10112xf32, #tpu.memory_space<hbm>>
      %dma_start3A_18 = tpu.memref_squeeze %dma_start3A_17 : memref<1x10112xf32, #tpu.memory_space<hbm>> -> memref<10112xf32, #tpu.memory_space<hbm>>
      %dma_start3A_19 = arith.constant 0 : i32
      %dma_start3A_20 = tpu.memref_slice %arg3[%add3A, %dma_start3A_19] : memref<32x10112xf32, #tpu.memory_space<hbm>> -> memref<1x10112xf32, #tpu.memory_space<hbm>>
      %dma_start3A_21 = tpu.memref_squeeze %dma_start3A_20 : memref<1x10112xf32, #tpu.memory_space<hbm>> -> memref<10112xf32, #tpu.memory_space<hbm>>
      tpu.enqueue_dma source(%arg5 : memref<10112xf32, #tpu.memory_space<vmem>>) target(%dma_start3A_21 : memref<10112xf32, #tpu.memory_space<hbm>>) target_semaphore(%run_scoped3A : memref<!tpu.dma_semaphore, #tpu.memory_space<semaphore_mem>>)
      %dma_wait3A = arith.constant 0 : i32
      %dma_wait3A_22 = tpu.memref_slice %arg3[%add3A, %dma_wait3A] : memref<32x10112xf32, #tpu.memory_space<hbm>> -> memref<1x10112xf32, #tpu.memory_space<hbm>>
      %dma_wait3A_23 = tpu.memref_squeeze %dma_wait3A_22 : memref<1x10112xf32, #tpu.memory_space<hbm>> -> memref<10112xf32, #tpu.memory_space<hbm>>
      %dma_wait3A_24 = arith.constant 0 : i32
      %dma_wait3A_25 = tpu.memref_slice %arg3[%add3A, %dma_wait3A_24] : memref<32x10112xf32, #tpu.memory_space<hbm>> -> memref<1x10112xf32, #tpu.memory_space<hbm>>
      %dma_wait3A_26 = tpu.memref_squeeze %dma_wait3A_25 : memref<1x10112xf32, #tpu.memory_space<hbm>> -> memref<10112xf32, #tpu.memory_space<hbm>>
      tpu.wait_dma2 semaphore(%run_scoped3A : memref<!tpu.dma_semaphore, #tpu.memory_space<semaphore_mem>>) src(%arg5 : memref<10112xf32, #tpu.memory_space<vmem>>) dst(%dma_wait3A_26 : memref<10112xf32, #tpu.memory_space<hbm>>)
      tpu.yield
    }) : () -> ()
    return
  }
}

#map = affine_map<(d0, d1) -> (0, 0)>
#map1 = affine_map<(d0, d1) -> (0, 0, 0)>
module attributes {stable_mosaic.version = 14 : i64} {
  func.func @sc_scatter(%arg0: i32, %arg1: i32, %arg2: memref<2560x128xi32, #tpu.memory_space<hbm>>, %arg3: memref<2560x128xi32, #tpu.memory_space<hbm>>, %arg4: memref<10000x128xf32, #tpu.memory_space<hbm>>, %arg5: memref<10112x128xf32, #tpu.memory_space<hbm>>, %arg6: memref<2x10112x128xf32, #tpu.memory_space<hbm>>, %arg7: memref<40x128xi32, #tpu.memory_space<vmem>>, %arg8: memref<40x128xi32, #tpu.memory_space<vmem>>, %arg9: memref<128xi32, #tpu.memory_space<vmem>>, %arg10: memref<128xi32, #tpu.memory_space<vmem>>, %arg11: memref<128xi32, #tpu.memory_space<vmem>>, %arg12: memref<128x128xf32, #tpu.memory_space<vmem>>, %arg13: memref<128x128xf32, #tpu.memory_space<vmem>>, %arg14: memref<10112x128xf32, #tpu.memory_space<vmem_shared>>, %arg15: memref<!tpu.dma_semaphore, #tpu.memory_space<semaphore_mem>>, %arg16: memref<!tpu.dma_semaphore, #tpu.memory_space<semaphore_mem>>) attributes {dimension_semantics = [#tpu.dimension_semantics<core_parallel>, #tpu.dimension_semantics<subcore_parallel>], iteration_bounds = array<i64: 2, 16>, scalar_prefetch = 0 : i64, scratch_operands = 10 : i64, tpu.core_type = #tpu.core_type<sc_vector_subcore>, window_params = [{transform_indices = #map}, {transform_indices = #map}, {transform_indices = #map}, {transform_indices = #map}, {transform_indices = #map1}]} {
    %mul3A = arith.constant 2 : i32
    %mul3A_0 = arith.muli %arg1, %mul3A : i32
    %add3A = arith.addi %mul3A_0, %arg0 : i32
    %mul3A_1 = arith.constant 632 : i32
    %mul3A_2 = arith.muli %arg1, %mul3A_1 : i32
    "tpu.region"() ({
      %run_scoped3A = tpu.sem_alloc : memref<!tpu.dma_semaphore, #tpu.memory_space<semaphore_mem>>
      %dma_start3A_127 = arith.constant 0 : i32
      %dma_start3A_128 = tpu.memref_slice %arg14[%mul3A_2, %dma_start3A_127] : memref<10112x128xf32, #tpu.memory_space<vmem_shared>> -> memref<632x128xf32, #tpu.memory_space<vmem_shared>>
      %dma_start3A_129 = arith.constant 0 : i32
      %dma_start3A_130 = tpu.memref_slice %arg5[%mul3A_2, %dma_start3A_129] : memref<10112x128xf32, #tpu.memory_space<hbm>> -> memref<632x128xf32, #tpu.memory_space<hbm>>
      tpu.enqueue_dma source(%dma_start3A_130 : memref<632x128xf32, #tpu.memory_space<hbm>>) target(%dma_start3A_128 : memref<632x128xf32, #tpu.memory_space<vmem_shared>>) target_semaphore(%run_scoped3A : memref<!tpu.dma_semaphore, #tpu.memory_space<semaphore_mem>>)
      %dma_wait3A_131 = arith.constant 0 : i32
      %dma_wait3A_132 = tpu.memref_slice %arg14[%mul3A_2, %dma_wait3A_131] : memref<10112x128xf32, #tpu.memory_space<vmem_shared>> -> memref<632x128xf32, #tpu.memory_space<vmem_shared>>
      %dma_wait3A_133 = arith.constant 0 : i32
      %dma_wait3A_134 = tpu.memref_slice %arg5[%mul3A_2, %dma_wait3A_133] : memref<10112x128xf32, #tpu.memory_space<hbm>> -> memref<632x128xf32, #tpu.memory_space<hbm>>
      tpu.wait_dma2 semaphore(%run_scoped3A : memref<!tpu.dma_semaphore, #tpu.memory_space<semaphore_mem>>) src(%dma_wait3A_134 : memref<632x128xf32, #tpu.memory_space<hbm>>) dst(%dma_wait3A_132 : memref<632x128xf32, #tpu.memory_space<vmem_shared>>)
      tpu.yield
    }) : () -> ()
    %barrier3A = arith.constant 0 : index
    tpu.barrier barrier_id(%barrier3A)
    %mul3A_3 = arith.constant 80 : i32
    %mul3A_4 = arith.muli %add3A, %mul3A_3 : i32
    %add3A_5 = arith.constant 0 : i32
    %add3A_6 = arith.addi %mul3A_4, %add3A_5 : i32
    "tpu.region"() ({
      %run_scoped3A = tpu.sem_alloc : memref<!tpu.dma_semaphore, #tpu.memory_space<semaphore_mem>>
      %dma_start3A_127 = arith.constant 0 : i32
      %dma_start3A_128 = tpu.memref_slice %arg2[%add3A_6, %dma_start3A_127] : memref<2560x128xi32, #tpu.memory_space<hbm>> -> memref<40x128xi32, #tpu.memory_space<hbm>>
      %dma_start3A_129 = arith.constant 0 : i32
      %dma_start3A_130 = tpu.memref_slice %arg2[%add3A_6, %dma_start3A_129] : memref<2560x128xi32, #tpu.memory_space<hbm>> -> memref<40x128xi32, #tpu.memory_space<hbm>>
      tpu.enqueue_dma source(%dma_start3A_130 : memref<40x128xi32, #tpu.memory_space<hbm>>) target(%arg7 : memref<40x128xi32, #tpu.memory_space<vmem>>) target_semaphore(%run_scoped3A : memref<!tpu.dma_semaphore, #tpu.memory_space<semaphore_mem>>)
      %dma_wait3A_131 = arith.constant 0 : i32
      %dma_wait3A_132 = tpu.memref_slice %arg2[%add3A_6, %dma_wait3A_131] : memref<2560x128xi32, #tpu.memory_space<hbm>> -> memref<40x128xi32, #tpu.memory_space<hbm>>
      %dma_wait3A_133 = arith.constant 0 : i32
      %dma_wait3A_134 = tpu.memref_slice %arg2[%add3A_6, %dma_wait3A_133] : memref<2560x128xi32, #tpu.memory_space<hbm>> -> memref<40x128xi32, #tpu.memory_space<hbm>>
      tpu.wait_dma2 semaphore(%run_scoped3A : memref<!tpu.dma_semaphore, #tpu.memory_space<semaphore_mem>>) src(%dma_wait3A_134 : memref<40x128xi32, #tpu.memory_space<hbm>>) dst(%arg7 : memref<40x128xi32, #tpu.memory_space<vmem>>)
      tpu.yield
    }) : () -> ()
    "tpu.region"() ({
      %run_scoped3A = tpu.sem_alloc : memref<!tpu.dma_semaphore, #tpu.memory_space<semaphore_mem>>
      %dma_start3A_127 = arith.constant 0 : i32
      %dma_start3A_128 = tpu.memref_slice %arg3[%add3A_6, %dma_start3A_127] : memref<2560x128xi32, #tpu.memory_space<hbm>> -> memref<40x128xi32, #tpu.memory_space<hbm>>
      %dma_start3A_129 = arith.constant 0 : i32
      %dma_start3A_130 = tpu.memref_slice %arg3[%add3A_6, %dma_start3A_129] : memref<2560x128xi32, #tpu.memory_space<hbm>> -> memref<40x128xi32, #tpu.memory_space<hbm>>
      tpu.enqueue_dma source(%dma_start3A_130 : memref<40x128xi32, #tpu.memory_space<hbm>>) target(%arg8 : memref<40x128xi32, #tpu.memory_space<vmem>>) target_semaphore(%run_scoped3A : memref<!tpu.dma_semaphore, #tpu.memory_space<semaphore_mem>>)
      %dma_wait3A_131 = arith.constant 0 : i32
      %dma_wait3A_132 = tpu.memref_slice %arg3[%add3A_6, %dma_wait3A_131] : memref<2560x128xi32, #tpu.memory_space<hbm>> -> memref<40x128xi32, #tpu.memory_space<hbm>>
      %dma_wait3A_133 = arith.constant 0 : i32
      %dma_wait3A_134 = tpu.memref_slice %arg3[%add3A_6, %dma_wait3A_133] : memref<2560x128xi32, #tpu.memory_space<hbm>> -> memref<40x128xi32, #tpu.memory_space<hbm>>
      tpu.wait_dma2 semaphore(%run_scoped3A : memref<!tpu.dma_semaphore, #tpu.memory_space<semaphore_mem>>) src(%dma_wait3A_134 : memref<40x128xi32, #tpu.memory_space<hbm>>) dst(%arg8 : memref<40x128xi32, #tpu.memory_space<vmem>>)
      tpu.yield
    }) : () -> ()
    %get3A = arith.constant 0 : i32
    %get3A_7 = arith.index_cast %get3A : i32 to index
    %get3A_8 = arith.constant 0 : index
    %get3A_9 = tpu.vector_load %arg7[%get3A_7, %get3A_8] {strides = array<i32>} : memref<40x128xi32, #tpu.memory_space<vmem>>, vector<16xi32>,
    %swap3A = arith.constant 0 : index
    %swap3A_10 = tpu.vector_load %arg9[%swap3A] {strides = array<i32>} : memref<128xi32, #tpu.memory_space<vmem>>, vector<16xi32>,
    tpu.vector_store %arg9[%swap3A], %get3A_9 {strides = array<i32>} : memref<128xi32, #tpu.memory_space<vmem>>, vector<16xi32>,
    %get3A_11 = arith.constant 0 : i32
    %get3A_12 = arith.index_cast %get3A_11 : i32 to index
    %get3A_13 = arith.constant 16 : index
    %get3A_14 = tpu.vector_load %arg7[%get3A_12, %get3A_13] {strides = array<i32>} : memref<40x128xi32, #tpu.memory_space<vmem>>, vector<16xi32>,
    %swap3A_15 = arith.constant 16 : index
    %swap3A_16 = tpu.vector_load %arg9[%swap3A_15] {strides = array<i32>} : memref<128xi32, #tpu.memory_space<vmem>>, vector<16xi32>,
    tpu.vector_store %arg9[%swap3A_15], %get3A_14 {strides = array<i32>} : memref<128xi32, #tpu.memory_space<vmem>>, vector<16xi32>,
    %get3A_17 = arith.constant 0 : i32
    %get3A_18 = arith.index_cast %get3A_17 : i32 to index
    %get3A_19 = arith.constant 32 : index
    %get3A_20 = tpu.vector_load %arg7[%get3A_18, %get3A_19] {strides = array<i32>} : memref<40x128xi32, #tpu.memory_space<vmem>>, vector<16xi32>,
    %swap3A_21 = arith.constant 32 : index
    %swap3A_22 = tpu.vector_load %arg9[%swap3A_21] {strides = array<i32>} : memref<128xi32, #tpu.memory_space<vmem>>, vector<16xi32>,
    tpu.vector_store %arg9[%swap3A_21], %get3A_20 {strides = array<i32>} : memref<128xi32, #tpu.memory_space<vmem>>, vector<16xi32>,
    %get3A_23 = arith.constant 0 : i32
    %get3A_24 = arith.index_cast %get3A_23 : i32 to index
    %get3A_25 = arith.constant 48 : index
    %get3A_26 = tpu.vector_load %arg7[%get3A_24, %get3A_25] {strides = array<i32>} : memref<40x128xi32, #tpu.memory_space<vmem>>, vector<16xi32>,
    %swap3A_27 = arith.constant 48 : index
    %swap3A_28 = tpu.vector_load %arg9[%swap3A_27] {strides = array<i32>} : memref<128xi32, #tpu.memory_space<vmem>>, vector<16xi32>,
    tpu.vector_store %arg9[%swap3A_27], %get3A_26 {strides = array<i32>} : memref<128xi32, #tpu.memory_space<vmem>>, vector<16xi32>,
    %get3A_29 = arith.constant 0 : i32
    %get3A_30 = arith.index_cast %get3A_29 : i32 to index
    %get3A_31 = arith.constant 64 : index
    %get3A_32 = tpu.vector_load %arg7[%get3A_30, %get3A_31] {strides = array<i32>} : memref<40x128xi32, #tpu.memory_space<vmem>>, vector<16xi32>,
    %swap3A_33 = arith.constant 64 : index
    %swap3A_34 = tpu.vector_load %arg9[%swap3A_33] {strides = array<i32>} : memref<128xi32, #tpu.memory_space<vmem>>, vector<16xi32>,
    tpu.vector_store %arg9[%swap3A_33], %get3A_32 {strides = array<i32>} : memref<128xi32, #tpu.memory_space<vmem>>, vector<16xi32>,
    %get3A_35 = arith.constant 0 : i32
    %get3A_36 = arith.index_cast %get3A_35 : i32 to index
    %get3A_37 = arith.constant 80 : index
    %get3A_38 = tpu.vector_load %arg7[%get3A_36, %get3A_37] {strides = array<i32>} : memref<40x128xi32, #tpu.memory_space<vmem>>, vector<16xi32>,
    %swap3A_39 = arith.constant 80 : index
    %swap3A_40 = tpu.vector_load %arg9[%swap3A_39] {strides = array<i32>} : memref<128xi32, #tpu.memory_space<vmem>>, vector<16xi32>,
    tpu.vector_store %arg9[%swap3A_39], %get3A_38 {strides = array<i32>} : memref<128xi32, #tpu.memory_space<vmem>>, vector<16xi32>,
    %get3A_41 = arith.constant 0 : i32
    %get3A_42 = arith.index_cast %get3A_41 : i32 to index
    %get3A_43 = arith.constant 96 : index
    %get3A_44 = tpu.vector_load %arg7[%get3A_42, %get3A_43] {strides = array<i32>} : memref<40x128xi32, #tpu.memory_space<vmem>>, vector<16xi32>,
    %swap3A_45 = arith.constant 96 : index
    %swap3A_46 = tpu.vector_load %arg9[%swap3A_45] {strides = array<i32>} : memref<128xi32, #tpu.memory_space<vmem>>, vector<16xi32>,
    tpu.vector_store %arg9[%swap3A_45], %get3A_44 {strides = array<i32>} : memref<128xi32, #tpu.memory_space<vmem>>, vector<16xi32>,
    %get3A_47 = arith.constant 0 : i32
    %get3A_48 = arith.index_cast %get3A_47 : i32 to index
    %get3A_49 = arith.constant 112 : index
    %get3A_50 = tpu.vector_load %arg7[%get3A_48, %get3A_49] {strides = array<i32>} : memref<40x128xi32, #tpu.memory_space<vmem>>, vector<16xi32>,
    %swap3A_51 = arith.constant 112 : index
    %swap3A_52 = tpu.vector_load %arg9[%swap3A_51] {strides = array<i32>} : memref<128xi32, #tpu.memory_space<vmem>>, vector<16xi32>,
    tpu.vector_store %arg9[%swap3A_51], %get3A_50 {strides = array<i32>} : memref<128xi32, #tpu.memory_space<vmem>>, vector<16xi32>,
    %dma_start3A = arith.constant 0 : i32
    %dma_start3A_53 = arith.constant 0 : i32
    %dma_start3A_54 = tpu.memref_slice %arg4[%dma_start3A, %dma_start3A_53] : memref<10000x128xf32, #tpu.memory_space<hbm>> -> memref<10000x128xf32, #tpu.memory_space<hbm>>
    tpu.enqueue_indirect_dma source(%dma_start3A_54 : memref<10000x128xf32, #tpu.memory_space<hbm>>) target(%arg12 : memref<128x128xf32, #tpu.memory_space<vmem>>) offsets(%arg9 : memref<128xi32, #tpu.memory_space<vmem>>) semaphore(%arg15 : memref<!tpu.dma_semaphore, #tpu.memory_space<semaphore_mem>>)
    %scan3A = arith.constant 0 : i32
    %scan3A_55 = arith.constant 0 : i32
    %scan3A_56 = arith.constant 20 : i32
    %scan3A_57 = arith.addi %scan3A_55, %scan3A_56 : i32
    %scan3A_58 = arith.constant 1 : i32
    scf.for %scan3A_127 = %scan3A_55 to %scan3A_57 step %scan3A_58  : i32 {
      %mul3A_128 = arith.constant 2 : i32
      %mul3A_129 = arith.muli %mul3A_128, %scan3A_127 : i32
      %add3A_130 = arith.constant 0 : i32
      %add3A_131 = arith.addi %mul3A_129, %add3A_130 : i32
      %add3A_132 = arith.constant 1 : i32
      %add3A_133 = arith.addi %add3A_131, %add3A_132 : i32
      %min3A = arith.constant 39 : i32
      %min3A_134 = arith.minsi %add3A_133, %min3A : i32
      %get3A_135 = arith.index_cast %min3A_134 : i32 to index
      %get3A_136 = arith.constant 0 : index
      %get3A_137 = tpu.vector_load %arg7[%get3A_135, %get3A_136] {strides = array<i32>} : memref<40x128xi32, #tpu.memory_space<vmem>>, vector<16xi32>,
      %swap3A_138 = arith.constant 0 : index
      %swap3A_139 = tpu.vector_load %arg10[%swap3A_138] {strides = array<i32>} : memref<128xi32, #tpu.memory_space<vmem>>, vector<16xi32>,
      tpu.vector_store %arg10[%swap3A_138], %get3A_137 {strides = array<i32>} : memref<128xi32, #tpu.memory_space<vmem>>, vector<16xi32>,
      %get3A_140 = arith.index_cast %min3A_134 : i32 to index
      %get3A_141 = arith.constant 16 : index
      %get3A_142 = tpu.vector_load %arg7[%get3A_140, %get3A_141] {strides = array<i32>} : memref<40x128xi32, #tpu.memory_space<vmem>>, vector<16xi32>,
      %swap3A_143 = arith.constant 16 : index
      %swap3A_144 = tpu.vector_load %arg10[%swap3A_143] {strides = array<i32>} : memref<128xi32, #tpu.memory_space<vmem>>, vector<16xi32>,
      tpu.vector_store %arg10[%swap3A_143], %get3A_142 {strides = array<i32>} : memref<128xi32, #tpu.memory_space<vmem>>, vector<16xi32>,
      %get3A_145 = arith.index_cast %min3A_134 : i32 to index
      %get3A_146 = arith.constant 32 : index
      %get3A_147 = tpu.vector_load %arg7[%get3A_145, %get3A_146] {strides = array<i32>} : memref<40x128xi32, #tpu.memory_space<vmem>>, vector<16xi32>,
      %swap3A_148 = arith.constant 32 : index
      %swap3A_149 = tpu.vector_load %arg10[%swap3A_148] {strides = array<i32>} : memref<128xi32, #tpu.memory_space<vmem>>, vector<16xi32>,
      tpu.vector_store %arg10[%swap3A_148], %get3A_147 {strides = array<i32>} : memref<128xi32, #tpu.memory_space<vmem>>, vector<16xi32>,
      %get3A_150 = arith.index_cast %min3A_134 : i32 to index
      %get3A_151 = arith.constant 48 : index
      %get3A_152 = tpu.vector_load %arg7[%get3A_150, %get3A_151] {strides = array<i32>} : memref<40x128xi32, #tpu.memory_space<vmem>>, vector<16xi32>,
      %swap3A_153 = arith.constant 48 : index
      %swap3A_154 = tpu.vector_load %arg10[%swap3A_153] {strides = array<i32>} : memref<128xi32, #tpu.memory_space<vmem>>, vector<16xi32>,
      tpu.vector_store %arg10[%swap3A_153], %get3A_152 {strides = array<i32>} : memref<128xi32, #tpu.memory_space<vmem>>, vector<16xi32>,
      %get3A_155 = arith.index_cast %min3A_134 : i32 to index
      %get3A_156 = arith.constant 64 : index
      %get3A_157 = tpu.vector_load %arg7[%get3A_155, %get3A_156] {strides = array<i32>} : memref<40x128xi32, #tpu.memory_space<vmem>>, vector<16xi32>,
      %swap3A_158 = arith.constant 64 : index
      %swap3A_159 = tpu.vector_load %arg10[%swap3A_158] {strides = array<i32>} : memref<128xi32, #tpu.memory_space<vmem>>, vector<16xi32>,
      tpu.vector_store %arg10[%swap3A_158], %get3A_157 {strides = array<i32>} : memref<128xi32, #tpu.memory_space<vmem>>, vector<16xi32>,
      %get3A_160 = arith.index_cast %min3A_134 : i32 to index
      %get3A_161 = arith.constant 80 : index
      %get3A_162 = tpu.vector_load %arg7[%get3A_160, %get3A_161] {strides = array<i32>} : memref<40x128xi32, #tpu.memory_space<vmem>>, vector<16xi32>,
      %swap3A_163 = arith.constant 80 : index
      %swap3A_164 = tpu.vector_load %arg10[%swap3A_163] {strides = array<i32>} : memref<128xi32, #tpu.memory_space<vmem>>, vector<16xi32>,
      tpu.vector_store %arg10[%swap3A_163], %get3A_162 {strides = array<i32>} : memref<128xi32, #tpu.memory_space<vmem>>, vector<16xi32>,
      %get3A_165 = arith.index_cast %min3A_134 : i32 to index
      %get3A_166 = arith.constant 96 : index
      %get3A_167 = tpu.vector_load %arg7[%get3A_165, %get3A_166] {strides = array<i32>} : memref<40x128xi32, #tpu.memory_space<vmem>>, vector<16xi32>,
      %swap3A_168 = arith.constant 96 : index
      %swap3A_169 = tpu.vector_load %arg10[%swap3A_168] {strides = array<i32>} : memref<128xi32, #tpu.memory_space<vmem>>, vector<16xi32>,
      tpu.vector_store %arg10[%swap3A_168], %get3A_167 {strides = array<i32>} : memref<128xi32, #tpu.memory_space<vmem>>, vector<16xi32>,
      %get3A_170 = arith.index_cast %min3A_134 : i32 to index
      %get3A_171 = arith.constant 112 : index
      %get3A_172 = tpu.vector_load %arg7[%get3A_170, %get3A_171] {strides = array<i32>} : memref<40x128xi32, #tpu.memory_space<vmem>>, vector<16xi32>,
      %swap3A_173 = arith.constant 112 : index
      %swap3A_174 = tpu.vector_load %arg10[%swap3A_173] {strides = array<i32>} : memref<128xi32, #tpu.memory_space<vmem>>, vector<16xi32>,
      tpu.vector_store %arg10[%swap3A_173], %get3A_172 {strides = array<i32>} : memref<128xi32, #tpu.memory_space<vmem>>, vector<16xi32>,
      %dma_wait3A_175 = arith.constant 0 : i32
      %dma_wait3A_176 = arith.constant 0 : i32
      %dma_wait3A_177 = tpu.memref_slice %arg4[%dma_wait3A_175, %dma_wait3A_176] : memref<10000x128xf32, #tpu.memory_space<hbm>> -> memref<10000x128xf32, #tpu.memory_space<hbm>>
      tpu.wait_indirect_dma semaphore(%arg15 : memref<!tpu.dma_semaphore, #tpu.memory_space<semaphore_mem>>) src(%dma_wait3A_177 : memref<10000x128xf32, #tpu.memory_space<hbm>>) dst(%arg12 : memref<128x128xf32, #tpu.memory_space<vmem>>)
      %dma_start3A_178 = arith.constant 0 : i32
      %dma_start3A_179 = arith.constant 0 : i32
      %dma_start3A_180 = tpu.memref_slice %arg4[%dma_start3A_178, %dma_start3A_179] : memref<10000x128xf32, #tpu.memory_space<hbm>> -> memref<10000x128xf32, #tpu.memory_space<hbm>>
      tpu.enqueue_indirect_dma source(%dma_start3A_180 : memref<10000x128xf32, #tpu.memory_space<hbm>>) target(%arg13 : memref<128x128xf32, #tpu.memory_space<vmem>>) offsets(%arg10 : memref<128xi32, #tpu.memory_space<vmem>>) semaphore(%arg16 : memref<!tpu.dma_semaphore, #tpu.memory_space<semaphore_mem>>)
      %get3A_181 = arith.index_cast %add3A_131 : i32 to index
      %get3A_182 = arith.constant 0 : index
      %get3A_183 = tpu.vector_load %arg8[%get3A_181, %get3A_182] {strides = array<i32>} : memref<40x128xi32, #tpu.memory_space<vmem>>, vector<16xi32>,
      %swap3A_184 = arith.constant 0 : index
      %swap3A_185 = tpu.vector_load %arg11[%swap3A_184] {strides = array<i32>} : memref<128xi32, #tpu.memory_space<vmem>>, vector<16xi32>,
      tpu.vector_store %arg11[%swap3A_184], %get3A_183 {strides = array<i32>} : memref<128xi32, #tpu.memory_space<vmem>>, vector<16xi32>,
      %get3A_186 = arith.index_cast %add3A_131 : i32 to index
      %get3A_187 = arith.constant 16 : index
      %get3A_188 = tpu.vector_load %arg8[%get3A_186, %get3A_187] {strides = array<i32>} : memref<40x128xi32, #tpu.memory_space<vmem>>, vector<16xi32>,
      %swap3A_189 = arith.constant 16 : index
      %swap3A_190 = tpu.vector_load %arg11[%swap3A_189] {strides = array<i32>} : memref<128xi32, #tpu.memory_space<vmem>>, vector<16xi32>,
      tpu.vector_store %arg11[%swap3A_189], %get3A_188 {strides = array<i32>} : memref<128xi32, #tpu.memory_space<vmem>>, vector<16xi32>,
      %get3A_191 = arith.index_cast %add3A_131 : i32 to index
      %get3A_192 = arith.constant 32 : index
      %get3A_193 = tpu.vector_load %arg8[%get3A_191, %get3A_192] {strides = array<i32>} : memref<40x128xi32, #tpu.memory_space<vmem>>, vector<16xi32>,
      %swap3A_194 = arith.constant 32 : index
      %swap3A_195 = tpu.vector_load %arg11[%swap3A_194] {strides = array<i32>} : memref<128xi32, #tpu.memory_space<vmem>>, vector<16xi32>,
      tpu.vector_store %arg11[%swap3A_194], %get3A_193 {strides = array<i32>} : memref<128xi32, #tpu.memory_space<vmem>>, vector<16xi32>,
      %get3A_196 = arith.index_cast %add3A_131 : i32 to index
      %get3A_197 = arith.constant 48 : index
      %get3A_198 = tpu.vector_load %arg8[%get3A_196, %get3A_197] {strides = array<i32>} : memref<40x128xi32, #tpu.memory_space<vmem>>, vector<16xi32>,
      %swap3A_199 = arith.constant 48 : index
      %swap3A_200 = tpu.vector_load %arg11[%swap3A_199] {strides = array<i32>} : memref<128xi32, #tpu.memory_space<vmem>>, vector<16xi32>,
      tpu.vector_store %arg11[%swap3A_199], %get3A_198 {strides = array<i32>} : memref<128xi32, #tpu.memory_space<vmem>>, vector<16xi32>,
      %get3A_201 = arith.index_cast %add3A_131 : i32 to index
      %get3A_202 = arith.constant 64 : index
      %get3A_203 = tpu.vector_load %arg8[%get3A_201, %get3A_202] {strides = array<i32>} : memref<40x128xi32, #tpu.memory_space<vmem>>, vector<16xi32>,
      %swap3A_204 = arith.constant 64 : index
      %swap3A_205 = tpu.vector_load %arg11[%swap3A_204] {strides = array<i32>} : memref<128xi32, #tpu.memory_space<vmem>>, vector<16xi32>,
      tpu.vector_store %arg11[%swap3A_204], %get3A_203 {strides = array<i32>} : memref<128xi32, #tpu.memory_space<vmem>>, vector<16xi32>,
      %get3A_206 = arith.index_cast %add3A_131 : i32 to index
      %get3A_207 = arith.constant 80 : index
      %get3A_208 = tpu.vector_load %arg8[%get3A_206, %get3A_207] {strides = array<i32>} : memref<40x128xi32, #tpu.memory_space<vmem>>, vector<16xi32>,
      %swap3A_209 = arith.constant 80 : index
      %swap3A_210 = tpu.vector_load %arg11[%swap3A_209] {strides = array<i32>} : memref<128xi32, #tpu.memory_space<vmem>>, vector<16xi32>,
      tpu.vector_store %arg11[%swap3A_209], %get3A_208 {strides = array<i32>} : memref<128xi32, #tpu.memory_space<vmem>>, vector<16xi32>,
      %get3A_211 = arith.index_cast %add3A_131 : i32 to index
      %get3A_212 = arith.constant 96 : index
      %get3A_213 = tpu.vector_load %arg8[%get3A_211, %get3A_212] {strides = array<i32>} : memref<40x128xi32, #tpu.memory_space<vmem>>, vector<16xi32>,
      %swap3A_214 = arith.constant 96 : index
      %swap3A_215 = tpu.vector_load %arg11[%swap3A_214] {strides = array<i32>} : memref<128xi32, #tpu.memory_space<vmem>>, vector<16xi32>,
      tpu.vector_store %arg11[%swap3A_214], %get3A_213 {strides = array<i32>} : memref<128xi32, #tpu.memory_space<vmem>>, vector<16xi32>,
      %get3A_216 = arith.index_cast %add3A_131 : i32 to index
      %get3A_217 = arith.constant 112 : index
      %get3A_218 = tpu.vector_load %arg8[%get3A_216, %get3A_217] {strides = array<i32>} : memref<40x128xi32, #tpu.memory_space<vmem>>, vector<16xi32>,
      %swap3A_219 = arith.constant 112 : index
      %swap3A_220 = tpu.vector_load %arg11[%swap3A_219] {strides = array<i32>} : memref<128xi32, #tpu.memory_space<vmem>>, vector<16xi32>,
      tpu.vector_store %arg11[%swap3A_219], %get3A_218 {strides = array<i32>} : memref<128xi32, #tpu.memory_space<vmem>>, vector<16xi32>,
      "tpu.region"() ({
        %run_scoped3A = tpu.sem_alloc : memref<!tpu.dma_semaphore, #tpu.memory_space<semaphore_mem>>
        %dma_start3A_315 = arith.constant 0 : i32
        %dma_start3A_316 = arith.constant 0 : i32
        %dma_start3A_317 = tpu.memref_slice %arg14[%dma_start3A_315, %dma_start3A_316] : memref<10112x128xf32, #tpu.memory_space<vmem_shared>> -> memref<10112x128xf32, #tpu.memory_space<vmem_shared>>
        tpu.enqueue_indirect_dma source(%arg12 : memref<128x128xf32, #tpu.memory_space<vmem>>) target(%dma_start3A_317 : memref<10112x128xf32, #tpu.memory_space<vmem_shared>>) offsets(%arg11 : memref<128xi32, #tpu.memory_space<vmem>>) semaphore(%run_scoped3A : memref<!tpu.dma_semaphore, #tpu.memory_space<semaphore_mem>>) {add = true}
        %dma_wait3A_318 = arith.constant 0 : i32
        %dma_wait3A_319 = arith.constant 0 : i32
        %dma_wait3A_320 = tpu.memref_slice %arg14[%dma_wait3A_318, %dma_wait3A_319] : memref<10112x128xf32, #tpu.memory_space<vmem_shared>> -> memref<10112x128xf32, #tpu.memory_space<vmem_shared>>
        tpu.wait_indirect_dma semaphore(%run_scoped3A : memref<!tpu.dma_semaphore, #tpu.memory_space<semaphore_mem>>) src(%arg12 : memref<128x128xf32, #tpu.memory_space<vmem>>) dst(%dma_wait3A_320 : memref<10112x128xf32, #tpu.memory_space<vmem_shared>>)
        tpu.yield
      }) : () -> ()
      %mul3A_221 = arith.constant 2 : i32
      %mul3A_222 = arith.muli %mul3A_221, %scan3A_127 : i32
      %add3A_223 = arith.constant 1 : i32
      %add3A_224 = arith.addi %mul3A_222, %add3A_223 : i32
      %add3A_225 = arith.constant 1 : i32
      %add3A_226 = arith.addi %add3A_224, %add3A_225 : i32
      %min3A_227 = arith.constant 39 : i32
      %min3A_228 = arith.minsi %add3A_226, %min3A_227 : i32
      %get3A_229 = arith.index_cast %min3A_228 : i32 to index
      %get3A_230 = arith.constant 0 : index
      %get3A_231 = tpu.vector_load %arg7[%get3A_229, %get3A_230] {strides = array<i32>} : memref<40x128xi32, #tpu.memory_space<vmem>>, vector<16xi32>,
      %swap3A_232 = arith.constant 0 : index
      %swap3A_233 = tpu.vector_load %arg9[%swap3A_232] {strides = array<i32>} : memref<128xi32, #tpu.memory_space<vmem>>, vector<16xi32>,
      tpu.vector_store %arg9[%swap3A_232], %get3A_231 {strides = array<i32>} : memref<128xi32, #tpu.memory_space<vmem>>, vector<16xi32>,
      %get3A_234 = arith.index_cast %min3A_228 : i32 to index
      %get3A_235 = arith.constant 16 : index
      %get3A_236 = tpu.vector_load %arg7[%get3A_234, %get3A_235] {strides = array<i32>} : memref<40x128xi32, #tpu.memory_space<vmem>>, vector<16xi32>,
      %swap3A_237 = arith.constant 16 : index
      %swap3A_238 = tpu.vector_load %arg9[%swap3A_237] {strides = array<i32>} : memref<128xi32, #tpu.memory_space<vmem>>, vector<16xi32>,
      tpu.vector_store %arg9[%swap3A_237], %get3A_236 {strides = array<i32>} : memref<128xi32, #tpu.memory_space<vmem>>, vector<16xi32>,
      %get3A_239 = arith.index_cast %min3A_228 : i32 to index
      %get3A_240 = arith.constant 32 : index
      %get3A_241 = tpu.vector_load %arg7[%get3A_239, %get3A_240] {strides = array<i32>} : memref<40x128xi32, #tpu.memory_space<vmem>>, vector<16xi32>,
      %swap3A_242 = arith.constant 32 : index
      %swap3A_243 = tpu.vector_load %arg9[%swap3A_242] {strides = array<i32>} : memref<128xi32, #tpu.memory_space<vmem>>, vector<16xi32>,
      tpu.vector_store %arg9[%swap3A_242], %get3A_241 {strides = array<i32>} : memref<128xi32, #tpu.memory_space<vmem>>, vector<16xi32>,
      %get3A_244 = arith.index_cast %min3A_228 : i32 to index
      %get3A_245 = arith.constant 48 : index
      %get3A_246 = tpu.vector_load %arg7[%get3A_244, %get3A_245] {strides = array<i32>} : memref<40x128xi32, #tpu.memory_space<vmem>>, vector<16xi32>,
      %swap3A_247 = arith.constant 48 : index
      %swap3A_248 = tpu.vector_load %arg9[%swap3A_247] {strides = array<i32>} : memref<128xi32, #tpu.memory_space<vmem>>, vector<16xi32>,
      tpu.vector_store %arg9[%swap3A_247], %get3A_246 {strides = array<i32>} : memref<128xi32, #tpu.memory_space<vmem>>, vector<16xi32>,
      %get3A_249 = arith.index_cast %min3A_228 : i32 to index
      %get3A_250 = arith.constant 64 : index
      %get3A_251 = tpu.vector_load %arg7[%get3A_249, %get3A_250] {strides = array<i32>} : memref<40x128xi32, #tpu.memory_space<vmem>>, vector<16xi32>,
      %swap3A_252 = arith.constant 64 : index
      %swap3A_253 = tpu.vector_load %arg9[%swap3A_252] {strides = array<i32>} : memref<128xi32, #tpu.memory_space<vmem>>, vector<16xi32>,
      tpu.vector_store %arg9[%swap3A_252], %get3A_251 {strides = array<i32>} : memref<128xi32, #tpu.memory_space<vmem>>, vector<16xi32>,
      %get3A_254 = arith.index_cast %min3A_228 : i32 to index
      %get3A_255 = arith.constant 80 : index
      %get3A_256 = tpu.vector_load %arg7[%get3A_254, %get3A_255] {strides = array<i32>} : memref<40x128xi32, #tpu.memory_space<vmem>>, vector<16xi32>,
      %swap3A_257 = arith.constant 80 : index
      %swap3A_258 = tpu.vector_load %arg9[%swap3A_257] {strides = array<i32>} : memref<128xi32, #tpu.memory_space<vmem>>, vector<16xi32>,
      tpu.vector_store %arg9[%swap3A_257], %get3A_256 {strides = array<i32>} : memref<128xi32, #tpu.memory_space<vmem>>, vector<16xi32>,
      %get3A_259 = arith.index_cast %min3A_228 : i32 to index
      %get3A_260 = arith.constant 96 : index
      %get3A_261 = tpu.vector_load %arg7[%get3A_259, %get3A_260] {strides = array<i32>} : memref<40x128xi32, #tpu.memory_space<vmem>>, vector<16xi32>,
      %swap3A_262 = arith.constant 96 : index
      %swap3A_263 = tpu.vector_load %arg9[%swap3A_262] {strides = array<i32>} : memref<128xi32, #tpu.memory_space<vmem>>, vector<16xi32>,
      tpu.vector_store %arg9[%swap3A_262], %get3A_261 {strides = array<i32>} : memref<128xi32, #tpu.memory_space<vmem>>, vector<16xi32>,
      %get3A_264 = arith.index_cast %min3A_228 : i32 to index
      %get3A_265 = arith.constant 112 : index
      %get3A_266 = tpu.vector_load %arg7[%get3A_264, %get3A_265] {strides = array<i32>} : memref<40x128xi32, #tpu.memory_space<vmem>>, vector<16xi32>,
      %swap3A_267 = arith.constant 112 : index
      %swap3A_268 = tpu.vector_load %arg9[%swap3A_267] {strides = array<i32>} : memref<128xi32, #tpu.memory_space<vmem>>, vector<16xi32>,
      tpu.vector_store %arg9[%swap3A_267], %get3A_266 {strides = array<i32>} : memref<128xi32, #tpu.memory_space<vmem>>, vector<16xi32>,
      %dma_wait3A_269 = arith.constant 0 : i32
      %dma_wait3A_270 = arith.constant 0 : i32
      %dma_wait3A_271 = tpu.memref_slice %arg4[%dma_wait3A_269, %dma_wait3A_270] : memref<10000x128xf32, #tpu.memory_space<hbm>> -> memref<10000x128xf32, #tpu.memory_space<hbm>>
      tpu.wait_indirect_dma semaphore(%arg16 : memref<!tpu.dma_semaphore, #tpu.memory_space<semaphore_mem>>) src(%dma_wait3A_271 : memref<10000x128xf32, #tpu.memory_space<hbm>>) dst(%arg13 : memref<128x128xf32, #tpu.memory_space<vmem>>)
      %dma_start3A_272 = arith.constant 0 : i32
      %dma_start3A_273 = arith.constant 0 : i32
      %dma_start3A_274 = tpu.memref_slice %arg4[%dma_start3A_272, %dma_start3A_273] : memref<10000x128xf32, #tpu.memory_space<hbm>> -> memref<10000x128xf32, #tpu.memory_space<hbm>>
      tpu.enqueue_indirect_dma source(%dma_start3A_274 : memref<10000x128xf32, #tpu.memory_space<hbm>>) target(%arg12 : memref<128x128xf32, #tpu.memory_space<vmem>>) offsets(%arg9 : memref<128xi32, #tpu.memory_space<vmem>>) semaphore(%arg15 : memref<!tpu.dma_semaphore, #tpu.memory_space<semaphore_mem>>)
      %get3A_275 = arith.index_cast %add3A_224 : i32 to index
      %get3A_276 = arith.constant 0 : index
      %get3A_277 = tpu.vector_load %arg8[%get3A_275, %get3A_276] {strides = array<i32>} : memref<40x128xi32, #tpu.memory_space<vmem>>, vector<16xi32>,
      %swap3A_278 = arith.constant 0 : index
      %swap3A_279 = tpu.vector_load %arg11[%swap3A_278] {strides = array<i32>} : memref<128xi32, #tpu.memory_space<vmem>>, vector<16xi32>,
      tpu.vector_store %arg11[%swap3A_278], %get3A_277 {strides = array<i32>} : memref<128xi32, #tpu.memory_space<vmem>>, vector<16xi32>,
      %get3A_280 = arith.index_cast %add3A_224 : i32 to index
      %get3A_281 = arith.constant 16 : index
      %get3A_282 = tpu.vector_load %arg8[%get3A_280, %get3A_281] {strides = array<i32>} : memref<40x128xi32, #tpu.memory_space<vmem>>, vector<16xi32>,
      %swap3A_283 = arith.constant 16 : index
      %swap3A_284 = tpu.vector_load %arg11[%swap3A_283] {strides = array<i32>} : memref<128xi32, #tpu.memory_space<vmem>>, vector<16xi32>,
      tpu.vector_store %arg11[%swap3A_283], %get3A_282 {strides = array<i32>} : memref<128xi32, #tpu.memory_space<vmem>>, vector<16xi32>,
      %get3A_285 = arith.index_cast %add3A_224 : i32 to index
      %get3A_286 = arith.constant 32 : index
      %get3A_287 = tpu.vector_load %arg8[%get3A_285, %get3A_286] {strides = array<i32>} : memref<40x128xi32, #tpu.memory_space<vmem>>, vector<16xi32>,
      %swap3A_288 = arith.constant 32 : index
      %swap3A_289 = tpu.vector_load %arg11[%swap3A_288] {strides = array<i32>} : memref<128xi32, #tpu.memory_space<vmem>>, vector<16xi32>,
      tpu.vector_store %arg11[%swap3A_288], %get3A_287 {strides = array<i32>} : memref<128xi32, #tpu.memory_space<vmem>>, vector<16xi32>,
      %get3A_290 = arith.index_cast %add3A_224 : i32 to index
      %get3A_291 = arith.constant 48 : index
      %get3A_292 = tpu.vector_load %arg8[%get3A_290, %get3A_291] {strides = array<i32>} : memref<40x128xi32, #tpu.memory_space<vmem>>, vector<16xi32>,
      %swap3A_293 = arith.constant 48 : index
      %swap3A_294 = tpu.vector_load %arg11[%swap3A_293] {strides = array<i32>} : memref<128xi32, #tpu.memory_space<vmem>>, vector<16xi32>,
      tpu.vector_store %arg11[%swap3A_293], %get3A_292 {strides = array<i32>} : memref<128xi32, #tpu.memory_space<vmem>>, vector<16xi32>,
      %get3A_295 = arith.index_cast %add3A_224 : i32 to index
      %get3A_296 = arith.constant 64 : index
      %get3A_297 = tpu.vector_load %arg8[%get3A_295, %get3A_296] {strides = array<i32>} : memref<40x128xi32, #tpu.memory_space<vmem>>, vector<16xi32>,
      %swap3A_298 = arith.constant 64 : index
      %swap3A_299 = tpu.vector_load %arg11[%swap3A_298] {strides = array<i32>} : memref<128xi32, #tpu.memory_space<vmem>>, vector<16xi32>,
      tpu.vector_store %arg11[%swap3A_298], %get3A_297 {strides = array<i32>} : memref<128xi32, #tpu.memory_space<vmem>>, vector<16xi32>,
      %get3A_300 = arith.index_cast %add3A_224 : i32 to index
      %get3A_301 = arith.constant 80 : index
      %get3A_302 = tpu.vector_load %arg8[%get3A_300, %get3A_301] {strides = array<i32>} : memref<40x128xi32, #tpu.memory_space<vmem>>, vector<16xi32>,
      %swap3A_303 = arith.constant 80 : index
      %swap3A_304 = tpu.vector_load %arg11[%swap3A_303] {strides = array<i32>} : memref<128xi32, #tpu.memory_space<vmem>>, vector<16xi32>,
      tpu.vector_store %arg11[%swap3A_303], %get3A_302 {strides = array<i32>} : memref<128xi32, #tpu.memory_space<vmem>>, vector<16xi32>,
      %get3A_305 = arith.index_cast %add3A_224 : i32 to index
      %get3A_306 = arith.constant 96 : index
      %get3A_307 = tpu.vector_load %arg8[%get3A_305, %get3A_306] {strides = array<i32>} : memref<40x128xi32, #tpu.memory_space<vmem>>, vector<16xi32>,
      %swap3A_308 = arith.constant 96 : index
      %swap3A_309 = tpu.vector_load %arg11[%swap3A_308] {strides = array<i32>} : memref<128xi32, #tpu.memory_space<vmem>>, vector<16xi32>,
      tpu.vector_store %arg11[%swap3A_308], %get3A_307 {strides = array<i32>} : memref<128xi32, #tpu.memory_space<vmem>>, vector<16xi32>,
      %get3A_310 = arith.index_cast %add3A_224 : i32 to index
      %get3A_311 = arith.constant 112 : index
      %get3A_312 = tpu.vector_load %arg8[%get3A_310, %get3A_311] {strides = array<i32>} : memref<40x128xi32, #tpu.memory_space<vmem>>, vector<16xi32>,
      %swap3A_313 = arith.constant 112 : index
      %swap3A_314 = tpu.vector_load %arg11[%swap3A_313] {strides = array<i32>} : memref<128xi32, #tpu.memory_space<vmem>>, vector<16xi32>,
      tpu.vector_store %arg11[%swap3A_313], %get3A_312 {strides = array<i32>} : memref<128xi32, #tpu.memory_space<vmem>>, vector<16xi32>,
      "tpu.region"() ({
        %run_scoped3A = tpu.sem_alloc : memref<!tpu.dma_semaphore, #tpu.memory_space<semaphore_mem>>
        %dma_start3A_315 = arith.constant 0 : i32
        %dma_start3A_316 = arith.constant 0 : i32
        %dma_start3A_317 = tpu.memref_slice %arg14[%dma_start3A_315, %dma_start3A_316] : memref<10112x128xf32, #tpu.memory_space<vmem_shared>> -> memref<10112x128xf32, #tpu.memory_space<vmem_shared>>
        tpu.enqueue_indirect_dma source(%arg13 : memref<128x128xf32, #tpu.memory_space<vmem>>) target(%dma_start3A_317 : memref<10112x128xf32, #tpu.memory_space<vmem_shared>>) offsets(%arg11 : memref<128xi32, #tpu.memory_space<vmem>>) semaphore(%run_scoped3A : memref<!tpu.dma_semaphore, #tpu.memory_space<semaphore_mem>>) {add = true}
        %dma_wait3A_318 = arith.constant 0 : i32
        %dma_wait3A_319 = arith.constant 0 : i32
        %dma_wait3A_320 = tpu.memref_slice %arg14[%dma_wait3A_318, %dma_wait3A_319] : memref<10112x128xf32, #tpu.memory_space<vmem_shared>> -> memref<10112x128xf32, #tpu.memory_space<vmem_shared>>
        tpu.wait_indirect_dma semaphore(%run_scoped3A : memref<!tpu.dma_semaphore, #tpu.memory_space<semaphore_mem>>) src(%arg13 : memref<128x128xf32, #tpu.memory_space<vmem>>) dst(%dma_wait3A_320 : memref<10112x128xf32, #tpu.memory_space<vmem_shared>>)
        tpu.yield
      }) : () -> ()
    }
    %scan3A_59 = arith.constant 20 : i32
    %dma_wait3A = arith.constant 0 : i32
    %dma_wait3A_60 = arith.constant 0 : i32
    %dma_wait3A_61 = tpu.memref_slice %arg4[%dma_wait3A, %dma_wait3A_60] : memref<10000x128xf32, #tpu.memory_space<hbm>> -> memref<10000x128xf32, #tpu.memory_space<hbm>>
    tpu.wait_indirect_dma semaphore(%arg15 : memref<!tpu.dma_semaphore, #tpu.memory_space<semaphore_mem>>) src(%dma_wait3A_61 : memref<10000x128xf32, #tpu.memory_space<hbm>>) dst(%arg12 : memref<128x128xf32, #tpu.memory_space<vmem>>)
    %mul3A_62 = arith.constant 80 : i32
    %mul3A_63 = arith.muli %add3A, %mul3A_62 : i32
    %add3A_64 = arith.constant 40 : i32
    %add3A_65 = arith.addi %mul3A_63, %add3A_64 : i32
    "tpu.region"() ({
      %run_scoped3A = tpu.sem_alloc : memref<!tpu.dma_semaphore, #tpu.memory_space<semaphore_mem>>
      %dma_start3A_127 = arith.constant 0 : i32
      %dma_start3A_128 = tpu.memref_slice %arg2[%add3A_65, %dma_start3A_127] : memref<2560x128xi32, #tpu.memory_space<hbm>> -> memref<40x128xi32, #tpu.memory_space<hbm>>
      %dma_start3A_129 = arith.constant 0 : i32
      %dma_start3A_130 = tpu.memref_slice %arg2[%add3A_65, %dma_start3A_129] : memref<2560x128xi32, #tpu.memory_space<hbm>> -> memref<40x128xi32, #tpu.memory_space<hbm>>
      tpu.enqueue_dma source(%dma_start3A_130 : memref<40x128xi32, #tpu.memory_space<hbm>>) target(%arg7 : memref<40x128xi32, #tpu.memory_space<vmem>>) target_semaphore(%run_scoped3A : memref<!tpu.dma_semaphore, #tpu.memory_space<semaphore_mem>>)
      %dma_wait3A_131 = arith.constant 0 : i32
      %dma_wait3A_132 = tpu.memref_slice %arg2[%add3A_65, %dma_wait3A_131] : memref<2560x128xi32, #tpu.memory_space<hbm>> -> memref<40x128xi32, #tpu.memory_space<hbm>>
      %dma_wait3A_133 = arith.constant 0 : i32
      %dma_wait3A_134 = tpu.memref_slice %arg2[%add3A_65, %dma_wait3A_133] : memref<2560x128xi32, #tpu.memory_space<hbm>> -> memref<40x128xi32, #tpu.memory_space<hbm>>
      tpu.wait_dma2 semaphore(%run_scoped3A : memref<!tpu.dma_semaphore, #tpu.memory_space<semaphore_mem>>) src(%dma_wait3A_134 : memref<40x128xi32, #tpu.memory_space<hbm>>) dst(%arg7 : memref<40x128xi32, #tpu.memory_space<vmem>>)
      tpu.yield
    }) : () -> ()
    "tpu.region"() ({
      %run_scoped3A = tpu.sem_alloc : memref<!tpu.dma_semaphore, #tpu.memory_space<semaphore_mem>>
      %dma_start3A_127 = arith.constant 0 : i32
      %dma_start3A_128 = tpu.memref_slice %arg3[%add3A_65, %dma_start3A_127] : memref<2560x128xi32, #tpu.memory_space<hbm>> -> memref<40x128xi32, #tpu.memory_space<hbm>>
      %dma_start3A_129 = arith.constant 0 : i32
      %dma_start3A_130 = tpu.memref_slice %arg3[%add3A_65, %dma_start3A_129] : memref<2560x128xi32, #tpu.memory_space<hbm>> -> memref<40x128xi32, #tpu.memory_space<hbm>>
      tpu.enqueue_dma source(%dma_start3A_130 : memref<40x128xi32, #tpu.memory_space<hbm>>) target(%arg8 : memref<40x128xi32, #tpu.memory_space<vmem>>) target_semaphore(%run_scoped3A : memref<!tpu.dma_semaphore, #tpu.memory_space<semaphore_mem>>)
      %dma_wait3A_131 = arith.constant 0 : i32
      %dma_wait3A_132 = tpu.memref_slice %arg3[%add3A_65, %dma_wait3A_131] : memref<2560x128xi32, #tpu.memory_space<hbm>> -> memref<40x128xi32, #tpu.memory_space<hbm>>
      %dma_wait3A_133 = arith.constant 0 : i32
      %dma_wait3A_134 = tpu.memref_slice %arg3[%add3A_65, %dma_wait3A_133] : memref<2560x128xi32, #tpu.memory_space<hbm>> -> memref<40x128xi32, #tpu.memory_space<hbm>>
      tpu.wait_dma2 semaphore(%run_scoped3A : memref<!tpu.dma_semaphore, #tpu.memory_space<semaphore_mem>>) src(%dma_wait3A_134 : memref<40x128xi32, #tpu.memory_space<hbm>>) dst(%arg8 : memref<40x128xi32, #tpu.memory_space<vmem>>)
      tpu.yield
    }) : () -> ()
    %get3A_66 = arith.constant 0 : i32
    %get3A_67 = arith.index_cast %get3A_66 : i32 to index
    %get3A_68 = arith.constant 0 : index
    %get3A_69 = tpu.vector_load %arg7[%get3A_67, %get3A_68] {strides = array<i32>} : memref<40x128xi32, #tpu.memory_space<vmem>>, vector<16xi32>,
    %swap3A_70 = arith.constant 0 : index
    %swap3A_71 = tpu.vector_load %arg9[%swap3A_70] {strides = array<i32>} : memref<128xi32, #tpu.memory_space<vmem>>, vector<16xi32>,
    tpu.vector_store %arg9[%swap3A_70], %get3A_69 {strides = array<i32>} : memref<128xi32, #tpu.memory_space<vmem>>, vector<16xi32>,
    %get3A_72 = arith.constant 0 : i32
    %get3A_73 = arith.index_cast %get3A_72 : i32 to index
    %get3A_74 = arith.constant 16 : index
    %get3A_75 = tpu.vector_load %arg7[%get3A_73, %get3A_74] {strides = array<i32>} : memref<40x128xi32, #tpu.memory_space<vmem>>, vector<16xi32>,
    %swap3A_76 = arith.constant 16 : index
    %swap3A_77 = tpu.vector_load %arg9[%swap3A_76] {strides = array<i32>} : memref<128xi32, #tpu.memory_space<vmem>>, vector<16xi32>,
    tpu.vector_store %arg9[%swap3A_76], %get3A_75 {strides = array<i32>} : memref<128xi32, #tpu.memory_space<vmem>>, vector<16xi32>,
    %get3A_78 = arith.constant 0 : i32
    %get3A_79 = arith.index_cast %get3A_78 : i32 to index
    %get3A_80 = arith.constant 32 : index
    %get3A_81 = tpu.vector_load %arg7[%get3A_79, %get3A_80] {strides = array<i32>} : memref<40x128xi32, #tpu.memory_space<vmem>>, vector<16xi32>,
    %swap3A_82 = arith.constant 32 : index
    %swap3A_83 = tpu.vector_load %arg9[%swap3A_82] {strides = array<i32>} : memref<128xi32, #tpu.memory_space<vmem>>, vector<16xi32>,
    tpu.vector_store %arg9[%swap3A_82], %get3A_81 {strides = array<i32>} : memref<128xi32, #tpu.memory_space<vmem>>, vector<16xi32>,
    %get3A_84 = arith.constant 0 : i32
    %get3A_85 = arith.index_cast %get3A_84 : i32 to index
    %get3A_86 = arith.constant 48 : index
    %get3A_87 = tpu.vector_load %arg7[%get3A_85, %get3A_86] {strides = array<i32>} : memref<40x128xi32, #tpu.memory_space<vmem>>, vector<16xi32>,
    %swap3A_88 = arith.constant 48 : index
    %swap3A_89 = tpu.vector_load %arg9[%swap3A_88] {strides = array<i32>} : memref<128xi32, #tpu.memory_space<vmem>>, vector<16xi32>,
    tpu.vector_store %arg9[%swap3A_88], %get3A_87 {strides = array<i32>} : memref<128xi32, #tpu.memory_space<vmem>>, vector<16xi32>,
    %get3A_90 = arith.constant 0 : i32
    %get3A_91 = arith.index_cast %get3A_90 : i32 to index
    %get3A_92 = arith.constant 64 : index
    %get3A_93 = tpu.vector_load %arg7[%get3A_91, %get3A_92] {strides = array<i32>} : memref<40x128xi32, #tpu.memory_space<vmem>>, vector<16xi32>,
    %swap3A_94 = arith.constant 64 : index
    %swap3A_95 = tpu.vector_load %arg9[%swap3A_94] {strides = array<i32>} : memref<128xi32, #tpu.memory_space<vmem>>, vector<16xi32>,
    tpu.vector_store %arg9[%swap3A_94], %get3A_93 {strides = array<i32>} : memref<128xi32, #tpu.memory_space<vmem>>, vector<16xi32>,
    %get3A_96 = arith.constant 0 : i32
    %get3A_97 = arith.index_cast %get3A_96 : i32 to index
    %get3A_98 = arith.constant 80 : index
    %get3A_99 = tpu.vector_load %arg7[%get3A_97, %get3A_98] {strides = array<i32>} : memref<40x128xi32, #tpu.memory_space<vmem>>, vector<16xi32>,
    %swap3A_100 = arith.constant 80 : index
    %swap3A_101 = tpu.vector_load %arg9[%swap3A_100] {strides = array<i32>} : memref<128xi32, #tpu.memory_space<vmem>>, vector<16xi32>,
    tpu.vector_store %arg9[%swap3A_100], %get3A_99 {strides = array<i32>} : memref<128xi32, #tpu.memory_space<vmem>>, vector<16xi32>,
    %get3A_102 = arith.constant 0 : i32
    %get3A_103 = arith.index_cast %get3A_102 : i32 to index
    %get3A_104 = arith.constant 96 : index
    %get3A_105 = tpu.vector_load %arg7[%get3A_103, %get3A_104] {strides = array<i32>} : memref<40x128xi32, #tpu.memory_space<vmem>>, vector<16xi32>,
    %swap3A_106 = arith.constant 96 : index
    %swap3A_107 = tpu.vector_load %arg9[%swap3A_106] {strides = array<i32>} : memref<128xi32, #tpu.memory_space<vmem>>, vector<16xi32>,
    tpu.vector_store %arg9[%swap3A_106], %get3A_105 {strides = array<i32>} : memref<128xi32, #tpu.memory_space<vmem>>, vector<16xi32>,
    %get3A_108 = arith.constant 0 : i32
    %get3A_109 = arith.index_cast %get3A_108 : i32 to index
    %get3A_110 = arith.constant 112 : index
    %get3A_111 = tpu.vector_load %arg7[%get3A_109, %get3A_110] {strides = array<i32>} : memref<40x128xi32, #tpu.memory_space<vmem>>, vector<16xi32>,
    %swap3A_112 = arith.constant 112 : index
    %swap3A_113 = tpu.vector_load %arg9[%swap3A_112] {strides = array<i32>} : memref<128xi32, #tpu.memory_space<vmem>>, vector<16xi32>,
    tpu.vector_store %arg9[%swap3A_112], %get3A_111 {strides = array<i32>} : memref<128xi32, #tpu.memory_space<vmem>>, vector<16xi32>,
    %dma_start3A_114 = arith.constant 0 : i32
    %dma_start3A_115 = arith.constant 0 : i32
    %dma_start3A_116 = tpu.memref_slice %arg4[%dma_start3A_114, %dma_start3A_115] : memref<10000x128xf32, #tpu.memory_space<hbm>> -> memref<10000x128xf32, #tpu.memory_space<hbm>>
    tpu.enqueue_indirect_dma source(%dma_start3A_116 : memref<10000x128xf32, #tpu.memory_space<hbm>>) target(%arg12 : memref<128x128xf32, #tpu.memory_space<vmem>>) offsets(%arg9 : memref<128xi32, #tpu.memory_space<vmem>>) semaphore(%arg15 : memref<!tpu.dma_semaphore, #tpu.memory_space<semaphore_mem>>)
    %scan3A_117 = arith.constant 0 : i32
    %scan3A_118 = arith.constant 0 : i32
    %scan3A_119 = arith.constant 20 : i32
    %scan3A_120 = arith.addi %scan3A_118, %scan3A_119 : i32
    %scan3A_121 = arith.constant 1 : i32
    scf.for %scan3A_127 = %scan3A_118 to %scan3A_120 step %scan3A_121  : i32 {
      %mul3A_128 = arith.constant 2 : i32
      %mul3A_129 = arith.muli %mul3A_128, %scan3A_127 : i32
      %add3A_130 = arith.constant 0 : i32
      %add3A_131 = arith.addi %mul3A_129, %add3A_130 : i32
      %add3A_132 = arith.constant 1 : i32
      %add3A_133 = arith.addi %add3A_131, %add3A_132 : i32
      %min3A = arith.constant 39 : i32
      %min3A_134 = arith.minsi %add3A_133, %min3A : i32
      %get3A_135 = arith.index_cast %min3A_134 : i32 to index
      %get3A_136 = arith.constant 0 : index
      %get3A_137 = tpu.vector_load %arg7[%get3A_135, %get3A_136] {strides = array<i32>} : memref<40x128xi32, #tpu.memory_space<vmem>>, vector<16xi32>,
      %swap3A_138 = arith.constant 0 : index
      %swap3A_139 = tpu.vector_load %arg10[%swap3A_138] {strides = array<i32>} : memref<128xi32, #tpu.memory_space<vmem>>, vector<16xi32>,
      tpu.vector_store %arg10[%swap3A_138], %get3A_137 {strides = array<i32>} : memref<128xi32, #tpu.memory_space<vmem>>, vector<16xi32>,
      %get3A_140 = arith.index_cast %min3A_134 : i32 to index
      %get3A_141 = arith.constant 16 : index
      %get3A_142 = tpu.vector_load %arg7[%get3A_140, %get3A_141] {strides = array<i32>} : memref<40x128xi32, #tpu.memory_space<vmem>>, vector<16xi32>,
      %swap3A_143 = arith.constant 16 : index
      %swap3A_144 = tpu.vector_load %arg10[%swap3A_143] {strides = array<i32>} : memref<128xi32, #tpu.memory_space<vmem>>, vector<16xi32>,
      tpu.vector_store %arg10[%swap3A_143], %get3A_142 {strides = array<i32>} : memref<128xi32, #tpu.memory_space<vmem>>, vector<16xi32>,
      %get3A_145 = arith.index_cast %min3A_134 : i32 to index
      %get3A_146 = arith.constant 32 : index
      %get3A_147 = tpu.vector_load %arg7[%get3A_145, %get3A_146] {strides = array<i32>} : memref<40x128xi32, #tpu.memory_space<vmem>>, vector<16xi32>,
      %swap3A_148 = arith.constant 32 : index
      %swap3A_149 = tpu.vector_load %arg10[%swap3A_148] {strides = array<i32>} : memref<128xi32, #tpu.memory_space<vmem>>, vector<16xi32>,
      tpu.vector_store %arg10[%swap3A_148], %get3A_147 {strides = array<i32>} : memref<128xi32, #tpu.memory_space<vmem>>, vector<16xi32>,
      %get3A_150 = arith.index_cast %min3A_134 : i32 to index
      %get3A_151 = arith.constant 48 : index
      %get3A_152 = tpu.vector_load %arg7[%get3A_150, %get3A_151] {strides = array<i32>} : memref<40x128xi32, #tpu.memory_space<vmem>>, vector<16xi32>,
      %swap3A_153 = arith.constant 48 : index
      %swap3A_154 = tpu.vector_load %arg10[%swap3A_153] {strides = array<i32>} : memref<128xi32, #tpu.memory_space<vmem>>, vector<16xi32>,
      tpu.vector_store %arg10[%swap3A_153], %get3A_152 {strides = array<i32>} : memref<128xi32, #tpu.memory_space<vmem>>, vector<16xi32>,
      %get3A_155 = arith.index_cast %min3A_134 : i32 to index
      %get3A_156 = arith.constant 64 : index
      %get3A_157 = tpu.vector_load %arg7[%get3A_155, %get3A_156] {strides = array<i32>} : memref<40x128xi32, #tpu.memory_space<vmem>>, vector<16xi32>,
      %swap3A_158 = arith.constant 64 : index
      %swap3A_159 = tpu.vector_load %arg10[%swap3A_158] {strides = array<i32>} : memref<128xi32, #tpu.memory_space<vmem>>, vector<16xi32>,
      tpu.vector_store %arg10[%swap3A_158], %get3A_157 {strides = array<i32>} : memref<128xi32, #tpu.memory_space<vmem>>, vector<16xi32>,
      %get3A_160 = arith.index_cast %min3A_134 : i32 to index
      %get3A_161 = arith.constant 80 : index
      %get3A_162 = tpu.vector_load %arg7[%get3A_160, %get3A_161] {strides = array<i32>} : memref<40x128xi32, #tpu.memory_space<vmem>>, vector<16xi32>,
      %swap3A_163 = arith.constant 80 : index
      %swap3A_164 = tpu.vector_load %arg10[%swap3A_163] {strides = array<i32>} : memref<128xi32, #tpu.memory_space<vmem>>, vector<16xi32>,
      tpu.vector_store %arg10[%swap3A_163], %get3A_162 {strides = array<i32>} : memref<128xi32, #tpu.memory_space<vmem>>, vector<16xi32>,
      %get3A_165 = arith.index_cast %min3A_134 : i32 to index
      %get3A_166 = arith.constant 96 : index
      %get3A_167 = tpu.vector_load %arg7[%get3A_165, %get3A_166] {strides = array<i32>} : memref<40x128xi32, #tpu.memory_space<vmem>>, vector<16xi32>,
      %swap3A_168 = arith.constant 96 : index
      %swap3A_169 = tpu.vector_load %arg10[%swap3A_168] {strides = array<i32>} : memref<128xi32, #tpu.memory_space<vmem>>, vector<16xi32>,
      tpu.vector_store %arg10[%swap3A_168], %get3A_167 {strides = array<i32>} : memref<128xi32, #tpu.memory_space<vmem>>, vector<16xi32>,
      %get3A_170 = arith.index_cast %min3A_134 : i32 to index
      %get3A_171 = arith.constant 112 : index
      %get3A_172 = tpu.vector_load %arg7[%get3A_170, %get3A_171] {strides = array<i32>} : memref<40x128xi32, #tpu.memory_space<vmem>>, vector<16xi32>,
      %swap3A_173 = arith.constant 112 : index
      %swap3A_174 = tpu.vector_load %arg10[%swap3A_173] {strides = array<i32>} : memref<128xi32, #tpu.memory_space<vmem>>, vector<16xi32>,
      tpu.vector_store %arg10[%swap3A_173], %get3A_172 {strides = array<i32>} : memref<128xi32, #tpu.memory_space<vmem>>, vector<16xi32>,
      %dma_wait3A_175 = arith.constant 0 : i32
      %dma_wait3A_176 = arith.constant 0 : i32
      %dma_wait3A_177 = tpu.memref_slice %arg4[%dma_wait3A_175, %dma_wait3A_176] : memref<10000x128xf32, #tpu.memory_space<hbm>> -> memref<10000x128xf32, #tpu.memory_space<hbm>>
      tpu.wait_indirect_dma semaphore(%arg15 : memref<!tpu.dma_semaphore, #tpu.memory_space<semaphore_mem>>) src(%dma_wait3A_177 : memref<10000x128xf32, #tpu.memory_space<hbm>>) dst(%arg12 : memref<128x128xf32, #tpu.memory_space<vmem>>)
      %dma_start3A_178 = arith.constant 0 : i32
      %dma_start3A_179 = arith.constant 0 : i32
      %dma_start3A_180 = tpu.memref_slice %arg4[%dma_start3A_178, %dma_start3A_179] : memref<10000x128xf32, #tpu.memory_space<hbm>> -> memref<10000x128xf32, #tpu.memory_space<hbm>>
      tpu.enqueue_indirect_dma source(%dma_start3A_180 : memref<10000x128xf32, #tpu.memory_space<hbm>>) target(%arg13 : memref<128x128xf32, #tpu.memory_space<vmem>>) offsets(%arg10 : memref<128xi32, #tpu.memory_space<vmem>>) semaphore(%arg16 : memref<!tpu.dma_semaphore, #tpu.memory_space<semaphore_mem>>)
      %get3A_181 = arith.index_cast %add3A_131 : i32 to index
      %get3A_182 = arith.constant 0 : index
      %get3A_183 = tpu.vector_load %arg8[%get3A_181, %get3A_182] {strides = array<i32>} : memref<40x128xi32, #tpu.memory_space<vmem>>, vector<16xi32>,
      %swap3A_184 = arith.constant 0 : index
      %swap3A_185 = tpu.vector_load %arg11[%swap3A_184] {strides = array<i32>} : memref<128xi32, #tpu.memory_space<vmem>>, vector<16xi32>,
      tpu.vector_store %arg11[%swap3A_184], %get3A_183 {strides = array<i32>} : memref<128xi32, #tpu.memory_space<vmem>>, vector<16xi32>,
      %get3A_186 = arith.index_cast %add3A_131 : i32 to index
      %get3A_187 = arith.constant 16 : index
      %get3A_188 = tpu.vector_load %arg8[%get3A_186, %get3A_187] {strides = array<i32>} : memref<40x128xi32, #tpu.memory_space<vmem>>, vector<16xi32>,
      %swap3A_189 = arith.constant 16 : index
      %swap3A_190 = tpu.vector_load %arg11[%swap3A_189] {strides = array<i32>} : memref<128xi32, #tpu.memory_space<vmem>>, vector<16xi32>,
      tpu.vector_store %arg11[%swap3A_189], %get3A_188 {strides = array<i32>} : memref<128xi32, #tpu.memory_space<vmem>>, vector<16xi32>,
      %get3A_191 = arith.index_cast %add3A_131 : i32 to index
      %get3A_192 = arith.constant 32 : index
      %get3A_193 = tpu.vector_load %arg8[%get3A_191, %get3A_192] {strides = array<i32>} : memref<40x128xi32, #tpu.memory_space<vmem>>, vector<16xi32>,
      %swap3A_194 = arith.constant 32 : index
      %swap3A_195 = tpu.vector_load %arg11[%swap3A_194] {strides = array<i32>} : memref<128xi32, #tpu.memory_space<vmem>>, vector<16xi32>,
      tpu.vector_store %arg11[%swap3A_194], %get3A_193 {strides = array<i32>} : memref<128xi32, #tpu.memory_space<vmem>>, vector<16xi32>,
      %get3A_196 = arith.index_cast %add3A_131 : i32 to index
      %get3A_197 = arith.constant 48 : index
      %get3A_198 = tpu.vector_load %arg8[%get3A_196, %get3A_197] {strides = array<i32>} : memref<40x128xi32, #tpu.memory_space<vmem>>, vector<16xi32>,
      %swap3A_199 = arith.constant 48 : index
      %swap3A_200 = tpu.vector_load %arg11[%swap3A_199] {strides = array<i32>} : memref<128xi32, #tpu.memory_space<vmem>>, vector<16xi32>,
      tpu.vector_store %arg11[%swap3A_199], %get3A_198 {strides = array<i32>} : memref<128xi32, #tpu.memory_space<vmem>>, vector<16xi32>,
      %get3A_201 = arith.index_cast %add3A_131 : i32 to index
      %get3A_202 = arith.constant 64 : index
      %get3A_203 = tpu.vector_load %arg8[%get3A_201, %get3A_202] {strides = array<i32>} : memref<40x128xi32, #tpu.memory_space<vmem>>, vector<16xi32>,
      %swap3A_204 = arith.constant 64 : index
      %swap3A_205 = tpu.vector_load %arg11[%swap3A_204] {strides = array<i32>} : memref<128xi32, #tpu.memory_space<vmem>>, vector<16xi32>,
      tpu.vector_store %arg11[%swap3A_204], %get3A_203 {strides = array<i32>} : memref<128xi32, #tpu.memory_space<vmem>>, vector<16xi32>,
      %get3A_206 = arith.index_cast %add3A_131 : i32 to index
      %get3A_207 = arith.constant 80 : index
      %get3A_208 = tpu.vector_load %arg8[%get3A_206, %get3A_207] {strides = array<i32>} : memref<40x128xi32, #tpu.memory_space<vmem>>, vector<16xi32>,
      %swap3A_209 = arith.constant 80 : index
      %swap3A_210 = tpu.vector_load %arg11[%swap3A_209] {strides = array<i32>} : memref<128xi32, #tpu.memory_space<vmem>>, vector<16xi32>,
      tpu.vector_store %arg11[%swap3A_209], %get3A_208 {strides = array<i32>} : memref<128xi32, #tpu.memory_space<vmem>>, vector<16xi32>,
      %get3A_211 = arith.index_cast %add3A_131 : i32 to index
      %get3A_212 = arith.constant 96 : index
      %get3A_213 = tpu.vector_load %arg8[%get3A_211, %get3A_212] {strides = array<i32>} : memref<40x128xi32, #tpu.memory_space<vmem>>, vector<16xi32>,
      %swap3A_214 = arith.constant 96 : index
      %swap3A_215 = tpu.vector_load %arg11[%swap3A_214] {strides = array<i32>} : memref<128xi32, #tpu.memory_space<vmem>>, vector<16xi32>,
      tpu.vector_store %arg11[%swap3A_214], %get3A_213 {strides = array<i32>} : memref<128xi32, #tpu.memory_space<vmem>>, vector<16xi32>,
      %get3A_216 = arith.index_cast %add3A_131 : i32 to index
      %get3A_217 = arith.constant 112 : index
      %get3A_218 = tpu.vector_load %arg8[%get3A_216, %get3A_217] {strides = array<i32>} : memref<40x128xi32, #tpu.memory_space<vmem>>, vector<16xi32>,
      %swap3A_219 = arith.constant 112 : index
      %swap3A_220 = tpu.vector_load %arg11[%swap3A_219] {strides = array<i32>} : memref<128xi32, #tpu.memory_space<vmem>>, vector<16xi32>,
      tpu.vector_store %arg11[%swap3A_219], %get3A_218 {strides = array<i32>} : memref<128xi32, #tpu.memory_space<vmem>>, vector<16xi32>,
      "tpu.region"() ({
        %run_scoped3A = tpu.sem_alloc : memref<!tpu.dma_semaphore, #tpu.memory_space<semaphore_mem>>
        %dma_start3A_315 = arith.constant 0 : i32
        %dma_start3A_316 = arith.constant 0 : i32
        %dma_start3A_317 = tpu.memref_slice %arg14[%dma_start3A_315, %dma_start3A_316] : memref<10112x128xf32, #tpu.memory_space<vmem_shared>> -> memref<10112x128xf32, #tpu.memory_space<vmem_shared>>
        tpu.enqueue_indirect_dma source(%arg12 : memref<128x128xf32, #tpu.memory_space<vmem>>) target(%dma_start3A_317 : memref<10112x128xf32, #tpu.memory_space<vmem_shared>>) offsets(%arg11 : memref<128xi32, #tpu.memory_space<vmem>>) semaphore(%run_scoped3A : memref<!tpu.dma_semaphore, #tpu.memory_space<semaphore_mem>>) {add = true}
        %dma_wait3A_318 = arith.constant 0 : i32
        %dma_wait3A_319 = arith.constant 0 : i32
        %dma_wait3A_320 = tpu.memref_slice %arg14[%dma_wait3A_318, %dma_wait3A_319] : memref<10112x128xf32, #tpu.memory_space<vmem_shared>> -> memref<10112x128xf32, #tpu.memory_space<vmem_shared>>
        tpu.wait_indirect_dma semaphore(%run_scoped3A : memref<!tpu.dma_semaphore, #tpu.memory_space<semaphore_mem>>) src(%arg12 : memref<128x128xf32, #tpu.memory_space<vmem>>) dst(%dma_wait3A_320 : memref<10112x128xf32, #tpu.memory_space<vmem_shared>>)
        tpu.yield
      }) : () -> ()
      %mul3A_221 = arith.constant 2 : i32
      %mul3A_222 = arith.muli %mul3A_221, %scan3A_127 : i32
      %add3A_223 = arith.constant 1 : i32
      %add3A_224 = arith.addi %mul3A_222, %add3A_223 : i32
      %add3A_225 = arith.constant 1 : i32
      %add3A_226 = arith.addi %add3A_224, %add3A_225 : i32
      %min3A_227 = arith.constant 39 : i32
      %min3A_228 = arith.minsi %add3A_226, %min3A_227 : i32
      %get3A_229 = arith.index_cast %min3A_228 : i32 to index
      %get3A_230 = arith.constant 0 : index
      %get3A_231 = tpu.vector_load %arg7[%get3A_229, %get3A_230] {strides = array<i32>} : memref<40x128xi32, #tpu.memory_space<vmem>>, vector<16xi32>,
      %swap3A_232 = arith.constant 0 : index
      %swap3A_233 = tpu.vector_load %arg9[%swap3A_232] {strides = array<i32>} : memref<128xi32, #tpu.memory_space<vmem>>, vector<16xi32>,
      tpu.vector_store %arg9[%swap3A_232], %get3A_231 {strides = array<i32>} : memref<128xi32, #tpu.memory_space<vmem>>, vector<16xi32>,
      %get3A_234 = arith.index_cast %min3A_228 : i32 to index
      %get3A_235 = arith.constant 16 : index
      %get3A_236 = tpu.vector_load %arg7[%get3A_234, %get3A_235] {strides = array<i32>} : memref<40x128xi32, #tpu.memory_space<vmem>>, vector<16xi32>,
      %swap3A_237 = arith.constant 16 : index
      %swap3A_238 = tpu.vector_load %arg9[%swap3A_237] {strides = array<i32>} : memref<128xi32, #tpu.memory_space<vmem>>, vector<16xi32>,
      tpu.vector_store %arg9[%swap3A_237], %get3A_236 {strides = array<i32>} : memref<128xi32, #tpu.memory_space<vmem>>, vector<16xi32>,
      %get3A_239 = arith.index_cast %min3A_228 : i32 to index
      %get3A_240 = arith.constant 32 : index
      %get3A_241 = tpu.vector_load %arg7[%get3A_239, %get3A_240] {strides = array<i32>} : memref<40x128xi32, #tpu.memory_space<vmem>>, vector<16xi32>,
      %swap3A_242 = arith.constant 32 : index
      %swap3A_243 = tpu.vector_load %arg9[%swap3A_242] {strides = array<i32>} : memref<128xi32, #tpu.memory_space<vmem>>, vector<16xi32>,
      tpu.vector_store %arg9[%swap3A_242], %get3A_241 {strides = array<i32>} : memref<128xi32, #tpu.memory_space<vmem>>, vector<16xi32>,
      %get3A_244 = arith.index_cast %min3A_228 : i32 to index
      %get3A_245 = arith.constant 48 : index
      %get3A_246 = tpu.vector_load %arg7[%get3A_244, %get3A_245] {strides = array<i32>} : memref<40x128xi32, #tpu.memory_space<vmem>>, vector<16xi32>,
      %swap3A_247 = arith.constant 48 : index
      %swap3A_248 = tpu.vector_load %arg9[%swap3A_247] {strides = array<i32>} : memref<128xi32, #tpu.memory_space<vmem>>, vector<16xi32>,
      tpu.vector_store %arg9[%swap3A_247], %get3A_246 {strides = array<i32>} : memref<128xi32, #tpu.memory_space<vmem>>, vector<16xi32>,
      %get3A_249 = arith.index_cast %min3A_228 : i32 to index
      %get3A_250 = arith.constant 64 : index
      %get3A_251 = tpu.vector_load %arg7[%get3A_249, %get3A_250] {strides = array<i32>} : memref<40x128xi32, #tpu.memory_space<vmem>>, vector<16xi32>,
      %swap3A_252 = arith.constant 64 : index
      %swap3A_253 = tpu.vector_load %arg9[%swap3A_252] {strides = array<i32>} : memref<128xi32, #tpu.memory_space<vmem>>, vector<16xi32>,
      tpu.vector_store %arg9[%swap3A_252], %get3A_251 {strides = array<i32>} : memref<128xi32, #tpu.memory_space<vmem>>, vector<16xi32>,
      %get3A_254 = arith.index_cast %min3A_228 : i32 to index
      %get3A_255 = arith.constant 80 : index
      %get3A_256 = tpu.vector_load %arg7[%get3A_254, %get3A_255] {strides = array<i32>} : memref<40x128xi32, #tpu.memory_space<vmem>>, vector<16xi32>,
      %swap3A_257 = arith.constant 80 : index
      %swap3A_258 = tpu.vector_load %arg9[%swap3A_257] {strides = array<i32>} : memref<128xi32, #tpu.memory_space<vmem>>, vector<16xi32>,
      tpu.vector_store %arg9[%swap3A_257], %get3A_256 {strides = array<i32>} : memref<128xi32, #tpu.memory_space<vmem>>, vector<16xi32>,
      %get3A_259 = arith.index_cast %min3A_228 : i32 to index
      %get3A_260 = arith.constant 96 : index
      %get3A_261 = tpu.vector_load %arg7[%get3A_259, %get3A_260] {strides = array<i32>} : memref<40x128xi32, #tpu.memory_space<vmem>>, vector<16xi32>,
      %swap3A_262 = arith.constant 96 : index
      %swap3A_263 = tpu.vector_load %arg9[%swap3A_262] {strides = array<i32>} : memref<128xi32, #tpu.memory_space<vmem>>, vector<16xi32>,
      tpu.vector_store %arg9[%swap3A_262], %get3A_261 {strides = array<i32>} : memref<128xi32, #tpu.memory_space<vmem>>, vector<16xi32>,
      %get3A_264 = arith.index_cast %min3A_228 : i32 to index
      %get3A_265 = arith.constant 112 : index
      %get3A_266 = tpu.vector_load %arg7[%get3A_264, %get3A_265] {strides = array<i32>} : memref<40x128xi32, #tpu.memory_space<vmem>>, vector<16xi32>,
      %swap3A_267 = arith.constant 112 : index
      %swap3A_268 = tpu.vector_load %arg9[%swap3A_267] {strides = array<i32>} : memref<128xi32, #tpu.memory_space<vmem>>, vector<16xi32>,
      tpu.vector_store %arg9[%swap3A_267], %get3A_266 {strides = array<i32>} : memref<128xi32, #tpu.memory_space<vmem>>, vector<16xi32>,
      %dma_wait3A_269 = arith.constant 0 : i32
      %dma_wait3A_270 = arith.constant 0 : i32
      %dma_wait3A_271 = tpu.memref_slice %arg4[%dma_wait3A_269, %dma_wait3A_270] : memref<10000x128xf32, #tpu.memory_space<hbm>> -> memref<10000x128xf32, #tpu.memory_space<hbm>>
      tpu.wait_indirect_dma semaphore(%arg16 : memref<!tpu.dma_semaphore, #tpu.memory_space<semaphore_mem>>) src(%dma_wait3A_271 : memref<10000x128xf32, #tpu.memory_space<hbm>>) dst(%arg13 : memref<128x128xf32, #tpu.memory_space<vmem>>)
      %dma_start3A_272 = arith.constant 0 : i32
      %dma_start3A_273 = arith.constant 0 : i32
      %dma_start3A_274 = tpu.memref_slice %arg4[%dma_start3A_272, %dma_start3A_273] : memref<10000x128xf32, #tpu.memory_space<hbm>> -> memref<10000x128xf32, #tpu.memory_space<hbm>>
      tpu.enqueue_indirect_dma source(%dma_start3A_274 : memref<10000x128xf32, #tpu.memory_space<hbm>>) target(%arg12 : memref<128x128xf32, #tpu.memory_space<vmem>>) offsets(%arg9 : memref<128xi32, #tpu.memory_space<vmem>>) semaphore(%arg15 : memref<!tpu.dma_semaphore, #tpu.memory_space<semaphore_mem>>)
      %get3A_275 = arith.index_cast %add3A_224 : i32 to index
      %get3A_276 = arith.constant 0 : index
      %get3A_277 = tpu.vector_load %arg8[%get3A_275, %get3A_276] {strides = array<i32>} : memref<40x128xi32, #tpu.memory_space<vmem>>, vector<16xi32>,
      %swap3A_278 = arith.constant 0 : index
      %swap3A_279 = tpu.vector_load %arg11[%swap3A_278] {strides = array<i32>} : memref<128xi32, #tpu.memory_space<vmem>>, vector<16xi32>,
      tpu.vector_store %arg11[%swap3A_278], %get3A_277 {strides = array<i32>} : memref<128xi32, #tpu.memory_space<vmem>>, vector<16xi32>,
      %get3A_280 = arith.index_cast %add3A_224 : i32 to index
      %get3A_281 = arith.constant 16 : index
      %get3A_282 = tpu.vector_load %arg8[%get3A_280, %get3A_281] {strides = array<i32>} : memref<40x128xi32, #tpu.memory_space<vmem>>, vector<16xi32>,
      %swap3A_283 = arith.constant 16 : index
      %swap3A_284 = tpu.vector_load %arg11[%swap3A_283] {strides = array<i32>} : memref<128xi32, #tpu.memory_space<vmem>>, vector<16xi32>,
      tpu.vector_store %arg11[%swap3A_283], %get3A_282 {strides = array<i32>} : memref<128xi32, #tpu.memory_space<vmem>>, vector<16xi32>,
      %get3A_285 = arith.index_cast %add3A_224 : i32 to index
      %get3A_286 = arith.constant 32 : index
      %get3A_287 = tpu.vector_load %arg8[%get3A_285, %get3A_286] {strides = array<i32>} : memref<40x128xi32, #tpu.memory_space<vmem>>, vector<16xi32>,
      %swap3A_288 = arith.constant 32 : index
      %swap3A_289 = tpu.vector_load %arg11[%swap3A_288] {strides = array<i32>} : memref<128xi32, #tpu.memory_space<vmem>>, vector<16xi32>,
      tpu.vector_store %arg11[%swap3A_288], %get3A_287 {strides = array<i32>} : memref<128xi32, #tpu.memory_space<vmem>>, vector<16xi32>,
      %get3A_290 = arith.index_cast %add3A_224 : i32 to index
      %get3A_291 = arith.constant 48 : index
      %get3A_292 = tpu.vector_load %arg8[%get3A_290, %get3A_291] {strides = array<i32>} : memref<40x128xi32, #tpu.memory_space<vmem>>, vector<16xi32>,
      %swap3A_293 = arith.constant 48 : index
      %swap3A_294 = tpu.vector_load %arg11[%swap3A_293] {strides = array<i32>} : memref<128xi32, #tpu.memory_space<vmem>>, vector<16xi32>,
      tpu.vector_store %arg11[%swap3A_293], %get3A_292 {strides = array<i32>} : memref<128xi32, #tpu.memory_space<vmem>>, vector<16xi32>,
      %get3A_295 = arith.index_cast %add3A_224 : i32 to index
      %get3A_296 = arith.constant 64 : index
      %get3A_297 = tpu.vector_load %arg8[%get3A_295, %get3A_296] {strides = array<i32>} : memref<40x128xi32, #tpu.memory_space<vmem>>, vector<16xi32>,
      %swap3A_298 = arith.constant 64 : index
      %swap3A_299 = tpu.vector_load %arg11[%swap3A_298] {strides = array<i32>} : memref<128xi32, #tpu.memory_space<vmem>>, vector<16xi32>,
      tpu.vector_store %arg11[%swap3A_298], %get3A_297 {strides = array<i32>} : memref<128xi32, #tpu.memory_space<vmem>>, vector<16xi32>,
      %get3A_300 = arith.index_cast %add3A_224 : i32 to index
      %get3A_301 = arith.constant 80 : index
      %get3A_302 = tpu.vector_load %arg8[%get3A_300, %get3A_301] {strides = array<i32>} : memref<40x128xi32, #tpu.memory_space<vmem>>, vector<16xi32>,
      %swap3A_303 = arith.constant 80 : index
      %swap3A_304 = tpu.vector_load %arg11[%swap3A_303] {strides = array<i32>} : memref<128xi32, #tpu.memory_space<vmem>>, vector<16xi32>,
      tpu.vector_store %arg11[%swap3A_303], %get3A_302 {strides = array<i32>} : memref<128xi32, #tpu.memory_space<vmem>>, vector<16xi32>,
      %get3A_305 = arith.index_cast %add3A_224 : i32 to index
      %get3A_306 = arith.constant 96 : index
      %get3A_307 = tpu.vector_load %arg8[%get3A_305, %get3A_306] {strides = array<i32>} : memref<40x128xi32, #tpu.memory_space<vmem>>, vector<16xi32>,
      %swap3A_308 = arith.constant 96 : index
      %swap3A_309 = tpu.vector_load %arg11[%swap3A_308] {strides = array<i32>} : memref<128xi32, #tpu.memory_space<vmem>>, vector<16xi32>,
      tpu.vector_store %arg11[%swap3A_308], %get3A_307 {strides = array<i32>} : memref<128xi32, #tpu.memory_space<vmem>>, vector<16xi32>,
      %get3A_310 = arith.index_cast %add3A_224 : i32 to index
      %get3A_311 = arith.constant 112 : index
      %get3A_312 = tpu.vector_load %arg8[%get3A_310, %get3A_311] {strides = array<i32>} : memref<40x128xi32, #tpu.memory_space<vmem>>, vector<16xi32>,
      %swap3A_313 = arith.constant 112 : index
      %swap3A_314 = tpu.vector_load %arg11[%swap3A_313] {strides = array<i32>} : memref<128xi32, #tpu.memory_space<vmem>>, vector<16xi32>,
      tpu.vector_store %arg11[%swap3A_313], %get3A_312 {strides = array<i32>} : memref<128xi32, #tpu.memory_space<vmem>>, vector<16xi32>,
      "tpu.region"() ({
        %run_scoped3A = tpu.sem_alloc : memref<!tpu.dma_semaphore, #tpu.memory_space<semaphore_mem>>
        %dma_start3A_315 = arith.constant 0 : i32
        %dma_start3A_316 = arith.constant 0 : i32
        %dma_start3A_317 = tpu.memref_slice %arg14[%dma_start3A_315, %dma_start3A_316] : memref<10112x128xf32, #tpu.memory_space<vmem_shared>> -> memref<10112x128xf32, #tpu.memory_space<vmem_shared>>
        tpu.enqueue_indirect_dma source(%arg13 : memref<128x128xf32, #tpu.memory_space<vmem>>) target(%dma_start3A_317 : memref<10112x128xf32, #tpu.memory_space<vmem_shared>>) offsets(%arg11 : memref<128xi32, #tpu.memory_space<vmem>>) semaphore(%run_scoped3A : memref<!tpu.dma_semaphore, #tpu.memory_space<semaphore_mem>>) {add = true}
        %dma_wait3A_318 = arith.constant 0 : i32
        %dma_wait3A_319 = arith.constant 0 : i32
        %dma_wait3A_320 = tpu.memref_slice %arg14[%dma_wait3A_318, %dma_wait3A_319] : memref<10112x128xf32, #tpu.memory_space<vmem_shared>> -> memref<10112x128xf32, #tpu.memory_space<vmem_shared>>
        tpu.wait_indirect_dma semaphore(%run_scoped3A : memref<!tpu.dma_semaphore, #tpu.memory_space<semaphore_mem>>) src(%arg13 : memref<128x128xf32, #tpu.memory_space<vmem>>) dst(%dma_wait3A_320 : memref<10112x128xf32, #tpu.memory_space<vmem_shared>>)
        tpu.yield
      }) : () -> ()
    }
    %scan3A_122 = arith.constant 20 : i32
    %dma_wait3A_123 = arith.constant 0 : i32
    %dma_wait3A_124 = arith.constant 0 : i32
    %dma_wait3A_125 = tpu.memref_slice %arg4[%dma_wait3A_123, %dma_wait3A_124] : memref<10000x128xf32, #tpu.memory_space<hbm>> -> memref<10000x128xf32, #tpu.memory_space<hbm>>
    tpu.wait_indirect_dma semaphore(%arg15 : memref<!tpu.dma_semaphore, #tpu.memory_space<semaphore_mem>>) src(%dma_wait3A_125 : memref<10000x128xf32, #tpu.memory_space<hbm>>) dst(%arg12 : memref<128x128xf32, #tpu.memory_space<vmem>>)
    %barrier3A_126 = arith.constant 0 : index
    tpu.barrier barrier_id(%barrier3A_126)
    "tpu.region"() ({
      %run_scoped3A = tpu.sem_alloc : memref<!tpu.dma_semaphore, #tpu.memory_space<semaphore_mem>>
      %dma_start3A_127 = arith.constant 0 : i32
      %dma_start3A_128 = tpu.memref_slice %arg6[%arg0, %mul3A_2, %dma_start3A_127] : memref<2x10112x128xf32, #tpu.memory_space<hbm>> -> memref<1x632x128xf32, #tpu.memory_space<hbm>>
      %dma_start3A_129 = tpu.memref_squeeze %dma_start3A_128 : memref<1x632x128xf32, #tpu.memory_space<hbm>> -> memref<632x128xf32, #tpu.memory_space<hbm>>
      %dma_start3A_130 = arith.constant 0 : i32
      %dma_start3A_131 = tpu.memref_slice %arg14[%mul3A_2, %dma_start3A_130] : memref<10112x128xf32, #tpu.memory_space<vmem_shared>> -> memref<632x128xf32, #tpu.memory_space<vmem_shared>>
      tpu.enqueue_dma source(%dma_start3A_131 : memref<632x128xf32, #tpu.memory_space<vmem_shared>>) target(%dma_start3A_129 : memref<632x128xf32, #tpu.memory_space<hbm>>) target_semaphore(%run_scoped3A : memref<!tpu.dma_semaphore, #tpu.memory_space<semaphore_mem>>)
      %dma_wait3A_132 = arith.constant 0 : i32
      %dma_wait3A_133 = tpu.memref_slice %arg6[%arg0, %mul3A_2, %dma_wait3A_132] : memref<2x10112x128xf32, #tpu.memory_space<hbm>> -> memref<1x632x128xf32, #tpu.memory_space<hbm>>
      %dma_wait3A_134 = tpu.memref_squeeze %dma_wait3A_133 : memref<1x632x128xf32, #tpu.memory_space<hbm>> -> memref<632x128xf32, #tpu.memory_space<hbm>>
      %dma_wait3A_135 = arith.constant 0 : i32
      %dma_wait3A_136 = tpu.memref_slice %arg14[%mul3A_2, %dma_wait3A_135] : memref<10112x128xf32, #tpu.memory_space<vmem_shared>> -> memref<632x128xf32, #tpu.memory_space<vmem_shared>>
      tpu.wait_dma2 semaphore(%run_scoped3A : memref<!tpu.dma_semaphore, #tpu.memory_space<semaphore_mem>>) src(%dma_wait3A_136 : memref<632x128xf32, #tpu.memory_space<vmem_shared>>) dst(%dma_wait3A_134 : memref<632x128xf32, #tpu.memory_space<hbm>>)
      tpu.yield
    }) : () -> ()
    return
  }
}

#map = affine_map<(d0, d1) -> (0, 0)>
#map1 = affine_map<(d0, d1) -> (0, 0, 0)>
module attributes {stable_mosaic.version = 14 : i64} {
  func.func @sc_scatter(%arg0: i32, %arg1: i32, %arg2: memref<2560x128xi32, #tpu.memory_space<hbm>>, %arg3: memref<2560x128xi32, #tpu.memory_space<hbm>>, %arg4: memref<10000x128xf32, #tpu.memory_space<hbm>>, %arg5: memref<10112x128xf32, #tpu.memory_space<hbm>>, %arg6: memref<2x10112x128xf32, #tpu.memory_space<hbm>>, %arg7: memref<40x128xi32, #tpu.memory_space<vmem>>, %arg8: memref<40x128xi32, #tpu.memory_space<vmem>>, %arg9: memref<128xi32, #tpu.memory_space<vmem>>, %arg10: memref<128xi32, #tpu.memory_space<vmem>>, %arg11: memref<128xi32, #tpu.memory_space<vmem>>, %arg12: memref<128x128xf32, #tpu.memory_space<vmem>>, %arg13: memref<128x128xf32, #tpu.memory_space<vmem>>, %arg14: memref<10112x128xf32, #tpu.memory_space<vmem_shared>>, %arg15: memref<!tpu.dma_semaphore, #tpu.memory_space<semaphore_mem>>, %arg16: memref<!tpu.dma_semaphore, #tpu.memory_space<semaphore_mem>>) attributes {dimension_semantics = [#tpu.dimension_semantics<core_parallel>, #tpu.dimension_semantics<subcore_parallel>], iteration_bounds = array<i64: 2, 16>, scalar_prefetch = 0 : i64, scratch_operands = 10 : i64, tpu.core_type = #tpu.core_type<sc_vector_subcore>, window_params = [{transform_indices = #map}, {transform_indices = #map}, {transform_indices = #map}, {transform_indices = #map}, {transform_indices = #map1}]} {
    %mul3A = arith.constant 2 : i32
    %mul3A_0 = arith.muli %arg1, %mul3A : i32
    %add3A = arith.addi %mul3A_0, %arg0 : i32
    %mul3A_1 = arith.constant 632 : i32
    %mul3A_2 = arith.muli %arg1, %mul3A_1 : i32
    "tpu.region"() ({
      %run_scoped3A = tpu.sem_alloc : memref<!tpu.dma_semaphore, #tpu.memory_space<semaphore_mem>>
      %dma_start3A_127 = arith.constant 0 : i32
      %dma_start3A_128 = tpu.memref_slice %arg14[%mul3A_2, %dma_start3A_127] : memref<10112x128xf32, #tpu.memory_space<vmem_shared>> -> memref<632x128xf32, #tpu.memory_space<vmem_shared>>
      %dma_start3A_129 = arith.constant 0 : i32
      %dma_start3A_130 = tpu.memref_slice %arg5[%mul3A_2, %dma_start3A_129] : memref<10112x128xf32, #tpu.memory_space<hbm>> -> memref<632x128xf32, #tpu.memory_space<hbm>>
      tpu.enqueue_dma source(%dma_start3A_130 : memref<632x128xf32, #tpu.memory_space<hbm>>) target(%dma_start3A_128 : memref<632x128xf32, #tpu.memory_space<vmem_shared>>) target_semaphore(%run_scoped3A : memref<!tpu.dma_semaphore, #tpu.memory_space<semaphore_mem>>)
      %dma_wait3A_131 = arith.constant 0 : i32
      %dma_wait3A_132 = tpu.memref_slice %arg14[%mul3A_2, %dma_wait3A_131] : memref<10112x128xf32, #tpu.memory_space<vmem_shared>> -> memref<632x128xf32, #tpu.memory_space<vmem_shared>>
      %dma_wait3A_133 = arith.constant 0 : i32
      %dma_wait3A_134 = tpu.memref_slice %arg5[%mul3A_2, %dma_wait3A_133] : memref<10112x128xf32, #tpu.memory_space<hbm>> -> memref<632x128xf32, #tpu.memory_space<hbm>>
      tpu.wait_dma2 semaphore(%run_scoped3A : memref<!tpu.dma_semaphore, #tpu.memory_space<semaphore_mem>>) src(%dma_wait3A_134 : memref<632x128xf32, #tpu.memory_space<hbm>>) dst(%dma_wait3A_132 : memref<632x128xf32, #tpu.memory_space<vmem_shared>>)
      tpu.yield
    }) : () -> ()
    %barrier3A = arith.constant 0 : index
    tpu.barrier barrier_id(%barrier3A)
    %mul3A_3 = arith.constant 80 : i32
    %mul3A_4 = arith.muli %add3A, %mul3A_3 : i32
    %add3A_5 = arith.constant 0 : i32
    %add3A_6 = arith.addi %mul3A_4, %add3A_5 : i32
    "tpu.region"() ({
      %run_scoped3A = tpu.sem_alloc : memref<!tpu.dma_semaphore, #tpu.memory_space<semaphore_mem>>
      %dma_start3A_127 = arith.constant 0 : i32
      %dma_start3A_128 = tpu.memref_slice %arg2[%add3A_6, %dma_start3A_127] : memref<2560x128xi32, #tpu.memory_space<hbm>> -> memref<40x128xi32, #tpu.memory_space<hbm>>
      %dma_start3A_129 = arith.constant 0 : i32
      %dma_start3A_130 = tpu.memref_slice %arg2[%add3A_6, %dma_start3A_129] : memref<2560x128xi32, #tpu.memory_space<hbm>> -> memref<40x128xi32, #tpu.memory_space<hbm>>
      tpu.enqueue_dma source(%dma_start3A_130 : memref<40x128xi32, #tpu.memory_space<hbm>>) target(%arg7 : memref<40x128xi32, #tpu.memory_space<vmem>>) target_semaphore(%run_scoped3A : memref<!tpu.dma_semaphore, #tpu.memory_space<semaphore_mem>>)
      %dma_wait3A_131 = arith.constant 0 : i32
      %dma_wait3A_132 = tpu.memref_slice %arg2[%add3A_6, %dma_wait3A_131] : memref<2560x128xi32, #tpu.memory_space<hbm>> -> memref<40x128xi32, #tpu.memory_space<hbm>>
      %dma_wait3A_133 = arith.constant 0 : i32
      %dma_wait3A_134 = tpu.memref_slice %arg2[%add3A_6, %dma_wait3A_133] : memref<2560x128xi32, #tpu.memory_space<hbm>> -> memref<40x128xi32, #tpu.memory_space<hbm>>
      tpu.wait_dma2 semaphore(%run_scoped3A : memref<!tpu.dma_semaphore, #tpu.memory_space<semaphore_mem>>) src(%dma_wait3A_134 : memref<40x128xi32, #tpu.memory_space<hbm>>) dst(%arg7 : memref<40x128xi32, #tpu.memory_space<vmem>>)
      tpu.yield
    }) : () -> ()
    "tpu.region"() ({
      %run_scoped3A = tpu.sem_alloc : memref<!tpu.dma_semaphore, #tpu.memory_space<semaphore_mem>>
      %dma_start3A_127 = arith.constant 0 : i32
      %dma_start3A_128 = tpu.memref_slice %arg3[%add3A_6, %dma_start3A_127] : memref<2560x128xi32, #tpu.memory_space<hbm>> -> memref<40x128xi32, #tpu.memory_space<hbm>>
      %dma_start3A_129 = arith.constant 0 : i32
      %dma_start3A_130 = tpu.memref_slice %arg3[%add3A_6, %dma_start3A_129] : memref<2560x128xi32, #tpu.memory_space<hbm>> -> memref<40x128xi32, #tpu.memory_space<hbm>>
      tpu.enqueue_dma source(%dma_start3A_130 : memref<40x128xi32, #tpu.memory_space<hbm>>) target(%arg8 : memref<40x128xi32, #tpu.memory_space<vmem>>) target_semaphore(%run_scoped3A : memref<!tpu.dma_semaphore, #tpu.memory_space<semaphore_mem>>)
      %dma_wait3A_131 = arith.constant 0 : i32
      %dma_wait3A_132 = tpu.memref_slice %arg3[%add3A_6, %dma_wait3A_131] : memref<2560x128xi32, #tpu.memory_space<hbm>> -> memref<40x128xi32, #tpu.memory_space<hbm>>
      %dma_wait3A_133 = arith.constant 0 : i32
      %dma_wait3A_134 = tpu.memref_slice %arg3[%add3A_6, %dma_wait3A_133] : memref<2560x128xi32, #tpu.memory_space<hbm>> -> memref<40x128xi32, #tpu.memory_space<hbm>>
      tpu.wait_dma2 semaphore(%run_scoped3A : memref<!tpu.dma_semaphore, #tpu.memory_space<semaphore_mem>>) src(%dma_wait3A_134 : memref<40x128xi32, #tpu.memory_space<hbm>>) dst(%arg8 : memref<40x128xi32, #tpu.memory_space<vmem>>)
      tpu.yield
    }) : () -> ()
    %get3A = arith.constant 0 : i32
    %get3A_7 = arith.index_cast %get3A : i32 to index
    %get3A_8 = arith.constant 0 : index
    %get3A_9 = tpu.vector_load %arg7[%get3A_7, %get3A_8] {strides = array<i32>} : memref<40x128xi32, #tpu.memory_space<vmem>>, vector<16xi32>,
    %swap3A = arith.constant 0 : index
    %swap3A_10 = tpu.vector_load %arg9[%swap3A] {strides = array<i32>} : memref<128xi32, #tpu.memory_space<vmem>>, vector<16xi32>,
    tpu.vector_store %arg9[%swap3A], %get3A_9 {strides = array<i32>} : memref<128xi32, #tpu.memory_space<vmem>>, vector<16xi32>,
    %get3A_11 = arith.constant 0 : i32
    %get3A_12 = arith.index_cast %get3A_11 : i32 to index
    %get3A_13 = arith.constant 16 : index
    %get3A_14 = tpu.vector_load %arg7[%get3A_12, %get3A_13] {strides = array<i32>} : memref<40x128xi32, #tpu.memory_space<vmem>>, vector<16xi32>,
    %swap3A_15 = arith.constant 16 : index
    %swap3A_16 = tpu.vector_load %arg9[%swap3A_15] {strides = array<i32>} : memref<128xi32, #tpu.memory_space<vmem>>, vector<16xi32>,
    tpu.vector_store %arg9[%swap3A_15], %get3A_14 {strides = array<i32>} : memref<128xi32, #tpu.memory_space<vmem>>, vector<16xi32>,
    %get3A_17 = arith.constant 0 : i32
    %get3A_18 = arith.index_cast %get3A_17 : i32 to index
    %get3A_19 = arith.constant 32 : index
    %get3A_20 = tpu.vector_load %arg7[%get3A_18, %get3A_19] {strides = array<i32>} : memref<40x128xi32, #tpu.memory_space<vmem>>, vector<16xi32>,
    %swap3A_21 = arith.constant 32 : index
    %swap3A_22 = tpu.vector_load %arg9[%swap3A_21] {strides = array<i32>} : memref<128xi32, #tpu.memory_space<vmem>>, vector<16xi32>,
    tpu.vector_store %arg9[%swap3A_21], %get3A_20 {strides = array<i32>} : memref<128xi32, #tpu.memory_space<vmem>>, vector<16xi32>,
    %get3A_23 = arith.constant 0 : i32
    %get3A_24 = arith.index_cast %get3A_23 : i32 to index
    %get3A_25 = arith.constant 48 : index
    %get3A_26 = tpu.vector_load %arg7[%get3A_24, %get3A_25] {strides = array<i32>} : memref<40x128xi32, #tpu.memory_space<vmem>>, vector<16xi32>,
    %swap3A_27 = arith.constant 48 : index
    %swap3A_28 = tpu.vector_load %arg9[%swap3A_27] {strides = array<i32>} : memref<128xi32, #tpu.memory_space<vmem>>, vector<16xi32>,
    tpu.vector_store %arg9[%swap3A_27], %get3A_26 {strides = array<i32>} : memref<128xi32, #tpu.memory_space<vmem>>, vector<16xi32>,
    %get3A_29 = arith.constant 0 : i32
    %get3A_30 = arith.index_cast %get3A_29 : i32 to index
    %get3A_31 = arith.constant 64 : index
    %get3A_32 = tpu.vector_load %arg7[%get3A_30, %get3A_31] {strides = array<i32>} : memref<40x128xi32, #tpu.memory_space<vmem>>, vector<16xi32>,
    %swap3A_33 = arith.constant 64 : index
    %swap3A_34 = tpu.vector_load %arg9[%swap3A_33] {strides = array<i32>} : memref<128xi32, #tpu.memory_space<vmem>>, vector<16xi32>,
    tpu.vector_store %arg9[%swap3A_33], %get3A_32 {strides = array<i32>} : memref<128xi32, #tpu.memory_space<vmem>>, vector<16xi32>,
    %get3A_35 = arith.constant 0 : i32
    %get3A_36 = arith.index_cast %get3A_35 : i32 to index
    %get3A_37 = arith.constant 80 : index
    %get3A_38 = tpu.vector_load %arg7[%get3A_36, %get3A_37] {strides = array<i32>} : memref<40x128xi32, #tpu.memory_space<vmem>>, vector<16xi32>,
    %swap3A_39 = arith.constant 80 : index
    %swap3A_40 = tpu.vector_load %arg9[%swap3A_39] {strides = array<i32>} : memref<128xi32, #tpu.memory_space<vmem>>, vector<16xi32>,
    tpu.vector_store %arg9[%swap3A_39], %get3A_38 {strides = array<i32>} : memref<128xi32, #tpu.memory_space<vmem>>, vector<16xi32>,
    %get3A_41 = arith.constant 0 : i32
    %get3A_42 = arith.index_cast %get3A_41 : i32 to index
    %get3A_43 = arith.constant 96 : index
    %get3A_44 = tpu.vector_load %arg7[%get3A_42, %get3A_43] {strides = array<i32>} : memref<40x128xi32, #tpu.memory_space<vmem>>, vector<16xi32>,
    %swap3A_45 = arith.constant 96 : index
    %swap3A_46 = tpu.vector_load %arg9[%swap3A_45] {strides = array<i32>} : memref<128xi32, #tpu.memory_space<vmem>>, vector<16xi32>,
    tpu.vector_store %arg9[%swap3A_45], %get3A_44 {strides = array<i32>} : memref<128xi32, #tpu.memory_space<vmem>>, vector<16xi32>,
    %get3A_47 = arith.constant 0 : i32
    %get3A_48 = arith.index_cast %get3A_47 : i32 to index
    %get3A_49 = arith.constant 112 : index
    %get3A_50 = tpu.vector_load %arg7[%get3A_48, %get3A_49] {strides = array<i32>} : memref<40x128xi32, #tpu.memory_space<vmem>>, vector<16xi32>,
    %swap3A_51 = arith.constant 112 : index
    %swap3A_52 = tpu.vector_load %arg9[%swap3A_51] {strides = array<i32>} : memref<128xi32, #tpu.memory_space<vmem>>, vector<16xi32>,
    tpu.vector_store %arg9[%swap3A_51], %get3A_50 {strides = array<i32>} : memref<128xi32, #tpu.memory_space<vmem>>, vector<16xi32>,
    %dma_start3A = arith.constant 0 : i32
    %dma_start3A_53 = arith.constant 0 : i32
    %dma_start3A_54 = tpu.memref_slice %arg4[%dma_start3A, %dma_start3A_53] : memref<10000x128xf32, #tpu.memory_space<hbm>> -> memref<10000x128xf32, #tpu.memory_space<hbm>>
    tpu.enqueue_indirect_dma source(%dma_start3A_54 : memref<10000x128xf32, #tpu.memory_space<hbm>>) target(%arg12 : memref<128x128xf32, #tpu.memory_space<vmem>>) offsets(%arg9 : memref<128xi32, #tpu.memory_space<vmem>>) semaphore(%arg15 : memref<!tpu.dma_semaphore, #tpu.memory_space<semaphore_mem>>)
    %scan3A = arith.constant 0 : i32
    %scan3A_55 = arith.constant 0 : i32
    %scan3A_56 = arith.constant 20 : i32
    %scan3A_57 = arith.addi %scan3A_55, %scan3A_56 : i32
    %scan3A_58 = arith.constant 1 : i32
    scf.for %scan3A_127 = %scan3A_55 to %scan3A_57 step %scan3A_58  : i32 {
      %mul3A_128 = arith.constant 2 : i32
      %mul3A_129 = arith.muli %mul3A_128, %scan3A_127 : i32
      %add3A_130 = arith.constant 0 : i32
      %add3A_131 = arith.addi %mul3A_129, %add3A_130 : i32
      %add3A_132 = arith.constant 1 : i32
      %add3A_133 = arith.addi %add3A_131, %add3A_132 : i32
      %min3A = arith.constant 39 : i32
      %min3A_134 = arith.minsi %add3A_133, %min3A : i32
      %get3A_135 = arith.index_cast %min3A_134 : i32 to index
      %get3A_136 = arith.constant 0 : index
      %get3A_137 = tpu.vector_load %arg7[%get3A_135, %get3A_136] {strides = array<i32>} : memref<40x128xi32, #tpu.memory_space<vmem>>, vector<16xi32>,
      %swap3A_138 = arith.constant 0 : index
      %swap3A_139 = tpu.vector_load %arg10[%swap3A_138] {strides = array<i32>} : memref<128xi32, #tpu.memory_space<vmem>>, vector<16xi32>,
      tpu.vector_store %arg10[%swap3A_138], %get3A_137 {strides = array<i32>} : memref<128xi32, #tpu.memory_space<vmem>>, vector<16xi32>,
      %get3A_140 = arith.index_cast %min3A_134 : i32 to index
      %get3A_141 = arith.constant 16 : index
      %get3A_142 = tpu.vector_load %arg7[%get3A_140, %get3A_141] {strides = array<i32>} : memref<40x128xi32, #tpu.memory_space<vmem>>, vector<16xi32>,
      %swap3A_143 = arith.constant 16 : index
      %swap3A_144 = tpu.vector_load %arg10[%swap3A_143] {strides = array<i32>} : memref<128xi32, #tpu.memory_space<vmem>>, vector<16xi32>,
      tpu.vector_store %arg10[%swap3A_143], %get3A_142 {strides = array<i32>} : memref<128xi32, #tpu.memory_space<vmem>>, vector<16xi32>,
      %get3A_145 = arith.index_cast %min3A_134 : i32 to index
      %get3A_146 = arith.constant 32 : index
      %get3A_147 = tpu.vector_load %arg7[%get3A_145, %get3A_146] {strides = array<i32>} : memref<40x128xi32, #tpu.memory_space<vmem>>, vector<16xi32>,
      %swap3A_148 = arith.constant 32 : index
      %swap3A_149 = tpu.vector_load %arg10[%swap3A_148] {strides = array<i32>} : memref<128xi32, #tpu.memory_space<vmem>>, vector<16xi32>,
      tpu.vector_store %arg10[%swap3A_148], %get3A_147 {strides = array<i32>} : memref<128xi32, #tpu.memory_space<vmem>>, vector<16xi32>,
      %get3A_150 = arith.index_cast %min3A_134 : i32 to index
      %get3A_151 = arith.constant 48 : index
      %get3A_152 = tpu.vector_load %arg7[%get3A_150, %get3A_151] {strides = array<i32>} : memref<40x128xi32, #tpu.memory_space<vmem>>, vector<16xi32>,
      %swap3A_153 = arith.constant 48 : index
      %swap3A_154 = tpu.vector_load %arg10[%swap3A_153] {strides = array<i32>} : memref<128xi32, #tpu.memory_space<vmem>>, vector<16xi32>,
      tpu.vector_store %arg10[%swap3A_153], %get3A_152 {strides = array<i32>} : memref<128xi32, #tpu.memory_space<vmem>>, vector<16xi32>,
      %get3A_155 = arith.index_cast %min3A_134 : i32 to index
      %get3A_156 = arith.constant 64 : index
      %get3A_157 = tpu.vector_load %arg7[%get3A_155, %get3A_156] {strides = array<i32>} : memref<40x128xi32, #tpu.memory_space<vmem>>, vector<16xi32>,
      %swap3A_158 = arith.constant 64 : index
      %swap3A_159 = tpu.vector_load %arg10[%swap3A_158] {strides = array<i32>} : memref<128xi32, #tpu.memory_space<vmem>>, vector<16xi32>,
      tpu.vector_store %arg10[%swap3A_158], %get3A_157 {strides = array<i32>} : memref<128xi32, #tpu.memory_space<vmem>>, vector<16xi32>,
      %get3A_160 = arith.index_cast %min3A_134 : i32 to index
      %get3A_161 = arith.constant 80 : index
      %get3A_162 = tpu.vector_load %arg7[%get3A_160, %get3A_161] {strides = array<i32>} : memref<40x128xi32, #tpu.memory_space<vmem>>, vector<16xi32>,
      %swap3A_163 = arith.constant 80 : index
      %swap3A_164 = tpu.vector_load %arg10[%swap3A_163] {strides = array<i32>} : memref<128xi32, #tpu.memory_space<vmem>>, vector<16xi32>,
      tpu.vector_store %arg10[%swap3A_163], %get3A_162 {strides = array<i32>} : memref<128xi32, #tpu.memory_space<vmem>>, vector<16xi32>,
      %get3A_165 = arith.index_cast %min3A_134 : i32 to index
      %get3A_166 = arith.constant 96 : index
      %get3A_167 = tpu.vector_load %arg7[%get3A_165, %get3A_166] {strides = array<i32>} : memref<40x128xi32, #tpu.memory_space<vmem>>, vector<16xi32>,
      %swap3A_168 = arith.constant 96 : index
      %swap3A_169 = tpu.vector_load %arg10[%swap3A_168] {strides = array<i32>} : memref<128xi32, #tpu.memory_space<vmem>>, vector<16xi32>,
      tpu.vector_store %arg10[%swap3A_168], %get3A_167 {strides = array<i32>} : memref<128xi32, #tpu.memory_space<vmem>>, vector<16xi32>,
      %get3A_170 = arith.index_cast %min3A_134 : i32 to index
      %get3A_171 = arith.constant 112 : index
      %get3A_172 = tpu.vector_load %arg7[%get3A_170, %get3A_171] {strides = array<i32>} : memref<40x128xi32, #tpu.memory_space<vmem>>, vector<16xi32>,
      %swap3A_173 = arith.constant 112 : index
      %swap3A_174 = tpu.vector_load %arg10[%swap3A_173] {strides = array<i32>} : memref<128xi32, #tpu.memory_space<vmem>>, vector<16xi32>,
      tpu.vector_store %arg10[%swap3A_173], %get3A_172 {strides = array<i32>} : memref<128xi32, #tpu.memory_space<vmem>>, vector<16xi32>,
      %dma_wait3A_175 = arith.constant 0 : i32
      %dma_wait3A_176 = arith.constant 0 : i32
      %dma_wait3A_177 = tpu.memref_slice %arg4[%dma_wait3A_175, %dma_wait3A_176] : memref<10000x128xf32, #tpu.memory_space<hbm>> -> memref<10000x128xf32, #tpu.memory_space<hbm>>
      tpu.wait_indirect_dma semaphore(%arg15 : memref<!tpu.dma_semaphore, #tpu.memory_space<semaphore_mem>>) src(%dma_wait3A_177 : memref<10000x128xf32, #tpu.memory_space<hbm>>) dst(%arg12 : memref<128x128xf32, #tpu.memory_space<vmem>>)
      %dma_start3A_178 = arith.constant 0 : i32
      %dma_start3A_179 = arith.constant 0 : i32
      %dma_start3A_180 = tpu.memref_slice %arg4[%dma_start3A_178, %dma_start3A_179] : memref<10000x128xf32, #tpu.memory_space<hbm>> -> memref<10000x128xf32, #tpu.memory_space<hbm>>
      tpu.enqueue_indirect_dma source(%dma_start3A_180 : memref<10000x128xf32, #tpu.memory_space<hbm>>) target(%arg13 : memref<128x128xf32, #tpu.memory_space<vmem>>) offsets(%arg10 : memref<128xi32, #tpu.memory_space<vmem>>) semaphore(%arg16 : memref<!tpu.dma_semaphore, #tpu.memory_space<semaphore_mem>>)
      %get3A_181 = arith.index_cast %add3A_131 : i32 to index
      %get3A_182 = arith.constant 0 : index
      %get3A_183 = tpu.vector_load %arg8[%get3A_181, %get3A_182] {strides = array<i32>} : memref<40x128xi32, #tpu.memory_space<vmem>>, vector<16xi32>,
      %swap3A_184 = arith.constant 0 : index
      %swap3A_185 = tpu.vector_load %arg11[%swap3A_184] {strides = array<i32>} : memref<128xi32, #tpu.memory_space<vmem>>, vector<16xi32>,
      tpu.vector_store %arg11[%swap3A_184], %get3A_183 {strides = array<i32>} : memref<128xi32, #tpu.memory_space<vmem>>, vector<16xi32>,
      %get3A_186 = arith.index_cast %add3A_131 : i32 to index
      %get3A_187 = arith.constant 16 : index
      %get3A_188 = tpu.vector_load %arg8[%get3A_186, %get3A_187] {strides = array<i32>} : memref<40x128xi32, #tpu.memory_space<vmem>>, vector<16xi32>,
      %swap3A_189 = arith.constant 16 : index
      %swap3A_190 = tpu.vector_load %arg11[%swap3A_189] {strides = array<i32>} : memref<128xi32, #tpu.memory_space<vmem>>, vector<16xi32>,
      tpu.vector_store %arg11[%swap3A_189], %get3A_188 {strides = array<i32>} : memref<128xi32, #tpu.memory_space<vmem>>, vector<16xi32>,
      %get3A_191 = arith.index_cast %add3A_131 : i32 to index
      %get3A_192 = arith.constant 32 : index
      %get3A_193 = tpu.vector_load %arg8[%get3A_191, %get3A_192] {strides = array<i32>} : memref<40x128xi32, #tpu.memory_space<vmem>>, vector<16xi32>,
      %swap3A_194 = arith.constant 32 : index
      %swap3A_195 = tpu.vector_load %arg11[%swap3A_194] {strides = array<i32>} : memref<128xi32, #tpu.memory_space<vmem>>, vector<16xi32>,
      tpu.vector_store %arg11[%swap3A_194], %get3A_193 {strides = array<i32>} : memref<128xi32, #tpu.memory_space<vmem>>, vector<16xi32>,
      %get3A_196 = arith.index_cast %add3A_131 : i32 to index
      %get3A_197 = arith.constant 48 : index
      %get3A_198 = tpu.vector_load %arg8[%get3A_196, %get3A_197] {strides = array<i32>} : memref<40x128xi32, #tpu.memory_space<vmem>>, vector<16xi32>,
      %swap3A_199 = arith.constant 48 : index
      %swap3A_200 = tpu.vector_load %arg11[%swap3A_199] {strides = array<i32>} : memref<128xi32, #tpu.memory_space<vmem>>, vector<16xi32>,
      tpu.vector_store %arg11[%swap3A_199], %get3A_198 {strides = array<i32>} : memref<128xi32, #tpu.memory_space<vmem>>, vector<16xi32>,
      %get3A_201 = arith.index_cast %add3A_131 : i32 to index
      %get3A_202 = arith.constant 64 : index
      %get3A_203 = tpu.vector_load %arg8[%get3A_201, %get3A_202] {strides = array<i32>} : memref<40x128xi32, #tpu.memory_space<vmem>>, vector<16xi32>,
      %swap3A_204 = arith.constant 64 : index
      %swap3A_205 = tpu.vector_load %arg11[%swap3A_204] {strides = array<i32>} : memref<128xi32, #tpu.memory_space<vmem>>, vector<16xi32>,
      tpu.vector_store %arg11[%swap3A_204], %get3A_203 {strides = array<i32>} : memref<128xi32, #tpu.memory_space<vmem>>, vector<16xi32>,
      %get3A_206 = arith.index_cast %add3A_131 : i32 to index
      %get3A_207 = arith.constant 80 : index
      %get3A_208 = tpu.vector_load %arg8[%get3A_206, %get3A_207] {strides = array<i32>} : memref<40x128xi32, #tpu.memory_space<vmem>>, vector<16xi32>,
      %swap3A_209 = arith.constant 80 : index
      %swap3A_210 = tpu.vector_load %arg11[%swap3A_209] {strides = array<i32>} : memref<128xi32, #tpu.memory_space<vmem>>, vector<16xi32>,
      tpu.vector_store %arg11[%swap3A_209], %get3A_208 {strides = array<i32>} : memref<128xi32, #tpu.memory_space<vmem>>, vector<16xi32>,
      %get3A_211 = arith.index_cast %add3A_131 : i32 to index
      %get3A_212 = arith.constant 96 : index
      %get3A_213 = tpu.vector_load %arg8[%get3A_211, %get3A_212] {strides = array<i32>} : memref<40x128xi32, #tpu.memory_space<vmem>>, vector<16xi32>,
      %swap3A_214 = arith.constant 96 : index
      %swap3A_215 = tpu.vector_load %arg11[%swap3A_214] {strides = array<i32>} : memref<128xi32, #tpu.memory_space<vmem>>, vector<16xi32>,
      tpu.vector_store %arg11[%swap3A_214], %get3A_213 {strides = array<i32>} : memref<128xi32, #tpu.memory_space<vmem>>, vector<16xi32>,
      %get3A_216 = arith.index_cast %add3A_131 : i32 to index
      %get3A_217 = arith.constant 112 : index
      %get3A_218 = tpu.vector_load %arg8[%get3A_216, %get3A_217] {strides = array<i32>} : memref<40x128xi32, #tpu.memory_space<vmem>>, vector<16xi32>,
      %swap3A_219 = arith.constant 112 : index
      %swap3A_220 = tpu.vector_load %arg11[%swap3A_219] {strides = array<i32>} : memref<128xi32, #tpu.memory_space<vmem>>, vector<16xi32>,
      tpu.vector_store %arg11[%swap3A_219], %get3A_218 {strides = array<i32>} : memref<128xi32, #tpu.memory_space<vmem>>, vector<16xi32>,
      "tpu.region"() ({
        %run_scoped3A = tpu.sem_alloc : memref<!tpu.dma_semaphore, #tpu.memory_space<semaphore_mem>>
        %dma_start3A_315 = arith.constant 0 : i32
        %dma_start3A_316 = arith.constant 0 : i32
        %dma_start3A_317 = tpu.memref_slice %arg14[%dma_start3A_315, %dma_start3A_316] : memref<10112x128xf32, #tpu.memory_space<vmem_shared>> -> memref<10112x128xf32, #tpu.memory_space<vmem_shared>>
        tpu.enqueue_indirect_dma source(%arg12 : memref<128x128xf32, #tpu.memory_space<vmem>>) target(%dma_start3A_317 : memref<10112x128xf32, #tpu.memory_space<vmem_shared>>) offsets(%arg11 : memref<128xi32, #tpu.memory_space<vmem>>) semaphore(%run_scoped3A : memref<!tpu.dma_semaphore, #tpu.memory_space<semaphore_mem>>) {add = true}
        %dma_wait3A_318 = arith.constant 0 : i32
        %dma_wait3A_319 = arith.constant 0 : i32
        %dma_wait3A_320 = tpu.memref_slice %arg14[%dma_wait3A_318, %dma_wait3A_319] : memref<10112x128xf32, #tpu.memory_space<vmem_shared>> -> memref<10112x128xf32, #tpu.memory_space<vmem_shared>>
        tpu.wait_indirect_dma semaphore(%run_scoped3A : memref<!tpu.dma_semaphore, #tpu.memory_space<semaphore_mem>>) src(%arg12 : memref<128x128xf32, #tpu.memory_space<vmem>>) dst(%dma_wait3A_320 : memref<10112x128xf32, #tpu.memory_space<vmem_shared>>)
        tpu.yield
      }) : () -> ()
      %mul3A_221 = arith.constant 2 : i32
      %mul3A_222 = arith.muli %mul3A_221, %scan3A_127 : i32
      %add3A_223 = arith.constant 1 : i32
      %add3A_224 = arith.addi %mul3A_222, %add3A_223 : i32
      %add3A_225 = arith.constant 1 : i32
      %add3A_226 = arith.addi %add3A_224, %add3A_225 : i32
      %min3A_227 = arith.constant 39 : i32
      %min3A_228 = arith.minsi %add3A_226, %min3A_227 : i32
      %get3A_229 = arith.index_cast %min3A_228 : i32 to index
      %get3A_230 = arith.constant 0 : index
      %get3A_231 = tpu.vector_load %arg7[%get3A_229, %get3A_230] {strides = array<i32>} : memref<40x128xi32, #tpu.memory_space<vmem>>, vector<16xi32>,
      %swap3A_232 = arith.constant 0 : index
      %swap3A_233 = tpu.vector_load %arg9[%swap3A_232] {strides = array<i32>} : memref<128xi32, #tpu.memory_space<vmem>>, vector<16xi32>,
      tpu.vector_store %arg9[%swap3A_232], %get3A_231 {strides = array<i32>} : memref<128xi32, #tpu.memory_space<vmem>>, vector<16xi32>,
      %get3A_234 = arith.index_cast %min3A_228 : i32 to index
      %get3A_235 = arith.constant 16 : index
      %get3A_236 = tpu.vector_load %arg7[%get3A_234, %get3A_235] {strides = array<i32>} : memref<40x128xi32, #tpu.memory_space<vmem>>, vector<16xi32>,
      %swap3A_237 = arith.constant 16 : index
      %swap3A_238 = tpu.vector_load %arg9[%swap3A_237] {strides = array<i32>} : memref<128xi32, #tpu.memory_space<vmem>>, vector<16xi32>,
      tpu.vector_store %arg9[%swap3A_237], %get3A_236 {strides = array<i32>} : memref<128xi32, #tpu.memory_space<vmem>>, vector<16xi32>,
      %get3A_239 = arith.index_cast %min3A_228 : i32 to index
      %get3A_240 = arith.constant 32 : index
      %get3A_241 = tpu.vector_load %arg7[%get3A_239, %get3A_240] {strides = array<i32>} : memref<40x128xi32, #tpu.memory_space<vmem>>, vector<16xi32>,
      %swap3A_242 = arith.constant 32 : index
      %swap3A_243 = tpu.vector_load %arg9[%swap3A_242] {strides = array<i32>} : memref<128xi32, #tpu.memory_space<vmem>>, vector<16xi32>,
      tpu.vector_store %arg9[%swap3A_242], %get3A_241 {strides = array<i32>} : memref<128xi32, #tpu.memory_space<vmem>>, vector<16xi32>,
      %get3A_244 = arith.index_cast %min3A_228 : i32 to index
      %get3A_245 = arith.constant 48 : index
      %get3A_246 = tpu.vector_load %arg7[%get3A_244, %get3A_245] {strides = array<i32>} : memref<40x128xi32, #tpu.memory_space<vmem>>, vector<16xi32>,
      %swap3A_247 = arith.constant 48 : index
      %swap3A_248 = tpu.vector_load %arg9[%swap3A_247] {strides = array<i32>} : memref<128xi32, #tpu.memory_space<vmem>>, vector<16xi32>,
      tpu.vector_store %arg9[%swap3A_247], %get3A_246 {strides = array<i32>} : memref<128xi32, #tpu.memory_space<vmem>>, vector<16xi32>,
      %get3A_249 = arith.index_cast %min3A_228 : i32 to index
      %get3A_250 = arith.constant 64 : index
      %get3A_251 = tpu.vector_load %arg7[%get3A_249, %get3A_250] {strides = array<i32>} : memref<40x128xi32, #tpu.memory_space<vmem>>, vector<16xi32>,
      %swap3A_252 = arith.constant 64 : index
      %swap3A_253 = tpu.vector_load %arg9[%swap3A_252] {strides = array<i32>} : memref<128xi32, #tpu.memory_space<vmem>>, vector<16xi32>,
      tpu.vector_store %arg9[%swap3A_252], %get3A_251 {strides = array<i32>} : memref<128xi32, #tpu.memory_space<vmem>>, vector<16xi32>,
      %get3A_254 = arith.index_cast %min3A_228 : i32 to index
      %get3A_255 = arith.constant 80 : index
      %get3A_256 = tpu.vector_load %arg7[%get3A_254, %get3A_255] {strides = array<i32>} : memref<40x128xi32, #tpu.memory_space<vmem>>, vector<16xi32>,
      %swap3A_257 = arith.constant 80 : index
      %swap3A_258 = tpu.vector_load %arg9[%swap3A_257] {strides = array<i32>} : memref<128xi32, #tpu.memory_space<vmem>>, vector<16xi32>,
      tpu.vector_store %arg9[%swap3A_257], %get3A_256 {strides = array<i32>} : memref<128xi32, #tpu.memory_space<vmem>>, vector<16xi32>,
      %get3A_259 = arith.index_cast %min3A_228 : i32 to index
      %get3A_260 = arith.constant 96 : index
      %get3A_261 = tpu.vector_load %arg7[%get3A_259, %get3A_260] {strides = array<i32>} : memref<40x128xi32, #tpu.memory_space<vmem>>, vector<16xi32>,
      %swap3A_262 = arith.constant 96 : index
      %swap3A_263 = tpu.vector_load %arg9[%swap3A_262] {strides = array<i32>} : memref<128xi32, #tpu.memory_space<vmem>>, vector<16xi32>,
      tpu.vector_store %arg9[%swap3A_262], %get3A_261 {strides = array<i32>} : memref<128xi32, #tpu.memory_space<vmem>>, vector<16xi32>,
      %get3A_264 = arith.index_cast %min3A_228 : i32 to index
      %get3A_265 = arith.constant 112 : index
      %get3A_266 = tpu.vector_load %arg7[%get3A_264, %get3A_265] {strides = array<i32>} : memref<40x128xi32, #tpu.memory_space<vmem>>, vector<16xi32>,
      %swap3A_267 = arith.constant 112 : index
      %swap3A_268 = tpu.vector_load %arg9[%swap3A_267] {strides = array<i32>} : memref<128xi32, #tpu.memory_space<vmem>>, vector<16xi32>,
      tpu.vector_store %arg9[%swap3A_267], %get3A_266 {strides = array<i32>} : memref<128xi32, #tpu.memory_space<vmem>>, vector<16xi32>,
      %dma_wait3A_269 = arith.constant 0 : i32
      %dma_wait3A_270 = arith.constant 0 : i32
      %dma_wait3A_271 = tpu.memref_slice %arg4[%dma_wait3A_269, %dma_wait3A_270] : memref<10000x128xf32, #tpu.memory_space<hbm>> -> memref<10000x128xf32, #tpu.memory_space<hbm>>
      tpu.wait_indirect_dma semaphore(%arg16 : memref<!tpu.dma_semaphore, #tpu.memory_space<semaphore_mem>>) src(%dma_wait3A_271 : memref<10000x128xf32, #tpu.memory_space<hbm>>) dst(%arg13 : memref<128x128xf32, #tpu.memory_space<vmem>>)
      %dma_start3A_272 = arith.constant 0 : i32
      %dma_start3A_273 = arith.constant 0 : i32
      %dma_start3A_274 = tpu.memref_slice %arg4[%dma_start3A_272, %dma_start3A_273] : memref<10000x128xf32, #tpu.memory_space<hbm>> -> memref<10000x128xf32, #tpu.memory_space<hbm>>
      tpu.enqueue_indirect_dma source(%dma_start3A_274 : memref<10000x128xf32, #tpu.memory_space<hbm>>) target(%arg12 : memref<128x128xf32, #tpu.memory_space<vmem>>) offsets(%arg9 : memref<128xi32, #tpu.memory_space<vmem>>) semaphore(%arg15 : memref<!tpu.dma_semaphore, #tpu.memory_space<semaphore_mem>>)
      %get3A_275 = arith.index_cast %add3A_224 : i32 to index
      %get3A_276 = arith.constant 0 : index
      %get3A_277 = tpu.vector_load %arg8[%get3A_275, %get3A_276] {strides = array<i32>} : memref<40x128xi32, #tpu.memory_space<vmem>>, vector<16xi32>,
      %swap3A_278 = arith.constant 0 : index
      %swap3A_279 = tpu.vector_load %arg11[%swap3A_278] {strides = array<i32>} : memref<128xi32, #tpu.memory_space<vmem>>, vector<16xi32>,
      tpu.vector_store %arg11[%swap3A_278], %get3A_277 {strides = array<i32>} : memref<128xi32, #tpu.memory_space<vmem>>, vector<16xi32>,
      %get3A_280 = arith.index_cast %add3A_224 : i32 to index
      %get3A_281 = arith.constant 16 : index
      %get3A_282 = tpu.vector_load %arg8[%get3A_280, %get3A_281] {strides = array<i32>} : memref<40x128xi32, #tpu.memory_space<vmem>>, vector<16xi32>,
      %swap3A_283 = arith.constant 16 : index
      %swap3A_284 = tpu.vector_load %arg11[%swap3A_283] {strides = array<i32>} : memref<128xi32, #tpu.memory_space<vmem>>, vector<16xi32>,
      tpu.vector_store %arg11[%swap3A_283], %get3A_282 {strides = array<i32>} : memref<128xi32, #tpu.memory_space<vmem>>, vector<16xi32>,
      %get3A_285 = arith.index_cast %add3A_224 : i32 to index
      %get3A_286 = arith.constant 32 : index
      %get3A_287 = tpu.vector_load %arg8[%get3A_285, %get3A_286] {strides = array<i32>} : memref<40x128xi32, #tpu.memory_space<vmem>>, vector<16xi32>,
      %swap3A_288 = arith.constant 32 : index
      %swap3A_289 = tpu.vector_load %arg11[%swap3A_288] {strides = array<i32>} : memref<128xi32, #tpu.memory_space<vmem>>, vector<16xi32>,
      tpu.vector_store %arg11[%swap3A_288], %get3A_287 {strides = array<i32>} : memref<128xi32, #tpu.memory_space<vmem>>, vector<16xi32>,
      %get3A_290 = arith.index_cast %add3A_224 : i32 to index
      %get3A_291 = arith.constant 48 : index
      %get3A_292 = tpu.vector_load %arg8[%get3A_290, %get3A_291] {strides = array<i32>} : memref<40x128xi32, #tpu.memory_space<vmem>>, vector<16xi32>,
      %swap3A_293 = arith.constant 48 : index
      %swap3A_294 = tpu.vector_load %arg11[%swap3A_293] {strides = array<i32>} : memref<128xi32, #tpu.memory_space<vmem>>, vector<16xi32>,
      tpu.vector_store %arg11[%swap3A_293], %get3A_292 {strides = array<i32>} : memref<128xi32, #tpu.memory_space<vmem>>, vector<16xi32>,
      %get3A_295 = arith.index_cast %add3A_224 : i32 to index
      %get3A_296 = arith.constant 64 : index
      %get3A_297 = tpu.vector_load %arg8[%get3A_295, %get3A_296] {strides = array<i32>} : memref<40x128xi32, #tpu.memory_space<vmem>>, vector<16xi32>,
      %swap3A_298 = arith.constant 64 : index
      %swap3A_299 = tpu.vector_load %arg11[%swap3A_298] {strides = array<i32>} : memref<128xi32, #tpu.memory_space<vmem>>, vector<16xi32>,
      tpu.vector_store %arg11[%swap3A_298], %get3A_297 {strides = array<i32>} : memref<128xi32, #tpu.memory_space<vmem>>, vector<16xi32>,
      %get3A_300 = arith.index_cast %add3A_224 : i32 to index
      %get3A_301 = arith.constant 80 : index
      %get3A_302 = tpu.vector_load %arg8[%get3A_300, %get3A_301] {strides = array<i32>} : memref<40x128xi32, #tpu.memory_space<vmem>>, vector<16xi32>,
      %swap3A_303 = arith.constant 80 : index
      %swap3A_304 = tpu.vector_load %arg11[%swap3A_303] {strides = array<i32>} : memref<128xi32, #tpu.memory_space<vmem>>, vector<16xi32>,
      tpu.vector_store %arg11[%swap3A_303], %get3A_302 {strides = array<i32>} : memref<128xi32, #tpu.memory_space<vmem>>, vector<16xi32>,
      %get3A_305 = arith.index_cast %add3A_224 : i32 to index
      %get3A_306 = arith.constant 96 : index
      %get3A_307 = tpu.vector_load %arg8[%get3A_305, %get3A_306] {strides = array<i32>} : memref<40x128xi32, #tpu.memory_space<vmem>>, vector<16xi32>,
      %swap3A_308 = arith.constant 96 : index
      %swap3A_309 = tpu.vector_load %arg11[%swap3A_308] {strides = array<i32>} : memref<128xi32, #tpu.memory_space<vmem>>, vector<16xi32>,
      tpu.vector_store %arg11[%swap3A_308], %get3A_307 {strides = array<i32>} : memref<128xi32, #tpu.memory_space<vmem>>, vector<16xi32>,
      %get3A_310 = arith.index_cast %add3A_224 : i32 to index
      %get3A_311 = arith.constant 112 : index
      %get3A_312 = tpu.vector_load %arg8[%get3A_310, %get3A_311] {strides = array<i32>} : memref<40x128xi32, #tpu.memory_space<vmem>>, vector<16xi32>,
      %swap3A_313 = arith.constant 112 : index
      %swap3A_314 = tpu.vector_load %arg11[%swap3A_313] {strides = array<i32>} : memref<128xi32, #tpu.memory_space<vmem>>, vector<16xi32>,
      tpu.vector_store %arg11[%swap3A_313], %get3A_312 {strides = array<i32>} : memref<128xi32, #tpu.memory_space<vmem>>, vector<16xi32>,
      "tpu.region"() ({
        %run_scoped3A = tpu.sem_alloc : memref<!tpu.dma_semaphore, #tpu.memory_space<semaphore_mem>>
        %dma_start3A_315 = arith.constant 0 : i32
        %dma_start3A_316 = arith.constant 0 : i32
        %dma_start3A_317 = tpu.memref_slice %arg14[%dma_start3A_315, %dma_start3A_316] : memref<10112x128xf32, #tpu.memory_space<vmem_shared>> -> memref<10112x128xf32, #tpu.memory_space<vmem_shared>>
        tpu.enqueue_indirect_dma source(%arg13 : memref<128x128xf32, #tpu.memory_space<vmem>>) target(%dma_start3A_317 : memref<10112x128xf32, #tpu.memory_space<vmem_shared>>) offsets(%arg11 : memref<128xi32, #tpu.memory_space<vmem>>) semaphore(%run_scoped3A : memref<!tpu.dma_semaphore, #tpu.memory_space<semaphore_mem>>) {add = true}
        %dma_wait3A_318 = arith.constant 0 : i32
        %dma_wait3A_319 = arith.constant 0 : i32
        %dma_wait3A_320 = tpu.memref_slice %arg14[%dma_wait3A_318, %dma_wait3A_319] : memref<10112x128xf32, #tpu.memory_space<vmem_shared>> -> memref<10112x128xf32, #tpu.memory_space<vmem_shared>>
        tpu.wait_indirect_dma semaphore(%run_scoped3A : memref<!tpu.dma_semaphore, #tpu.memory_space<semaphore_mem>>) src(%arg13 : memref<128x128xf32, #tpu.memory_space<vmem>>) dst(%dma_wait3A_320 : memref<10112x128xf32, #tpu.memory_space<vmem_shared>>)
        tpu.yield
      }) : () -> ()
    }
    %scan3A_59 = arith.constant 20 : i32
    %dma_wait3A = arith.constant 0 : i32
    %dma_wait3A_60 = arith.constant 0 : i32
    %dma_wait3A_61 = tpu.memref_slice %arg4[%dma_wait3A, %dma_wait3A_60] : memref<10000x128xf32, #tpu.memory_space<hbm>> -> memref<10000x128xf32, #tpu.memory_space<hbm>>
    tpu.wait_indirect_dma semaphore(%arg15 : memref<!tpu.dma_semaphore, #tpu.memory_space<semaphore_mem>>) src(%dma_wait3A_61 : memref<10000x128xf32, #tpu.memory_space<hbm>>) dst(%arg12 : memref<128x128xf32, #tpu.memory_space<vmem>>)
    %mul3A_62 = arith.constant 80 : i32
    %mul3A_63 = arith.muli %add3A, %mul3A_62 : i32
    %add3A_64 = arith.constant 40 : i32
    %add3A_65 = arith.addi %mul3A_63, %add3A_64 : i32
    "tpu.region"() ({
      %run_scoped3A = tpu.sem_alloc : memref<!tpu.dma_semaphore, #tpu.memory_space<semaphore_mem>>
      %dma_start3A_127 = arith.constant 0 : i32
      %dma_start3A_128 = tpu.memref_slice %arg2[%add3A_65, %dma_start3A_127] : memref<2560x128xi32, #tpu.memory_space<hbm>> -> memref<40x128xi32, #tpu.memory_space<hbm>>
      %dma_start3A_129 = arith.constant 0 : i32
      %dma_start3A_130 = tpu.memref_slice %arg2[%add3A_65, %dma_start3A_129] : memref<2560x128xi32, #tpu.memory_space<hbm>> -> memref<40x128xi32, #tpu.memory_space<hbm>>
      tpu.enqueue_dma source(%dma_start3A_130 : memref<40x128xi32, #tpu.memory_space<hbm>>) target(%arg7 : memref<40x128xi32, #tpu.memory_space<vmem>>) target_semaphore(%run_scoped3A : memref<!tpu.dma_semaphore, #tpu.memory_space<semaphore_mem>>)
      %dma_wait3A_131 = arith.constant 0 : i32
      %dma_wait3A_132 = tpu.memref_slice %arg2[%add3A_65, %dma_wait3A_131] : memref<2560x128xi32, #tpu.memory_space<hbm>> -> memref<40x128xi32, #tpu.memory_space<hbm>>
      %dma_wait3A_133 = arith.constant 0 : i32
      %dma_wait3A_134 = tpu.memref_slice %arg2[%add3A_65, %dma_wait3A_133] : memref<2560x128xi32, #tpu.memory_space<hbm>> -> memref<40x128xi32, #tpu.memory_space<hbm>>
      tpu.wait_dma2 semaphore(%run_scoped3A : memref<!tpu.dma_semaphore, #tpu.memory_space<semaphore_mem>>) src(%dma_wait3A_134 : memref<40x128xi32, #tpu.memory_space<hbm>>) dst(%arg7 : memref<40x128xi32, #tpu.memory_space<vmem>>)
      tpu.yield
    }) : () -> ()
    "tpu.region"() ({
      %run_scoped3A = tpu.sem_alloc : memref<!tpu.dma_semaphore, #tpu.memory_space<semaphore_mem>>
      %dma_start3A_127 = arith.constant 0 : i32
      %dma_start3A_128 = tpu.memref_slice %arg3[%add3A_65, %dma_start3A_127] : memref<2560x128xi32, #tpu.memory_space<hbm>> -> memref<40x128xi32, #tpu.memory_space<hbm>>
      %dma_start3A_129 = arith.constant 0 : i32
      %dma_start3A_130 = tpu.memref_slice %arg3[%add3A_65, %dma_start3A_129] : memref<2560x128xi32, #tpu.memory_space<hbm>> -> memref<40x128xi32, #tpu.memory_space<hbm>>
      tpu.enqueue_dma source(%dma_start3A_130 : memref<40x128xi32, #tpu.memory_space<hbm>>) target(%arg8 : memref<40x128xi32, #tpu.memory_space<vmem>>) target_semaphore(%run_scoped3A : memref<!tpu.dma_semaphore, #tpu.memory_space<semaphore_mem>>)
      %dma_wait3A_131 = arith.constant 0 : i32
      %dma_wait3A_132 = tpu.memref_slice %arg3[%add3A_65, %dma_wait3A_131] : memref<2560x128xi32, #tpu.memory_space<hbm>> -> memref<40x128xi32, #tpu.memory_space<hbm>>
      %dma_wait3A_133 = arith.constant 0 : i32
      %dma_wait3A_134 = tpu.memref_slice %arg3[%add3A_65, %dma_wait3A_133] : memref<2560x128xi32, #tpu.memory_space<hbm>> -> memref<40x128xi32, #tpu.memory_space<hbm>>
      tpu.wait_dma2 semaphore(%run_scoped3A : memref<!tpu.dma_semaphore, #tpu.memory_space<semaphore_mem>>) src(%dma_wait3A_134 : memref<40x128xi32, #tpu.memory_space<hbm>>) dst(%arg8 : memref<40x128xi32, #tpu.memory_space<vmem>>)
      tpu.yield
    }) : () -> ()
    %get3A_66 = arith.constant 0 : i32
    %get3A_67 = arith.index_cast %get3A_66 : i32 to index
    %get3A_68 = arith.constant 0 : index
    %get3A_69 = tpu.vector_load %arg7[%get3A_67, %get3A_68] {strides = array<i32>} : memref<40x128xi32, #tpu.memory_space<vmem>>, vector<16xi32>,
    %swap3A_70 = arith.constant 0 : index
    %swap3A_71 = tpu.vector_load %arg9[%swap3A_70] {strides = array<i32>} : memref<128xi32, #tpu.memory_space<vmem>>, vector<16xi32>,
    tpu.vector_store %arg9[%swap3A_70], %get3A_69 {strides = array<i32>} : memref<128xi32, #tpu.memory_space<vmem>>, vector<16xi32>,
    %get3A_72 = arith.constant 0 : i32
    %get3A_73 = arith.index_cast %get3A_72 : i32 to index
    %get3A_74 = arith.constant 16 : index
    %get3A_75 = tpu.vector_load %arg7[%get3A_73, %get3A_74] {strides = array<i32>} : memref<40x128xi32, #tpu.memory_space<vmem>>, vector<16xi32>,
    %swap3A_76 = arith.constant 16 : index
    %swap3A_77 = tpu.vector_load %arg9[%swap3A_76] {strides = array<i32>} : memref<128xi32, #tpu.memory_space<vmem>>, vector<16xi32>,
    tpu.vector_store %arg9[%swap3A_76], %get3A_75 {strides = array<i32>} : memref<128xi32, #tpu.memory_space<vmem>>, vector<16xi32>,
    %get3A_78 = arith.constant 0 : i32
    %get3A_79 = arith.index_cast %get3A_78 : i32 to index
    %get3A_80 = arith.constant 32 : index
    %get3A_81 = tpu.vector_load %arg7[%get3A_79, %get3A_80] {strides = array<i32>} : memref<40x128xi32, #tpu.memory_space<vmem>>, vector<16xi32>,
    %swap3A_82 = arith.constant 32 : index
    %swap3A_83 = tpu.vector_load %arg9[%swap3A_82] {strides = array<i32>} : memref<128xi32, #tpu.memory_space<vmem>>, vector<16xi32>,
    tpu.vector_store %arg9[%swap3A_82], %get3A_81 {strides = array<i32>} : memref<128xi32, #tpu.memory_space<vmem>>, vector<16xi32>,
    %get3A_84 = arith.constant 0 : i32
    %get3A_85 = arith.index_cast %get3A_84 : i32 to index
    %get3A_86 = arith.constant 48 : index
    %get3A_87 = tpu.vector_load %arg7[%get3A_85, %get3A_86] {strides = array<i32>} : memref<40x128xi32, #tpu.memory_space<vmem>>, vector<16xi32>,
    %swap3A_88 = arith.constant 48 : index
    %swap3A_89 = tpu.vector_load %arg9[%swap3A_88] {strides = array<i32>} : memref<128xi32, #tpu.memory_space<vmem>>, vector<16xi32>,
    tpu.vector_store %arg9[%swap3A_88], %get3A_87 {strides = array<i32>} : memref<128xi32, #tpu.memory_space<vmem>>, vector<16xi32>,
    %get3A_90 = arith.constant 0 : i32
    %get3A_91 = arith.index_cast %get3A_90 : i32 to index
    %get3A_92 = arith.constant 64 : index
    %get3A_93 = tpu.vector_load %arg7[%get3A_91, %get3A_92] {strides = array<i32>} : memref<40x128xi32, #tpu.memory_space<vmem>>, vector<16xi32>,
    %swap3A_94 = arith.constant 64 : index
    %swap3A_95 = tpu.vector_load %arg9[%swap3A_94] {strides = array<i32>} : memref<128xi32, #tpu.memory_space<vmem>>, vector<16xi32>,
    tpu.vector_store %arg9[%swap3A_94], %get3A_93 {strides = array<i32>} : memref<128xi32, #tpu.memory_space<vmem>>, vector<16xi32>,
    %get3A_96 = arith.constant 0 : i32
    %get3A_97 = arith.index_cast %get3A_96 : i32 to index
    %get3A_98 = arith.constant 80 : index
    %get3A_99 = tpu.vector_load %arg7[%get3A_97, %get3A_98] {strides = array<i32>} : memref<40x128xi32, #tpu.memory_space<vmem>>, vector<16xi32>,
    %swap3A_100 = arith.constant 80 : index
    %swap3A_101 = tpu.vector_load %arg9[%swap3A_100] {strides = array<i32>} : memref<128xi32, #tpu.memory_space<vmem>>, vector<16xi32>,
    tpu.vector_store %arg9[%swap3A_100], %get3A_99 {strides = array<i32>} : memref<128xi32, #tpu.memory_space<vmem>>, vector<16xi32>,
    %get3A_102 = arith.constant 0 : i32
    %get3A_103 = arith.index_cast %get3A_102 : i32 to index
    %get3A_104 = arith.constant 96 : index
    %get3A_105 = tpu.vector_load %arg7[%get3A_103, %get3A_104] {strides = array<i32>} : memref<40x128xi32, #tpu.memory_space<vmem>>, vector<16xi32>,
    %swap3A_106 = arith.constant 96 : index
    %swap3A_107 = tpu.vector_load %arg9[%swap3A_106] {strides = array<i32>} : memref<128xi32, #tpu.memory_space<vmem>>, vector<16xi32>,
    tpu.vector_store %arg9[%swap3A_106], %get3A_105 {strides = array<i32>} : memref<128xi32, #tpu.memory_space<vmem>>, vector<16xi32>,
    %get3A_108 = arith.constant 0 : i32
    %get3A_109 = arith.index_cast %get3A_108 : i32 to index
    %get3A_110 = arith.constant 112 : index
    %get3A_111 = tpu.vector_load %arg7[%get3A_109, %get3A_110] {strides = array<i32>} : memref<40x128xi32, #tpu.memory_space<vmem>>, vector<16xi32>,
    %swap3A_112 = arith.constant 112 : index
    %swap3A_113 = tpu.vector_load %arg9[%swap3A_112] {strides = array<i32>} : memref<128xi32, #tpu.memory_space<vmem>>, vector<16xi32>,
    tpu.vector_store %arg9[%swap3A_112], %get3A_111 {strides = array<i32>} : memref<128xi32, #tpu.memory_space<vmem>>, vector<16xi32>,
    %dma_start3A_114 = arith.constant 0 : i32
    %dma_start3A_115 = arith.constant 0 : i32
    %dma_start3A_116 = tpu.memref_slice %arg4[%dma_start3A_114, %dma_start3A_115] : memref<10000x128xf32, #tpu.memory_space<hbm>> -> memref<10000x128xf32, #tpu.memory_space<hbm>>
    tpu.enqueue_indirect_dma source(%dma_start3A_116 : memref<10000x128xf32, #tpu.memory_space<hbm>>) target(%arg12 : memref<128x128xf32, #tpu.memory_space<vmem>>) offsets(%arg9 : memref<128xi32, #tpu.memory_space<vmem>>) semaphore(%arg15 : memref<!tpu.dma_semaphore, #tpu.memory_space<semaphore_mem>>)
    %scan3A_117 = arith.constant 0 : i32
    %scan3A_118 = arith.constant 0 : i32
    %scan3A_119 = arith.constant 20 : i32
    %scan3A_120 = arith.addi %scan3A_118, %scan3A_119 : i32
    %scan3A_121 = arith.constant 1 : i32
    scf.for %scan3A_127 = %scan3A_118 to %scan3A_120 step %scan3A_121  : i32 {
      %mul3A_128 = arith.constant 2 : i32
      %mul3A_129 = arith.muli %mul3A_128, %scan3A_127 : i32
      %add3A_130 = arith.constant 0 : i32
      %add3A_131 = arith.addi %mul3A_129, %add3A_130 : i32
      %add3A_132 = arith.constant 1 : i32
      %add3A_133 = arith.addi %add3A_131, %add3A_132 : i32
      %min3A = arith.constant 39 : i32
      %min3A_134 = arith.minsi %add3A_133, %min3A : i32
      %get3A_135 = arith.index_cast %min3A_134 : i32 to index
      %get3A_136 = arith.constant 0 : index
      %get3A_137 = tpu.vector_load %arg7[%get3A_135, %get3A_136] {strides = array<i32>} : memref<40x128xi32, #tpu.memory_space<vmem>>, vector<16xi32>,
      %swap3A_138 = arith.constant 0 : index
      %swap3A_139 = tpu.vector_load %arg10[%swap3A_138] {strides = array<i32>} : memref<128xi32, #tpu.memory_space<vmem>>, vector<16xi32>,
      tpu.vector_store %arg10[%swap3A_138], %get3A_137 {strides = array<i32>} : memref<128xi32, #tpu.memory_space<vmem>>, vector<16xi32>,
      %get3A_140 = arith.index_cast %min3A_134 : i32 to index
      %get3A_141 = arith.constant 16 : index
      %get3A_142 = tpu.vector_load %arg7[%get3A_140, %get3A_141] {strides = array<i32>} : memref<40x128xi32, #tpu.memory_space<vmem>>, vector<16xi32>,
      %swap3A_143 = arith.constant 16 : index
      %swap3A_144 = tpu.vector_load %arg10[%swap3A_143] {strides = array<i32>} : memref<128xi32, #tpu.memory_space<vmem>>, vector<16xi32>,
      tpu.vector_store %arg10[%swap3A_143], %get3A_142 {strides = array<i32>} : memref<128xi32, #tpu.memory_space<vmem>>, vector<16xi32>,
      %get3A_145 = arith.index_cast %min3A_134 : i32 to index
      %get3A_146 = arith.constant 32 : index
      %get3A_147 = tpu.vector_load %arg7[%get3A_145, %get3A_146] {strides = array<i32>} : memref<40x128xi32, #tpu.memory_space<vmem>>, vector<16xi32>,
      %swap3A_148 = arith.constant 32 : index
      %swap3A_149 = tpu.vector_load %arg10[%swap3A_148] {strides = array<i32>} : memref<128xi32, #tpu.memory_space<vmem>>, vector<16xi32>,
      tpu.vector_store %arg10[%swap3A_148], %get3A_147 {strides = array<i32>} : memref<128xi32, #tpu.memory_space<vmem>>, vector<16xi32>,
      %get3A_150 = arith.index_cast %min3A_134 : i32 to index
      %get3A_151 = arith.constant 48 : index
      %get3A_152 = tpu.vector_load %arg7[%get3A_150, %get3A_151] {strides = array<i32>} : memref<40x128xi32, #tpu.memory_space<vmem>>, vector<16xi32>,
      %swap3A_153 = arith.constant 48 : index
      %swap3A_154 = tpu.vector_load %arg10[%swap3A_153] {strides = array<i32>} : memref<128xi32, #tpu.memory_space<vmem>>, vector<16xi32>,
      tpu.vector_store %arg10[%swap3A_153], %get3A_152 {strides = array<i32>} : memref<128xi32, #tpu.memory_space<vmem>>, vector<16xi32>,
      %get3A_155 = arith.index_cast %min3A_134 : i32 to index
      %get3A_156 = arith.constant 64 : index
      %get3A_157 = tpu.vector_load %arg7[%get3A_155, %get3A_156] {strides = array<i32>} : memref<40x128xi32, #tpu.memory_space<vmem>>, vector<16xi32>,
      %swap3A_158 = arith.constant 64 : index
      %swap3A_159 = tpu.vector_load %arg10[%swap3A_158] {strides = array<i32>} : memref<128xi32, #tpu.memory_space<vmem>>, vector<16xi32>,
      tpu.vector_store %arg10[%swap3A_158], %get3A_157 {strides = array<i32>} : memref<128xi32, #tpu.memory_space<vmem>>, vector<16xi32>,
      %get3A_160 = arith.index_cast %min3A_134 : i32 to index
      %get3A_161 = arith.constant 80 : index
      %get3A_162 = tpu.vector_load %arg7[%get3A_160, %get3A_161] {strides = array<i32>} : memref<40x128xi32, #tpu.memory_space<vmem>>, vector<16xi32>,
      %swap3A_163 = arith.constant 80 : index
      %swap3A_164 = tpu.vector_load %arg10[%swap3A_163] {strides = array<i32>} : memref<128xi32, #tpu.memory_space<vmem>>, vector<16xi32>,
      tpu.vector_store %arg10[%swap3A_163], %get3A_162 {strides = array<i32>} : memref<128xi32, #tpu.memory_space<vmem>>, vector<16xi32>,
      %get3A_165 = arith.index_cast %min3A_134 : i32 to index
      %get3A_166 = arith.constant 96 : index
      %get3A_167 = tpu.vector_load %arg7[%get3A_165, %get3A_166] {strides = array<i32>} : memref<40x128xi32, #tpu.memory_space<vmem>>, vector<16xi32>,
      %swap3A_168 = arith.constant 96 : index
      %swap3A_169 = tpu.vector_load %arg10[%swap3A_168] {strides = array<i32>} : memref<128xi32, #tpu.memory_space<vmem>>, vector<16xi32>,
      tpu.vector_store %arg10[%swap3A_168], %get3A_167 {strides = array<i32>} : memref<128xi32, #tpu.memory_space<vmem>>, vector<16xi32>,
      %get3A_170 = arith.index_cast %min3A_134 : i32 to index
      %get3A_171 = arith.constant 112 : index
      %get3A_172 = tpu.vector_load %arg7[%get3A_170, %get3A_171] {strides = array<i32>} : memref<40x128xi32, #tpu.memory_space<vmem>>, vector<16xi32>,
      %swap3A_173 = arith.constant 112 : index
      %swap3A_174 = tpu.vector_load %arg10[%swap3A_173] {strides = array<i32>} : memref<128xi32, #tpu.memory_space<vmem>>, vector<16xi32>,
      tpu.vector_store %arg10[%swap3A_173], %get3A_172 {strides = array<i32>} : memref<128xi32, #tpu.memory_space<vmem>>, vector<16xi32>,
      %dma_wait3A_175 = arith.constant 0 : i32
      %dma_wait3A_176 = arith.constant 0 : i32
      %dma_wait3A_177 = tpu.memref_slice %arg4[%dma_wait3A_175, %dma_wait3A_176] : memref<10000x128xf32, #tpu.memory_space<hbm>> -> memref<10000x128xf32, #tpu.memory_space<hbm>>
      tpu.wait_indirect_dma semaphore(%arg15 : memref<!tpu.dma_semaphore, #tpu.memory_space<semaphore_mem>>) src(%dma_wait3A_177 : memref<10000x128xf32, #tpu.memory_space<hbm>>) dst(%arg12 : memref<128x128xf32, #tpu.memory_space<vmem>>)
      %dma_start3A_178 = arith.constant 0 : i32
      %dma_start3A_179 = arith.constant 0 : i32
      %dma_start3A_180 = tpu.memref_slice %arg4[%dma_start3A_178, %dma_start3A_179] : memref<10000x128xf32, #tpu.memory_space<hbm>> -> memref<10000x128xf32, #tpu.memory_space<hbm>>
      tpu.enqueue_indirect_dma source(%dma_start3A_180 : memref<10000x128xf32, #tpu.memory_space<hbm>>) target(%arg13 : memref<128x128xf32, #tpu.memory_space<vmem>>) offsets(%arg10 : memref<128xi32, #tpu.memory_space<vmem>>) semaphore(%arg16 : memref<!tpu.dma_semaphore, #tpu.memory_space<semaphore_mem>>)
      %get3A_181 = arith.index_cast %add3A_131 : i32 to index
      %get3A_182 = arith.constant 0 : index
      %get3A_183 = tpu.vector_load %arg8[%get3A_181, %get3A_182] {strides = array<i32>} : memref<40x128xi32, #tpu.memory_space<vmem>>, vector<16xi32>,
      %swap3A_184 = arith.constant 0 : index
      %swap3A_185 = tpu.vector_load %arg11[%swap3A_184] {strides = array<i32>} : memref<128xi32, #tpu.memory_space<vmem>>, vector<16xi32>,
      tpu.vector_store %arg11[%swap3A_184], %get3A_183 {strides = array<i32>} : memref<128xi32, #tpu.memory_space<vmem>>, vector<16xi32>,
      %get3A_186 = arith.index_cast %add3A_131 : i32 to index
      %get3A_187 = arith.constant 16 : index
      %get3A_188 = tpu.vector_load %arg8[%get3A_186, %get3A_187] {strides = array<i32>} : memref<40x128xi32, #tpu.memory_space<vmem>>, vector<16xi32>,
      %swap3A_189 = arith.constant 16 : index
      %swap3A_190 = tpu.vector_load %arg11[%swap3A_189] {strides = array<i32>} : memref<128xi32, #tpu.memory_space<vmem>>, vector<16xi32>,
      tpu.vector_store %arg11[%swap3A_189], %get3A_188 {strides = array<i32>} : memref<128xi32, #tpu.memory_space<vmem>>, vector<16xi32>,
      %get3A_191 = arith.index_cast %add3A_131 : i32 to index
      %get3A_192 = arith.constant 32 : index
      %get3A_193 = tpu.vector_load %arg8[%get3A_191, %get3A_192] {strides = array<i32>} : memref<40x128xi32, #tpu.memory_space<vmem>>, vector<16xi32>,
      %swap3A_194 = arith.constant 32 : index
      %swap3A_195 = tpu.vector_load %arg11[%swap3A_194] {strides = array<i32>} : memref<128xi32, #tpu.memory_space<vmem>>, vector<16xi32>,
      tpu.vector_store %arg11[%swap3A_194], %get3A_193 {strides = array<i32>} : memref<128xi32, #tpu.memory_space<vmem>>, vector<16xi32>,
      %get3A_196 = arith.index_cast %add3A_131 : i32 to index
      %get3A_197 = arith.constant 48 : index
      %get3A_198 = tpu.vector_load %arg8[%get3A_196, %get3A_197] {strides = array<i32>} : memref<40x128xi32, #tpu.memory_space<vmem>>, vector<16xi32>,
      %swap3A_199 = arith.constant 48 : index
      %swap3A_200 = tpu.vector_load %arg11[%swap3A_199] {strides = array<i32>} : memref<128xi32, #tpu.memory_space<vmem>>, vector<16xi32>,
      tpu.vector_store %arg11[%swap3A_199], %get3A_198 {strides = array<i32>} : memref<128xi32, #tpu.memory_space<vmem>>, vector<16xi32>,
      %get3A_201 = arith.index_cast %add3A_131 : i32 to index
      %get3A_202 = arith.constant 64 : index
      %get3A_203 = tpu.vector_load %arg8[%get3A_201, %get3A_202] {strides = array<i32>} : memref<40x128xi32, #tpu.memory_space<vmem>>, vector<16xi32>,
      %swap3A_204 = arith.constant 64 : index
      %swap3A_205 = tpu.vector_load %arg11[%swap3A_204] {strides = array<i32>} : memref<128xi32, #tpu.memory_space<vmem>>, vector<16xi32>,
      tpu.vector_store %arg11[%swap3A_204], %get3A_203 {strides = array<i32>} : memref<128xi32, #tpu.memory_space<vmem>>, vector<16xi32>,
      %get3A_206 = arith.index_cast %add3A_131 : i32 to index
      %get3A_207 = arith.constant 80 : index
      %get3A_208 = tpu.vector_load %arg8[%get3A_206, %get3A_207] {strides = array<i32>} : memref<40x128xi32, #tpu.memory_space<vmem>>, vector<16xi32>,
      %swap3A_209 = arith.constant 80 : index
      %swap3A_210 = tpu.vector_load %arg11[%swap3A_209] {strides = array<i32>} : memref<128xi32, #tpu.memory_space<vmem>>, vector<16xi32>,
      tpu.vector_store %arg11[%swap3A_209], %get3A_208 {strides = array<i32>} : memref<128xi32, #tpu.memory_space<vmem>>, vector<16xi32>,
      %get3A_211 = arith.index_cast %add3A_131 : i32 to index
      %get3A_212 = arith.constant 96 : index
      %get3A_213 = tpu.vector_load %arg8[%get3A_211, %get3A_212] {strides = array<i32>} : memref<40x128xi32, #tpu.memory_space<vmem>>, vector<16xi32>,
      %swap3A_214 = arith.constant 96 : index
      %swap3A_215 = tpu.vector_load %arg11[%swap3A_214] {strides = array<i32>} : memref<128xi32, #tpu.memory_space<vmem>>, vector<16xi32>,
      tpu.vector_store %arg11[%swap3A_214], %get3A_213 {strides = array<i32>} : memref<128xi32, #tpu.memory_space<vmem>>, vector<16xi32>,
      %get3A_216 = arith.index_cast %add3A_131 : i32 to index
      %get3A_217 = arith.constant 112 : index
      %get3A_218 = tpu.vector_load %arg8[%get3A_216, %get3A_217] {strides = array<i32>} : memref<40x128xi32, #tpu.memory_space<vmem>>, vector<16xi32>,
      %swap3A_219 = arith.constant 112 : index
      %swap3A_220 = tpu.vector_load %arg11[%swap3A_219] {strides = array<i32>} : memref<128xi32, #tpu.memory_space<vmem>>, vector<16xi32>,
      tpu.vector_store %arg11[%swap3A_219], %get3A_218 {strides = array<i32>} : memref<128xi32, #tpu.memory_space<vmem>>, vector<16xi32>,
      "tpu.region"() ({
        %run_scoped3A = tpu.sem_alloc : memref<!tpu.dma_semaphore, #tpu.memory_space<semaphore_mem>>
        %dma_start3A_315 = arith.constant 0 : i32
        %dma_start3A_316 = arith.constant 0 : i32
        %dma_start3A_317 = tpu.memref_slice %arg14[%dma_start3A_315, %dma_start3A_316] : memref<10112x128xf32, #tpu.memory_space<vmem_shared>> -> memref<10112x128xf32, #tpu.memory_space<vmem_shared>>
        tpu.enqueue_indirect_dma source(%arg12 : memref<128x128xf32, #tpu.memory_space<vmem>>) target(%dma_start3A_317 : memref<10112x128xf32, #tpu.memory_space<vmem_shared>>) offsets(%arg11 : memref<128xi32, #tpu.memory_space<vmem>>) semaphore(%run_scoped3A : memref<!tpu.dma_semaphore, #tpu.memory_space<semaphore_mem>>) {add = true}
        %dma_wait3A_318 = arith.constant 0 : i32
        %dma_wait3A_319 = arith.constant 0 : i32
        %dma_wait3A_320 = tpu.memref_slice %arg14[%dma_wait3A_318, %dma_wait3A_319] : memref<10112x128xf32, #tpu.memory_space<vmem_shared>> -> memref<10112x128xf32, #tpu.memory_space<vmem_shared>>
        tpu.wait_indirect_dma semaphore(%run_scoped3A : memref<!tpu.dma_semaphore, #tpu.memory_space<semaphore_mem>>) src(%arg12 : memref<128x128xf32, #tpu.memory_space<vmem>>) dst(%dma_wait3A_320 : memref<10112x128xf32, #tpu.memory_space<vmem_shared>>)
        tpu.yield
      }) : () -> ()
      %mul3A_221 = arith.constant 2 : i32
      %mul3A_222 = arith.muli %mul3A_221, %scan3A_127 : i32
      %add3A_223 = arith.constant 1 : i32
      %add3A_224 = arith.addi %mul3A_222, %add3A_223 : i32
      %add3A_225 = arith.constant 1 : i32
      %add3A_226 = arith.addi %add3A_224, %add3A_225 : i32
      %min3A_227 = arith.constant 39 : i32
      %min3A_228 = arith.minsi %add3A_226, %min3A_227 : i32
      %get3A_229 = arith.index_cast %min3A_228 : i32 to index
      %get3A_230 = arith.constant 0 : index
      %get3A_231 = tpu.vector_load %arg7[%get3A_229, %get3A_230] {strides = array<i32>} : memref<40x128xi32, #tpu.memory_space<vmem>>, vector<16xi32>,
      %swap3A_232 = arith.constant 0 : index
      %swap3A_233 = tpu.vector_load %arg9[%swap3A_232] {strides = array<i32>} : memref<128xi32, #tpu.memory_space<vmem>>, vector<16xi32>,
      tpu.vector_store %arg9[%swap3A_232], %get3A_231 {strides = array<i32>} : memref<128xi32, #tpu.memory_space<vmem>>, vector<16xi32>,
      %get3A_234 = arith.index_cast %min3A_228 : i32 to index
      %get3A_235 = arith.constant 16 : index
      %get3A_236 = tpu.vector_load %arg7[%get3A_234, %get3A_235] {strides = array<i32>} : memref<40x128xi32, #tpu.memory_space<vmem>>, vector<16xi32>,
      %swap3A_237 = arith.constant 16 : index
      %swap3A_238 = tpu.vector_load %arg9[%swap3A_237] {strides = array<i32>} : memref<128xi32, #tpu.memory_space<vmem>>, vector<16xi32>,
      tpu.vector_store %arg9[%swap3A_237], %get3A_236 {strides = array<i32>} : memref<128xi32, #tpu.memory_space<vmem>>, vector<16xi32>,
      %get3A_239 = arith.index_cast %min3A_228 : i32 to index
      %get3A_240 = arith.constant 32 : index
      %get3A_241 = tpu.vector_load %arg7[%get3A_239, %get3A_240] {strides = array<i32>} : memref<40x128xi32, #tpu.memory_space<vmem>>, vector<16xi32>,
      %swap3A_242 = arith.constant 32 : index
      %swap3A_243 = tpu.vector_load %arg9[%swap3A_242] {strides = array<i32>} : memref<128xi32, #tpu.memory_space<vmem>>, vector<16xi32>,
      tpu.vector_store %arg9[%swap3A_242], %get3A_241 {strides = array<i32>} : memref<128xi32, #tpu.memory_space<vmem>>, vector<16xi32>,
      %get3A_244 = arith.index_cast %min3A_228 : i32 to index
      %get3A_245 = arith.constant 48 : index
      %get3A_246 = tpu.vector_load %arg7[%get3A_244, %get3A_245] {strides = array<i32>} : memref<40x128xi32, #tpu.memory_space<vmem>>, vector<16xi32>,
      %swap3A_247 = arith.constant 48 : index
      %swap3A_248 = tpu.vector_load %arg9[%swap3A_247] {strides = array<i32>} : memref<128xi32, #tpu.memory_space<vmem>>, vector<16xi32>,
      tpu.vector_store %arg9[%swap3A_247], %get3A_246 {strides = array<i32>} : memref<128xi32, #tpu.memory_space<vmem>>, vector<16xi32>,
      %get3A_249 = arith.index_cast %min3A_228 : i32 to index
      %get3A_250 = arith.constant 64 : index
      %get3A_251 = tpu.vector_load %arg7[%get3A_249, %get3A_250] {strides = array<i32>} : memref<40x128xi32, #tpu.memory_space<vmem>>, vector<16xi32>,
      %swap3A_252 = arith.constant 64 : index
      %swap3A_253 = tpu.vector_load %arg9[%swap3A_252] {strides = array<i32>} : memref<128xi32, #tpu.memory_space<vmem>>, vector<16xi32>,
      tpu.vector_store %arg9[%swap3A_252], %get3A_251 {strides = array<i32>} : memref<128xi32, #tpu.memory_space<vmem>>, vector<16xi32>,
      %get3A_254 = arith.index_cast %min3A_228 : i32 to index
      %get3A_255 = arith.constant 80 : index
      %get3A_256 = tpu.vector_load %arg7[%get3A_254, %get3A_255] {strides = array<i32>} : memref<40x128xi32, #tpu.memory_space<vmem>>, vector<16xi32>,
      %swap3A_257 = arith.constant 80 : index
      %swap3A_258 = tpu.vector_load %arg9[%swap3A_257] {strides = array<i32>} : memref<128xi32, #tpu.memory_space<vmem>>, vector<16xi32>,
      tpu.vector_store %arg9[%swap3A_257], %get3A_256 {strides = array<i32>} : memref<128xi32, #tpu.memory_space<vmem>>, vector<16xi32>,
      %get3A_259 = arith.index_cast %min3A_228 : i32 to index
      %get3A_260 = arith.constant 96 : index
      %get3A_261 = tpu.vector_load %arg7[%get3A_259, %get3A_260] {strides = array<i32>} : memref<40x128xi32, #tpu.memory_space<vmem>>, vector<16xi32>,
      %swap3A_262 = arith.constant 96 : index
      %swap3A_263 = tpu.vector_load %arg9[%swap3A_262] {strides = array<i32>} : memref<128xi32, #tpu.memory_space<vmem>>, vector<16xi32>,
      tpu.vector_store %arg9[%swap3A_262], %get3A_261 {strides = array<i32>} : memref<128xi32, #tpu.memory_space<vmem>>, vector<16xi32>,
      %get3A_264 = arith.index_cast %min3A_228 : i32 to index
      %get3A_265 = arith.constant 112 : index
      %get3A_266 = tpu.vector_load %arg7[%get3A_264, %get3A_265] {strides = array<i32>} : memref<40x128xi32, #tpu.memory_space<vmem>>, vector<16xi32>,
      %swap3A_267 = arith.constant 112 : index
      %swap3A_268 = tpu.vector_load %arg9[%swap3A_267] {strides = array<i32>} : memref<128xi32, #tpu.memory_space<vmem>>, vector<16xi32>,
      tpu.vector_store %arg9[%swap3A_267], %get3A_266 {strides = array<i32>} : memref<128xi32, #tpu.memory_space<vmem>>, vector<16xi32>,
      %dma_wait3A_269 = arith.constant 0 : i32
      %dma_wait3A_270 = arith.constant 0 : i32
      %dma_wait3A_271 = tpu.memref_slice %arg4[%dma_wait3A_269, %dma_wait3A_270] : memref<10000x128xf32, #tpu.memory_space<hbm>> -> memref<10000x128xf32, #tpu.memory_space<hbm>>
      tpu.wait_indirect_dma semaphore(%arg16 : memref<!tpu.dma_semaphore, #tpu.memory_space<semaphore_mem>>) src(%dma_wait3A_271 : memref<10000x128xf32, #tpu.memory_space<hbm>>) dst(%arg13 : memref<128x128xf32, #tpu.memory_space<vmem>>)
      %dma_start3A_272 = arith.constant 0 : i32
      %dma_start3A_273 = arith.constant 0 : i32
      %dma_start3A_274 = tpu.memref_slice %arg4[%dma_start3A_272, %dma_start3A_273] : memref<10000x128xf32, #tpu.memory_space<hbm>> -> memref<10000x128xf32, #tpu.memory_space<hbm>>
      tpu.enqueue_indirect_dma source(%dma_start3A_274 : memref<10000x128xf32, #tpu.memory_space<hbm>>) target(%arg12 : memref<128x128xf32, #tpu.memory_space<vmem>>) offsets(%arg9 : memref<128xi32, #tpu.memory_space<vmem>>) semaphore(%arg15 : memref<!tpu.dma_semaphore, #tpu.memory_space<semaphore_mem>>)
      %get3A_275 = arith.index_cast %add3A_224 : i32 to index
      %get3A_276 = arith.constant 0 : index
      %get3A_277 = tpu.vector_load %arg8[%get3A_275, %get3A_276] {strides = array<i32>} : memref<40x128xi32, #tpu.memory_space<vmem>>, vector<16xi32>,
      %swap3A_278 = arith.constant 0 : index
      %swap3A_279 = tpu.vector_load %arg11[%swap3A_278] {strides = array<i32>} : memref<128xi32, #tpu.memory_space<vmem>>, vector<16xi32>,
      tpu.vector_store %arg11[%swap3A_278], %get3A_277 {strides = array<i32>} : memref<128xi32, #tpu.memory_space<vmem>>, vector<16xi32>,
      %get3A_280 = arith.index_cast %add3A_224 : i32 to index
      %get3A_281 = arith.constant 16 : index
      %get3A_282 = tpu.vector_load %arg8[%get3A_280, %get3A_281] {strides = array<i32>} : memref<40x128xi32, #tpu.memory_space<vmem>>, vector<16xi32>,
      %swap3A_283 = arith.constant 16 : index
      %swap3A_284 = tpu.vector_load %arg11[%swap3A_283] {strides = array<i32>} : memref<128xi32, #tpu.memory_space<vmem>>, vector<16xi32>,
      tpu.vector_store %arg11[%swap3A_283], %get3A_282 {strides = array<i32>} : memref<128xi32, #tpu.memory_space<vmem>>, vector<16xi32>,
      %get3A_285 = arith.index_cast %add3A_224 : i32 to index
      %get3A_286 = arith.constant 32 : index
      %get3A_287 = tpu.vector_load %arg8[%get3A_285, %get3A_286] {strides = array<i32>} : memref<40x128xi32, #tpu.memory_space<vmem>>, vector<16xi32>,
      %swap3A_288 = arith.constant 32 : index
      %swap3A_289 = tpu.vector_load %arg11[%swap3A_288] {strides = array<i32>} : memref<128xi32, #tpu.memory_space<vmem>>, vector<16xi32>,
      tpu.vector_store %arg11[%swap3A_288], %get3A_287 {strides = array<i32>} : memref<128xi32, #tpu.memory_space<vmem>>, vector<16xi32>,
      %get3A_290 = arith.index_cast %add3A_224 : i32 to index
      %get3A_291 = arith.constant 48 : index
      %get3A_292 = tpu.vector_load %arg8[%get3A_290, %get3A_291] {strides = array<i32>} : memref<40x128xi32, #tpu.memory_space<vmem>>, vector<16xi32>,
      %swap3A_293 = arith.constant 48 : index
      %swap3A_294 = tpu.vector_load %arg11[%swap3A_293] {strides = array<i32>} : memref<128xi32, #tpu.memory_space<vmem>>, vector<16xi32>,
      tpu.vector_store %arg11[%swap3A_293], %get3A_292 {strides = array<i32>} : memref<128xi32, #tpu.memory_space<vmem>>, vector<16xi32>,
      %get3A_295 = arith.index_cast %add3A_224 : i32 to index
      %get3A_296 = arith.constant 64 : index
      %get3A_297 = tpu.vector_load %arg8[%get3A_295, %get3A_296] {strides = array<i32>} : memref<40x128xi32, #tpu.memory_space<vmem>>, vector<16xi32>,
      %swap3A_298 = arith.constant 64 : index
      %swap3A_299 = tpu.vector_load %arg11[%swap3A_298] {strides = array<i32>} : memref<128xi32, #tpu.memory_space<vmem>>, vector<16xi32>,
      tpu.vector_store %arg11[%swap3A_298], %get3A_297 {strides = array<i32>} : memref<128xi32, #tpu.memory_space<vmem>>, vector<16xi32>,
      %get3A_300 = arith.index_cast %add3A_224 : i32 to index
      %get3A_301 = arith.constant 80 : index
      %get3A_302 = tpu.vector_load %arg8[%get3A_300, %get3A_301] {strides = array<i32>} : memref<40x128xi32, #tpu.memory_space<vmem>>, vector<16xi32>,
      %swap3A_303 = arith.constant 80 : index
      %swap3A_304 = tpu.vector_load %arg11[%swap3A_303] {strides = array<i32>} : memref<128xi32, #tpu.memory_space<vmem>>, vector<16xi32>,
      tpu.vector_store %arg11[%swap3A_303], %get3A_302 {strides = array<i32>} : memref<128xi32, #tpu.memory_space<vmem>>, vector<16xi32>,
      %get3A_305 = arith.index_cast %add3A_224 : i32 to index
      %get3A_306 = arith.constant 96 : index
      %get3A_307 = tpu.vector_load %arg8[%get3A_305, %get3A_306] {strides = array<i32>} : memref<40x128xi32, #tpu.memory_space<vmem>>, vector<16xi32>,
      %swap3A_308 = arith.constant 96 : index
      %swap3A_309 = tpu.vector_load %arg11[%swap3A_308] {strides = array<i32>} : memref<128xi32, #tpu.memory_space<vmem>>, vector<16xi32>,
      tpu.vector_store %arg11[%swap3A_308], %get3A_307 {strides = array<i32>} : memref<128xi32, #tpu.memory_space<vmem>>, vector<16xi32>,
      %get3A_310 = arith.index_cast %add3A_224 : i32 to index
      %get3A_311 = arith.constant 112 : index
      %get3A_312 = tpu.vector_load %arg8[%get3A_310, %get3A_311] {strides = array<i32>} : memref<40x128xi32, #tpu.memory_space<vmem>>, vector<16xi32>,
      %swap3A_313 = arith.constant 112 : index
      %swap3A_314 = tpu.vector_load %arg11[%swap3A_313] {strides = array<i32>} : memref<128xi32, #tpu.memory_space<vmem>>, vector<16xi32>,
      tpu.vector_store %arg11[%swap3A_313], %get3A_312 {strides = array<i32>} : memref<128xi32, #tpu.memory_space<vmem>>, vector<16xi32>,
      "tpu.region"() ({
        %run_scoped3A = tpu.sem_alloc : memref<!tpu.dma_semaphore, #tpu.memory_space<semaphore_mem>>
        %dma_start3A_315 = arith.constant 0 : i32
        %dma_start3A_316 = arith.constant 0 : i32
        %dma_start3A_317 = tpu.memref_slice %arg14[%dma_start3A_315, %dma_start3A_316] : memref<10112x128xf32, #tpu.memory_space<vmem_shared>> -> memref<10112x128xf32, #tpu.memory_space<vmem_shared>>
        tpu.enqueue_indirect_dma source(%arg13 : memref<128x128xf32, #tpu.memory_space<vmem>>) target(%dma_start3A_317 : memref<10112x128xf32, #tpu.memory_space<vmem_shared>>) offsets(%arg11 : memref<128xi32, #tpu.memory_space<vmem>>) semaphore(%run_scoped3A : memref<!tpu.dma_semaphore, #tpu.memory_space<semaphore_mem>>) {add = true}
        %dma_wait3A_318 = arith.constant 0 : i32
        %dma_wait3A_319 = arith.constant 0 : i32
        %dma_wait3A_320 = tpu.memref_slice %arg14[%dma_wait3A_318, %dma_wait3A_319] : memref<10112x128xf32, #tpu.memory_space<vmem_shared>> -> memref<10112x128xf32, #tpu.memory_space<vmem_shared>>
        tpu.wait_indirect_dma semaphore(%run_scoped3A : memref<!tpu.dma_semaphore, #tpu.memory_space<semaphore_mem>>) src(%arg13 : memref<128x128xf32, #tpu.memory_space<vmem>>) dst(%dma_wait3A_320 : memref<10112x128xf32, #tpu.memory_space<vmem_shared>>)
        tpu.yield
      }) : () -> ()
    }
    %scan3A_122 = arith.constant 20 : i32
    %dma_wait3A_123 = arith.constant 0 : i32
    %dma_wait3A_124 = arith.constant 0 : i32
    %dma_wait3A_125 = tpu.memref_slice %arg4[%dma_wait3A_123, %dma_wait3A_124] : memref<10000x128xf32, #tpu.memory_space<hbm>> -> memref<10000x128xf32, #tpu.memory_space<hbm>>
    tpu.wait_indirect_dma semaphore(%arg15 : memref<!tpu.dma_semaphore, #tpu.memory_space<semaphore_mem>>) src(%dma_wait3A_125 : memref<10000x128xf32, #tpu.memory_space<hbm>>) dst(%arg12 : memref<128x128xf32, #tpu.memory_space<vmem>>)
    %barrier3A_126 = arith.constant 0 : index
    tpu.barrier barrier_id(%barrier3A_126)
    "tpu.region"() ({
      %run_scoped3A = tpu.sem_alloc : memref<!tpu.dma_semaphore, #tpu.memory_space<semaphore_mem>>
      %dma_start3A_127 = arith.constant 0 : i32
      %dma_start3A_128 = tpu.memref_slice %arg6[%arg0, %mul3A_2, %dma_start3A_127] : memref<2x10112x128xf32, #tpu.memory_space<hbm>> -> memref<1x632x128xf32, #tpu.memory_space<hbm>>
      %dma_start3A_129 = tpu.memref_squeeze %dma_start3A_128 : memref<1x632x128xf32, #tpu.memory_space<hbm>> -> memref<632x128xf32, #tpu.memory_space<hbm>>
      %dma_start3A_130 = arith.constant 0 : i32
      %dma_start3A_131 = tpu.memref_slice %arg14[%mul3A_2, %dma_start3A_130] : memref<10112x128xf32, #tpu.memory_space<vmem_shared>> -> memref<632x128xf32, #tpu.memory_space<vmem_shared>>
      tpu.enqueue_dma source(%dma_start3A_131 : memref<632x128xf32, #tpu.memory_space<vmem_shared>>) target(%dma_start3A_129 : memref<632x128xf32, #tpu.memory_space<hbm>>) target_semaphore(%run_scoped3A : memref<!tpu.dma_semaphore, #tpu.memory_space<semaphore_mem>>)
      %dma_wait3A_132 = arith.constant 0 : i32
      %dma_wait3A_133 = tpu.memref_slice %arg6[%arg0, %mul3A_2, %dma_wait3A_132] : memref<2x10112x128xf32, #tpu.memory_space<hbm>> -> memref<1x632x128xf32, #tpu.memory_space<hbm>>
      %dma_wait3A_134 = tpu.memref_squeeze %dma_wait3A_133 : memref<1x632x128xf32, #tpu.memory_space<hbm>> -> memref<632x128xf32, #tpu.memory_space<hbm>>
      %dma_wait3A_135 = arith.constant 0 : i32
      %dma_wait3A_136 = tpu.memref_slice %arg14[%mul3A_2, %dma_wait3A_135] : memref<10112x128xf32, #tpu.memory_space<vmem_shared>> -> memref<632x128xf32, #tpu.memory_space<vmem_shared>>
      tpu.wait_dma2 semaphore(%run_scoped3A : memref<!tpu.dma_semaphore, #tpu.memory_space<semaphore_mem>>) src(%dma_wait3A_136 : memref<632x128xf32, #tpu.memory_space<vmem_shared>>) dst(%dma_wait3A_134 : memref<632x128xf32, #tpu.memory_space<hbm>>)
      tpu.yield
    }) : () -> ()
    return
  }
}

module attributes {stable_mosaic.version = 14 : i64} {
  func.func @tc_scale1(%arg0: i32, %arg1: memref<2000x32xf32, #tpu.memory_space<vmem>>, %arg2: memref<2000x128xf32, #tpu.memory_space<vmem>>, %arg3: memref<128x128xf32, #tpu.memory_space<vmem>>, %arg4: memref<2000x128xf32, #tpu.memory_space<vmem>>, %arg5: memref<2000x1xf32, #tpu.memory_space<vmem>>) attributes {dimension_semantics = [#tpu.dimension_semantics<arbitrary>], iteration_bounds = array<i64: 5>, scalar_prefetch = 0 : i64, scratch_operands = 0 : i64, tpu.core_type = #tpu.core_type<tc>, window_params = [{transform_indices = @transform_0, window_bounds = array<i64: 2000, 32>}, {transform_indices = @transform_1, window_bounds = array<i64: 2000, 128>}, {pipeline_mode = #tpu.pipeline_mode<synchronous>, transform_indices = @transform_2, window_bounds = array<i64: 128, 128>}, {transform_indices = @transform_3, window_bounds = array<i64: 2000, 128>}, {transform_indices = @transform_4, window_bounds = array<i64: 2000, 1>}]} {
    %get3A = arith.constant 0 : index
    %get3A_0 = arith.constant 0 : index
    %get3A_1 = vector.load %arg1[%get3A, %get3A_0] : memref<2000x32xf32, #tpu.memory_space<vmem>>, vector<2000x32xf32>
    %reduce_sum3A = arith.constant dense<0.000000e+00> : vector<2000xf32>
    %reduce_sum3A_2 = vector.multi_reduction <add>, %get3A_1, %reduce_sum3A [1] : vector<2000x32xf32> to vector<2000xf32>
    %broadcast_in_dim3A = vector.shape_cast %reduce_sum3A_2 : vector<2000xf32> to vector<2000x1xf32>
    %add3A = arith.constant 1.000000e+00 : f32
    %add3A_3 = vector.broadcast %add3A : f32 to vector<2000x1xf32>
    %add3A_4 = arith.addf %broadcast_in_dim3A, %add3A_3 : vector<2000x1xf32>
    %max3A = arith.constant 1.000000e+00 : f32
    %max3A_5 = vector.broadcast %max3A : f32 to vector<2000x1xf32>
    %max3A_6 = arith.maximumf %add3A_4, %max3A_5 : vector<2000x1xf32>
    %rsqrt3A = math.rsqrt %max3A_6 : vector<2000x1xf32>
    %get3A_7 = arith.constant 0 : index
    %get3A_8 = arith.constant 0 : index
    %get3A_9 = vector.load %arg2[%get3A_7, %get3A_8] : memref<2000x128xf32, #tpu.memory_space<vmem>>, vector<2000x128xf32>
    %get3A_10 = arith.constant 0 : index
    %get3A_11 = arith.constant 0 : index
    %get3A_12 = vector.load %arg3[%get3A_10, %get3A_11] : memref<128x128xf32, #tpu.memory_space<vmem>>, vector<128x128xf32>
    %dot_general3A = arith.constant dense<0.000000e+00> : vector<2000x128xf32>
    %dot_general3A_13 = tpu.matmul %get3A_9, %get3A_12, %dot_general3A {dimension_numbers = #tpu.dot_dimension_numbers<[1], [0], [0], [1], [0, 0, 1, 1], [], []>, transpose_lhs_hint = false} : vector<2000x128xf32>, vector<128x128xf32>, vector<2000x128xf32> -> vector<2000x128xf32>
    %mul3A = vector.broadcast %rsqrt3A : vector<2000x1xf32> to vector<2000x128xf32>
    %mul3A_14 = arith.mulf %dot_general3A_13, %mul3A : vector<2000x128xf32>
    %swap3A = arith.constant 0 : index
    %swap3A_15 = arith.constant 0 : index
    %swap3A_16 = vector.load %arg4[%swap3A, %swap3A_15] : memref<2000x128xf32, #tpu.memory_space<vmem>>, vector<2000x128xf32>
    tpu.vector_store %arg4[%swap3A, %swap3A_15], %mul3A_14 {strides = array<i32>} : memref<2000x128xf32, #tpu.memory_space<vmem>>, vector<2000x128xf32>,
    %swap3A_17 = arith.constant 0 : index
    %swap3A_18 = arith.constant 0 : index
    %swap3A_19 = vector.load %arg5[%swap3A_17, %swap3A_18] : memref<2000x1xf32, #tpu.memory_space<vmem>>, vector<2000x1xf32>
    tpu.vector_store %arg5[%swap3A_17, %swap3A_18], %rsqrt3A {strides = array<i32>} : memref<2000x1xf32, #tpu.memory_space<vmem>>, vector<2000x1xf32>,
    return
  }
  func.func @transform_0(%arg0: i32) -> (i32, i32) {
    %c0_i32 = arith.constant 0 : i32
    %c0_i32_0 = arith.constant 0 : i32
    return %arg0, %c0_i32 : i32, i32
  }
  func.func @transform_1(%arg0: i32) -> (i32, i32) {
    %c0_i32 = arith.constant 0 : i32
    %c0_i32_0 = arith.constant 0 : i32
    return %arg0, %c0_i32 : i32, i32
  }
  func.func @transform_2(%arg0: i32) -> (i32, i32) {
    %c0_i32 = arith.constant 0 : i32
    %c0_i32_0 = arith.constant 0 : i32
    %c0_i32_1 = arith.constant 0 : i32
    return %c0_i32, %c0_i32_0 : i32, i32
  }
  func.func @transform_3(%arg0: i32) -> (i32, i32) {
    %c0_i32 = arith.constant 0 : i32
    %c0_i32_0 = arith.constant 0 : i32
    return %arg0, %c0_i32 : i32, i32
  }
  func.func @transform_4(%arg0: i32) -> (i32, i32) {
    %c0_i32 = arith.constant 0 : i32
    %c0_i32_0 = arith.constant 0 : i32
    return %arg0, %c0_i32 : i32, i32
  }
}

module attributes {stable_mosaic.version = 14 : i64} {
  func.func @tc_layer2(%arg0: i32, %arg1: memref<2x2000x128xf32, #tpu.memory_space<vmem>>, %arg2: memref<2000x128xf32, #tpu.memory_space<vmem>>, %arg3: memref<2000x1xf32, #tpu.memory_space<vmem>>, %arg4: memref<1x128xf32, #tpu.memory_space<vmem>>, %arg5: memref<128x128xf32, #tpu.memory_space<vmem>>, %arg6: memref<2000x128xf32, #tpu.memory_space<vmem>>) attributes {dimension_semantics = [#tpu.dimension_semantics<arbitrary>], iteration_bounds = array<i64: 5>, scalar_prefetch = 0 : i64, scratch_operands = 0 : i64, tpu.core_type = #tpu.core_type<tc>, window_params = [{transform_indices = @transform_0, window_bounds = array<i64: 2, 2000, 128>}, {transform_indices = @transform_1, window_bounds = array<i64: 2000, 128>}, {transform_indices = @transform_2, window_bounds = array<i64: 2000, 1>}, {pipeline_mode = #tpu.pipeline_mode<synchronous>, transform_indices = @transform_3, window_bounds = array<i64: 1, 128>}, {pipeline_mode = #tpu.pipeline_mode<synchronous>, transform_indices = @transform_4, window_bounds = array<i64: 128, 128>}, {transform_indices = @transform_5, window_bounds = array<i64: 2000, 128>}]} {
    %get3A = arith.constant 0 : index
    %get3A_0 = arith.constant 0 : index
    %get3A_1 = vector.load %arg3[%get3A, %get3A_0] : memref<2000x1xf32, #tpu.memory_space<vmem>>, vector<2000x1xf32>
    %get3A_2 = arith.constant 0 : index
    %get3A_3 = arith.constant 0 : index
    %get3A_4 = arith.constant 0 : index
    %get3A_5 = vector.load %arg1[%get3A_2, %get3A_3, %get3A_4] : memref<2x2000x128xf32, #tpu.memory_space<vmem>>, vector<1x2000x128xf32>
    %get3A_6 = vector.shape_cast %get3A_5 : vector<1x2000x128xf32> to vector<2000x128xf32>
    %get3A_7 = arith.constant 1 : index
    %get3A_8 = arith.constant 0 : index
    %get3A_9 = arith.constant 0 : index
    %get3A_10 = vector.load %arg1[%get3A_7, %get3A_8, %get3A_9] : memref<2x2000x128xf32, #tpu.memory_space<vmem>>, vector<1x2000x128xf32>
    %get3A_11 = vector.shape_cast %get3A_10 : vector<1x2000x128xf32> to vector<2000x128xf32>
    %add3A = arith.addf %get3A_6, %get3A_11 : vector<2000x128xf32>
    %get3A_12 = arith.constant 0 : index
    %get3A_13 = arith.constant 0 : index
    %get3A_14 = vector.load %arg2[%get3A_12, %get3A_13] : memref<2000x128xf32, #tpu.memory_space<vmem>>, vector<2000x128xf32>
    %add3A_15 = arith.addf %add3A, %get3A_14 : vector<2000x128xf32>
    %mul3A = vector.broadcast %get3A_1 : vector<2000x1xf32> to vector<2000x128xf32>
    %mul3A_16 = arith.mulf %add3A_15, %mul3A : vector<2000x128xf32>
    %get3A_17 = arith.constant 0 : index
    %get3A_18 = arith.constant 0 : index
    %get3A_19 = vector.load %arg4[%get3A_17, %get3A_18] : memref<1x128xf32, #tpu.memory_space<vmem>>, vector<1x128xf32>
    %add3A_20 = vector.broadcast %get3A_19 : vector<1x128xf32> to vector<2000x128xf32>
    %add3A_21 = arith.addf %mul3A_16, %add3A_20 : vector<2000x128xf32>
    %max3A = arith.constant 0.000000e+00 : f32
    %max3A_22 = vector.broadcast %max3A : f32 to vector<2000x128xf32>
    %max3A_23 = arith.maximumf %add3A_21, %max3A_22 : vector<2000x128xf32>
    %get3A_24 = arith.constant 0 : index
    %get3A_25 = arith.constant 0 : index
    %get3A_26 = vector.load %arg5[%get3A_24, %get3A_25] : memref<128x128xf32, #tpu.memory_space<vmem>>, vector<128x128xf32>
    %dot_general3A = arith.constant dense<0.000000e+00> : vector<2000x128xf32>
    %dot_general3A_27 = tpu.matmul %max3A_23, %get3A_26, %dot_general3A {dimension_numbers = #tpu.dot_dimension_numbers<[1], [0], [0], [1], [0, 0, 1, 1], [], []>, transpose_lhs_hint = false} : vector<2000x128xf32>, vector<128x128xf32>, vector<2000x128xf32> -> vector<2000x128xf32>
    %mul3A_28 = vector.broadcast %get3A_1 : vector<2000x1xf32> to vector<2000x128xf32>
    %mul3A_29 = arith.mulf %dot_general3A_27, %mul3A_28 : vector<2000x128xf32>
    %swap3A = arith.constant 0 : index
    %swap3A_30 = arith.constant 0 : index
    %swap3A_31 = vector.load %arg6[%swap3A, %swap3A_30] : memref<2000x128xf32, #tpu.memory_space<vmem>>, vector<2000x128xf32>
    tpu.vector_store %arg6[%swap3A, %swap3A_30], %mul3A_29 {strides = array<i32>} : memref<2000x128xf32, #tpu.memory_space<vmem>>, vector<2000x128xf32>,
    return
  }
  func.func @transform_0(%arg0: i32) -> (i32, i32, i32) {
    %c0_i32 = arith.constant 0 : i32
    %c0_i32_0 = arith.constant 0 : i32
    %c0_i32_1 = arith.constant 0 : i32
    return %c0_i32, %arg0, %c0_i32_0 : i32, i32, i32
  }
  func.func @transform_1(%arg0: i32) -> (i32, i32) {
    %c0_i32 = arith.constant 0 : i32
    %c0_i32_0 = arith.constant 0 : i32
    return %arg0, %c0_i32 : i32, i32
  }
  func.func @transform_2(%arg0: i32) -> (i32, i32) {
    %c0_i32 = arith.constant 0 : i32
    %c0_i32_0 = arith.constant 0 : i32
    return %arg0, %c0_i32 : i32, i32
  }
  func.func @transform_3(%arg0: i32) -> (i32, i32) {
    %c0_i32 = arith.constant 0 : i32
    %c0_i32_0 = arith.constant 0 : i32
    %c0_i32_1 = arith.constant 0 : i32
    return %c0_i32, %c0_i32_0 : i32, i32
  }
  func.func @transform_4(%arg0: i32) -> (i32, i32) {
    %c0_i32 = arith.constant 0 : i32
    %c0_i32_0 = arith.constant 0 : i32
    %c0_i32_1 = arith.constant 0 : i32
    return %c0_i32, %c0_i32_0 : i32, i32
  }
  func.func @transform_5(%arg0: i32) -> (i32, i32) {
    %c0_i32 = arith.constant 0 : i32
    %c0_i32_0 = arith.constant 0 : i32
    return %arg0, %c0_i32 : i32, i32
  }
}

module attributes {stable_mosaic.version = 14 : i64} {
  func.func @tc_head(%arg0: i32, %arg1: memref<2x2000x128xf32, #tpu.memory_space<vmem>>, %arg2: memref<2000x128xf32, #tpu.memory_space<vmem>>, %arg3: memref<2000x1xf32, #tpu.memory_space<vmem>>, %arg4: memref<1x128xf32, #tpu.memory_space<vmem>>, %arg5: memref<2000x1xf32, #tpu.memory_space<vmem>>, %arg6: memref<128x128xf32, #tpu.memory_space<vmem>>, %arg7: memref<1x128xf32, #tpu.memory_space<vmem>>, %arg8: memref<128x1xf32, #tpu.memory_space<vmem>>, %arg9: memref<1x1xf32, #tpu.memory_space<vmem>>, %arg10: memref<64x128xf32, #tpu.memory_space<vmem>>, %arg11: memref<64x1xf32, #tpu.memory_space<vmem>>, %arg12: memref<64x128xf32, #tpu.memory_space<vmem>>, %arg13: memref<64x1xf32, #tpu.memory_space<vmem>>) attributes {dimension_semantics = [#tpu.dimension_semantics<arbitrary>], iteration_bounds = array<i64: 5>, scalar_prefetch = 0 : i64, scratch_operands = 2 : i64, tpu.core_type = #tpu.core_type<tc>, window_params = [{transform_indices = @transform_0, window_bounds = array<i64: 2, 2000, 128>}, {transform_indices = @transform_1, window_bounds = array<i64: 2000, 128>}, {transform_indices = @transform_2, window_bounds = array<i64: 2000, 1>}, {pipeline_mode = #tpu.pipeline_mode<synchronous>, transform_indices = @transform_3, window_bounds = array<i64: 1, 128>}, {transform_indices = @transform_4, window_bounds = array<i64: 2000, 1>}, {pipeline_mode = #tpu.pipeline_mode<synchronous>, transform_indices = @transform_5, window_bounds = array<i64: 128, 128>}, {pipeline_mode = #tpu.pipeline_mode<synchronous>, transform_indices = @transform_6, window_bounds = array<i64: 1, 128>}, {pipeline_mode = #tpu.pipeline_mode<synchronous>, transform_indices = @transform_7, window_bounds = array<i64: 128, 1>}, {pipeline_mode = #tpu.pipeline_mode<synchronous>, transform_indices = @transform_8, window_bounds = array<i64: 1, 1>}, {pipeline_mode = #tpu.pipeline_mode<synchronous>, transform_indices = @transform_9, window_bounds = array<i64: 64, 128>}, {pipeline_mode = #tpu.pipeline_mode<synchronous>, transform_indices = @transform_10, window_bounds = array<i64: 64, 1>}]} {
    %get3A = arith.constant 0 : index
    %get3A_0 = arith.constant 0 : index
    %get3A_1 = arith.constant 0 : index
    %get3A_2 = vector.load %arg1[%get3A, %get3A_0, %get3A_1] : memref<2x2000x128xf32, #tpu.memory_space<vmem>>, vector<1x2000x128xf32>
    %get3A_3 = vector.shape_cast %get3A_2 : vector<1x2000x128xf32> to vector<2000x128xf32>
    %get3A_4 = arith.constant 1 : index
    %get3A_5 = arith.constant 0 : index
    %get3A_6 = arith.constant 0 : index
    %get3A_7 = vector.load %arg1[%get3A_4, %get3A_5, %get3A_6] : memref<2x2000x128xf32, #tpu.memory_space<vmem>>, vector<1x2000x128xf32>
    %get3A_8 = vector.shape_cast %get3A_7 : vector<1x2000x128xf32> to vector<2000x128xf32>
    %add3A = arith.addf %get3A_3, %get3A_8 : vector<2000x128xf32>
    %get3A_9 = arith.constant 0 : index
    %get3A_10 = arith.constant 0 : index
    %get3A_11 = vector.load %arg2[%get3A_9, %get3A_10] : memref<2000x128xf32, #tpu.memory_space<vmem>>, vector<2000x128xf32>
    %add3A_12 = arith.addf %add3A, %get3A_11 : vector<2000x128xf32>
    %get3A_13 = arith.constant 0 : index
    %get3A_14 = arith.constant 0 : index
    %get3A_15 = vector.load %arg3[%get3A_13, %get3A_14] : memref<2000x1xf32, #tpu.memory_space<vmem>>, vector<2000x1xf32>
    %mul3A = vector.broadcast %get3A_15 : vector<2000x1xf32> to vector<2000x128xf32>
    %mul3A_16 = arith.mulf %add3A_12, %mul3A : vector<2000x128xf32>
    %get3A_17 = arith.constant 0 : index
    %get3A_18 = arith.constant 0 : index
    %get3A_19 = vector.load %arg4[%get3A_17, %get3A_18] : memref<1x128xf32, #tpu.memory_space<vmem>>, vector<1x128xf32>
    %add3A_20 = vector.broadcast %get3A_19 : vector<1x128xf32> to vector<2000x128xf32>
    %add3A_21 = arith.addf %mul3A_16, %add3A_20 : vector<2000x128xf32>
    %max3A = arith.constant 0.000000e+00 : f32
    %max3A_22 = vector.broadcast %max3A : f32 to vector<2000x128xf32>
    %max3A_23 = arith.maximumf %add3A_21, %max3A_22 : vector<2000x128xf32>
    %iota3A = tpu.iota {dimensions = array<i32: 1>} : vector<2000x64xi32>
    %convert_element_type3A = arith.sitofp %iota3A : vector<2000x64xi32> to vector<2000x64xf32>
    %get3A_24 = arith.constant 0 : index
    %get3A_25 = arith.constant 0 : index
    %get3A_26 = vector.load %arg5[%get3A_24, %get3A_25] : memref<2000x1xf32, #tpu.memory_space<vmem>>, vector<2000x1xf32>
    %eq3A = vector.broadcast %get3A_26 : vector<2000x1xf32> to vector<2000x64xf32>
    %eq3A_27 = arith.cmpf oeq, %eq3A, %convert_element_type3A : vector<2000x64xf32>
    %convert_element_type3A_28 = arith.extui %eq3A_27 : vector<2000x64xi1> to vector<2000x64xi32>
    %convert_element_type3A_29 = arith.sitofp %convert_element_type3A_28 : vector<2000x64xi32> to vector<2000x64xf32>
    %dot_general3A = arith.constant dense<0.000000e+00> : vector<64x128xf32>
    %dot_general3A_30 = tpu.matmul %convert_element_type3A_29, %max3A_23, %dot_general3A {dimension_numbers = #tpu.dot_dimension_numbers<[0], [0], [1], [1], [0, 1, 1, 1], [], []>, precision = #tpu.contract_precision<fp32>, transpose_lhs_hint = false} : vector<2000x64xf32>, vector<2000x128xf32>, vector<64x128xf32> -> vector<64x128xf32>
    %reduce_sum3A = arith.constant dense<0.000000e+00> : vector<64xf32>
    %reduce_sum3A_31 = vector.multi_reduction <add>, %convert_element_type3A_29, %reduce_sum3A [0] : vector<2000x64xf32> to vector<64xf32>
    %broadcast_in_dim3A = vector.shape_cast %reduce_sum3A_31 : vector<64xf32> to vector<64x1xf32>
    %eq3A_32 = arith.constant 0 : i32
    %eq3A_33 = arith.cmpi eq, %arg0, %eq3A_32 : i32
    %convert_element_type3A_34 = arith.extui %eq3A_33 : i1 to i32
    %cond3A = arith.constant 0 : i32
    %cond3A_35 = arith.cmpi ne, %convert_element_type3A_34, %cond3A : i32
    scf.if %cond3A_35 {
      %swap3A = arith.constant 0 : index
      %swap3A_45 = arith.constant 0 : index
      %swap3A_46 = vector.load %arg12[%swap3A, %swap3A_45] : memref<64x128xf32, #tpu.memory_space<vmem>>, vector<64x128xf32>
      tpu.vector_store %arg12[%swap3A, %swap3A_45], %dot_general3A_30 {strides = array<i32>} : memref<64x128xf32, #tpu.memory_space<vmem>>, vector<64x128xf32>,
      %swap3A_47 = arith.constant 0 : index
      %swap3A_48 = arith.constant 0 : index
      %swap3A_49 = vector.load %arg13[%swap3A_47, %swap3A_48] : memref<64x1xf32, #tpu.memory_space<vmem>>, vector<64x1xf32>
      tpu.vector_store %arg13[%swap3A_47, %swap3A_48], %broadcast_in_dim3A {strides = array<i32>} : memref<64x1xf32, #tpu.memory_space<vmem>>, vector<64x1xf32>,
    } else {
    }
    %gt3A = arith.constant 0 : i32
    %gt3A_36 = arith.cmpi sgt, %arg0, %gt3A : i32
    %convert_element_type3A_37 = arith.extui %gt3A_36 : i1 to i32
    %cond3A_38 = arith.constant 0 : i32
    %cond3A_39 = arith.cmpi ne, %convert_element_type3A_37, %cond3A_38 : i32
    scf.if %cond3A_39 {
      %get3A_45 = arith.constant 0 : index
      %get3A_46 = arith.constant 0 : index
      %get3A_47 = vector.load %arg12[%get3A_45, %get3A_46] : memref<64x128xf32, #tpu.memory_space<vmem>>, vector<64x128xf32>
      %add3A_48 = arith.addf %get3A_47, %dot_general3A_30 : vector<64x128xf32>
      %swap3A = arith.constant 0 : index
      %swap3A_49 = arith.constant 0 : index
      %swap3A_50 = vector.load %arg12[%swap3A, %swap3A_49] : memref<64x128xf32, #tpu.memory_space<vmem>>, vector<64x128xf32>
      tpu.vector_store %arg12[%swap3A, %swap3A_49], %add3A_48 {strides = array<i32>} : memref<64x128xf32, #tpu.memory_space<vmem>>, vector<64x128xf32>,
      %get3A_51 = arith.constant 0 : index
      %get3A_52 = arith.constant 0 : index
      %get3A_53 = vector.load %arg13[%get3A_51, %get3A_52] : memref<64x1xf32, #tpu.memory_space<vmem>>, vector<64x1xf32>
      %add3A_54 = arith.addf %get3A_53, %broadcast_in_dim3A : vector<64x1xf32>
      %swap3A_55 = arith.constant 0 : index
      %swap3A_56 = arith.constant 0 : index
      %swap3A_57 = vector.load %arg13[%swap3A_55, %swap3A_56] : memref<64x1xf32, #tpu.memory_space<vmem>>, vector<64x1xf32>
      tpu.vector_store %arg13[%swap3A_55, %swap3A_56], %add3A_54 {strides = array<i32>} : memref<64x1xf32, #tpu.memory_space<vmem>>, vector<64x1xf32>,
    } else {
    }
    %eq3A_40 = arith.constant 4 : i32
    %eq3A_41 = arith.cmpi eq, %arg0, %eq3A_40 : i32
    %convert_element_type3A_42 = arith.extui %eq3A_41 : i1 to i32
    %cond3A_43 = arith.constant 0 : i32
    %cond3A_44 = arith.cmpi ne, %convert_element_type3A_42, %cond3A_43 : i32
    scf.if %cond3A_44 {
      %get3A_45 = arith.constant 0 : index
      %get3A_46 = arith.constant 0 : index
      %get3A_47 = vector.load %arg12[%get3A_45, %get3A_46] : memref<64x128xf32, #tpu.memory_space<vmem>>, vector<64x128xf32>
      %get3A_48 = arith.constant 0 : index
      %get3A_49 = arith.constant 0 : index
      %get3A_50 = vector.load %arg13[%get3A_48, %get3A_49] : memref<64x1xf32, #tpu.memory_space<vmem>>, vector<64x1xf32>
      %max3A_51 = arith.constant 1.000000e+00 : f32
      %max3A_52 = vector.broadcast %max3A_51 : f32 to vector<64x1xf32>
      %max3A_53 = arith.maximumf %get3A_50, %max3A_52 : vector<64x1xf32>
      %div3A = vector.broadcast %max3A_53 : vector<64x1xf32> to vector<64x128xf32>
      %div3A_54 = arith.divf %get3A_47, %div3A : vector<64x128xf32>
      %get3A_55 = arith.constant 0 : index
      %get3A_56 = arith.constant 0 : index
      %get3A_57 = vector.load %arg6[%get3A_55, %get3A_56] : memref<128x128xf32, #tpu.memory_space<vmem>>, vector<128x128xf32>
      %dot_general3A_58 = arith.constant dense<0.000000e+00> : vector<64x128xf32>
      %dot_general3A_59 = tpu.matmul %div3A_54, %get3A_57, %dot_general3A_58 {dimension_numbers = #tpu.dot_dimension_numbers<[1], [0], [0], [1], [0, 0, 1, 1], [], []>, transpose_lhs_hint = false} : vector<64x128xf32>, vector<128x128xf32>, vector<64x128xf32> -> vector<64x128xf32>
      %get3A_60 = arith.constant 0 : index
      %get3A_61 = arith.constant 0 : index
      %get3A_62 = vector.load %arg7[%get3A_60, %get3A_61] : memref<1x128xf32, #tpu.memory_space<vmem>>, vector<1x128xf32>
      %add3A_63 = vector.broadcast %get3A_62 : vector<1x128xf32> to vector<64x128xf32>
      %add3A_64 = arith.addf %dot_general3A_59, %add3A_63 : vector<64x128xf32>
      %max3A_65 = arith.constant 0.000000e+00 : f32
      %max3A_66 = vector.broadcast %max3A_65 : f32 to vector<64x128xf32>
      %max3A_67 = arith.maximumf %add3A_64, %max3A_66 : vector<64x128xf32>
      %swap3A = arith.constant 0 : index
      %swap3A_68 = arith.constant 0 : index
      %swap3A_69 = vector.load %arg10[%swap3A, %swap3A_68] : memref<64x128xf32, #tpu.memory_space<vmem>>, vector<64x128xf32>
      tpu.vector_store %arg10[%swap3A, %swap3A_68], %max3A_67 {strides = array<i32>} : memref<64x128xf32, #tpu.memory_space<vmem>>, vector<64x128xf32>,
      %get3A_70 = arith.constant 0 : index
      %get3A_71 = arith.constant 0 : index
      %get3A_72 = vector.load %arg8[%get3A_70, %get3A_71] : memref<128x1xf32, #tpu.memory_space<vmem>>, vector<128x1xf32>
      %dot_general3A_73 = arith.constant dense<0.000000e+00> : vector<64x1xf32>
      %dot_general3A_74 = tpu.matmul %max3A_67, %get3A_72, %dot_general3A_73 {dimension_numbers = #tpu.dot_dimension_numbers<[1], [0], [0], [1], [0, 0, 1, 1], [], []>, transpose_lhs_hint = false} : vector<64x128xf32>, vector<128x1xf32>, vector<64x1xf32> -> vector<64x1xf32>
      %get3A_75 = arith.constant 0 : index
      %get3A_76 = arith.constant 0 : index
      %get3A_77 = vector.load %arg9[%get3A_75, %get3A_76] : memref<1x1xf32, #tpu.memory_space<vmem>>, vector<1x1xf32>
      %add3A_78 = vector.broadcast %get3A_77 : vector<1x1xf32> to vector<64x1xf32>
      %add3A_79 = arith.addf %dot_general3A_74, %add3A_78 : vector<64x1xf32>
      %swap3A_80 = arith.constant 0 : index
      %swap3A_81 = arith.constant 0 : index
      %swap3A_82 = vector.load %arg11[%swap3A_80, %swap3A_81] : memref<64x1xf32, #tpu.memory_space<vmem>>, vector<64x1xf32>
      tpu.vector_store %arg11[%swap3A_80, %swap3A_81], %add3A_79 {strides = array<i32>} : memref<64x1xf32, #tpu.memory_space<vmem>>, vector<64x1xf32>,
    } else {
    }
    return
  }
  func.func @transform_0(%arg0: i32) -> (i32, i32, i32) {
    %c0_i32 = arith.constant 0 : i32
    %c0_i32_0 = arith.constant 0 : i32
    %c0_i32_1 = arith.constant 0 : i32
    return %c0_i32, %arg0, %c0_i32_0 : i32, i32, i32
  }
  func.func @transform_1(%arg0: i32) -> (i32, i32) {
    %c0_i32 = arith.constant 0 : i32
    %c0_i32_0 = arith.constant 0 : i32
    return %arg0, %c0_i32 : i32, i32
  }
  func.func @transform_2(%arg0: i32) -> (i32, i32) {
    %c0_i32 = arith.constant 0 : i32
    %c0_i32_0 = arith.constant 0 : i32
    return %arg0, %c0_i32 : i32, i32
  }
  func.func @transform_3(%arg0: i32) -> (i32, i32) {
    %c0_i32 = arith.constant 0 : i32
    %c0_i32_0 = arith.constant 0 : i32
    %c0_i32_1 = arith.constant 0 : i32
    return %c0_i32, %c0_i32_0 : i32, i32
  }
  func.func @transform_4(%arg0: i32) -> (i32, i32) {
    %c0_i32 = arith.constant 0 : i32
    %c0_i32_0 = arith.constant 0 : i32
    return %arg0, %c0_i32 : i32, i32
  }
  func.func @transform_5(%arg0: i32) -> (i32, i32) {
    %c0_i32 = arith.constant 0 : i32
    %c0_i32_0 = arith.constant 0 : i32
    %c0_i32_1 = arith.constant 0 : i32
    return %c0_i32, %c0_i32_0 : i32, i32
  }
  func.func @transform_6(%arg0: i32) -> (i32, i32) {
    %c0_i32 = arith.constant 0 : i32
    %c0_i32_0 = arith.constant 0 : i32
    %c0_i32_1 = arith.constant 0 : i32
    return %c0_i32, %c0_i32_0 : i32, i32
  }
  func.func @transform_7(%arg0: i32) -> (i32, i32) {
    %c0_i32 = arith.constant 0 : i32
    %c0_i32_0 = arith.constant 0 : i32
    %c0_i32_1 = arith.constant 0 : i32
    return %c0_i32, %c0_i32_0 : i32, i32
  }
  func.func @transform_8(%arg0: i32) -> (i32, i32) {
    %c0_i32 = arith.constant 0 : i32
    %c0_i32_0 = arith.constant 0 : i32
    %c0_i32_1 = arith.constant 0 : i32
    return %c0_i32, %c0_i32_0 : i32, i32
  }
  func.func @transform_9(%arg0: i32) -> (i32, i32) {
    %c0_i32 = arith.constant 0 : i32
    %c0_i32_0 = arith.constant 0 : i32
    %c0_i32_1 = arith.constant 0 : i32
    return %c0_i32, %c0_i32_0 : i32, i32
  }
  func.func @transform_10(%arg0: i32) -> (i32, i32) {
    %c0_i32 = arith.constant 0 : i32
    %c0_i32_0 = arith.constant 0 : i32
    %c0_i32_1 = arith.constant 0 : i32
    return %c0_i32, %c0_i32_0 : i32, i32
  }
}

</mosaic_0001>

<sc_bundles>
// kernel: sc_degree.3.cloned.1.call-start
scs
__scs_entry_jumppad:
0x0: {  	(pc) =	sbr.rel $0x88, $3  }
0x1: {  	(tag) =	ssettag $0x0;
	lr =	simm.s32 $0x1  }
0x2: {  	[smem:$0x3F96] =	sst lr;
	_ =	strace $0xD0000000  }
0x3: {  	_ = 	snop  }
0x4: {  	_ = 	snop  }
0x5: {  	_ = 	snop  }
0x6: {  	_ = 	snop  }
0x7: {  	_ = 	snop  }
__scs_overlays_trampoline_lowered:
0x8: {  	[smem:$0x3FA5] =	sst s0  }
0x9: {  	[smem:$0x3FA6] =	sst s1  }
0xa: {  	[smem:$0x3FA7] =	sst s2  }
0xb: {  	[smem:$0x3FA8] =	sst s3  }
0xc: {  	[smem:$0x3FA9] =	sst s4  }
0xd: {  	[smem:$0x3FAA] =	sst s5  }
0xe: {  	[smem:$0x3FAB] =	sst s6  }
0xf: {  	[smem:$0x3FAC] =	sst s7  }
0x10: {  	[smem:$0x3FAD] =	sst s8  }
0x11: {  	[smem:$0x3FAE] =	sst s9;
	s0 =	simm.s32 @!p0 $0x0  }
0x12: {  	s1 =	sld [smem:$0x3F94];
	s0 =	simm.s32 @p0 $0x1  }
0x13: {  	[smem:$0x3FAF] =	sst s0;
	s0 =	simm.s32 @!p1 $0x0  }
0x14: {  	s2 =	sld [smem:$0x3F93];
	s0 =	simm.s32 @p1 $0x1  }
0x15: {  	[smem:$0x3FB0] =	sst s0;
	s0 =	simm.s32 @!p2 $0x0  }
0x16: {  	s3 =	sld [smem:$0x3FDB];
	s0 =	simm.s32 @p2 $0x1  }
0x17: {  	s4 =	simm.s32 $0x1BF5;
	[smem:$0x3FB2] =	sst s0  }
0x18: {  	s0 =	sld [smem:$0x3F95];
	_ =	swait.ge [sflag:s4], $0x0  }
0x19: {  	s7 =	sld [smem:$0x3F96]  }
0x1a: {  	s8 =	sadd.s32 $0xFFFFE003, lr  }
0x1b: {  	s9 =	sadd.s32 $0xFFFFFEF7, lr;
	s5 =	simm.s32 $0xFFFFFFFF;
	p2 =	slt.u32 s8, $0xFFFFF086  }
0x1c: {  	p1 =	slt.u32 s9, $0xF7A;
	s5 =	simm.s32 @!p2 $0x0  }
0x1d: {  	s5 =	simm.s32 @p1 $0x1;
	p0 =	seq.s32 s7, s2  }
0x1e: {  	s7 =	smul.u32 @!p0 $0xF7A, s2;
	p2 =	seq.s32 @!p0 s5, $0x0  }
0x1f: {  	s9 =	smul.u32 $0xF7A, s1;
	s8 =	simm.s32 @!p0 $0x1BF5;
	p2 =	por !p2, p0  }
0x20: {  	[sflag:s8] =	ssyncset.s32 @!p0 $0xFFFFF086;
	s6 =	sadd.s32 @!p0 s3, s7;
	s7 =	simm.s32 @!p0 $0x108  }
0x21: {  	s3 =	sadd.s32 s3, s9;
	s6 =	sadd.s32 @!p0 $0x88, s6;
	s7 =	simm.s32 @p2 $0x1082  }
0x22: {  	[simem:s7], [sflag:s8] =	dma.local @!p0 [hbm:s6], $0xF7A  }
0x23: {  	s9 =	sor.u32 $0xD0000000, s2;
	s6 =	simm.s32 $0x108;
	_ =	swait.ge @!p0 [sflag:s8], $0x0  }
0x24: {  	s3 =	sadd.s32 $0x88, s3;
	s6 =	simm.s32 @!p1 $0x1082;
	[sflag:s4] =	ssyncset.s32 $0xFFFFF086  }
0x25: {  	[simem:s6], [sflag:s4] =	dma.local [hbm:s3], $0xF7A  }
0x26: {  	[smem:$0x3F96] =	sst s1;
	(tag) =	ssettag s2;
	_ =	strace s9  }
0x27: {  	s1 =	sld [smem:$0x3FA6]  }
0x28: {  	s2 =	sld [smem:$0x3FA7]  }
0x29: {  	s4 =	sld [smem:$0x3FA9]  }
0x2a: {  	p0 =	seq.s32 s5, $0x0;
	s5 =	sld [smem:$0x3FAA]  }
0x2b: {  	s6 =	sld [smem:$0x3FAB]  }
0x2c: {  	s7 =	sld [smem:$0x3FAC]  }
0x2d: {  	s3 =	simm.s32 $0x108;
	s8 =	sld [smem:$0x3FAD]  }
0x2e: {  	s3 =	simm.s32 @!p0 $0x1082;
	s9 =	sld [smem:$0x3FAE]  }
0x2f: {  	lr =	sadd.s32 s0, s3;
	s0 =	sld [smem:$0x3FA5]  }
0x30: {  	s3 =	sld [smem:$0x3FA8]  }
0x31: {  	[smem:$0x3FB1] =	sst s10  }
0x32: {  	s10 =	sld [smem:$0x3FAF];
	_ =	sdelay $0x3  }
0x33: {  	p0 =	seq.s32 s10, $0x1;
	s10 =	sld [smem:$0x3FB1];
	_ =	sdelay $0x3  }
0x34: {  	[smem:$0x3FB1] =	sst s10  }
0x35: {  	s10 =	sld [smem:$0x3FB0];
	_ =	sdelay $0x3  }
0x36: {  	p1 =	seq.s32 s10, $0x1;
	s10 =	sld [smem:$0x3FB1];
	_ =	sdelay $0x3  }
0x37: {  	[smem:$0x3FB1] =	sst s10  }
0x38: {  	s10 =	sld [smem:$0x3FB2]  }
0x39: {  	_ = 	snop;
	(pc) =	sbr.ind lr, $3  }
0x3a: {  	_ = 	snop  }
0x3b: {  	_ = 	snop  }
0x3c: {  	p2 =	seq.s32 s10, $0x1;
	s10 =	sld [smem:$0x3FB1]  }
0x3d: {  	_ =	shalt  }
0x3e: {  	_ =	shalt  }
0x3f: {  	_ =	shalt  }
0x40: {  	_ =	shalt  }
0x41: {  	_ =	shalt  }
0x42: {  	_ =	shalt  }
0x43: {  	_ =	shalt  }
0x44: {  	_ =	shalt  }
0x45: {  	_ =	shalt  }
0x46: {  	_ =	shalt  }
0x47: {  	_ =	shalt  }
0x48: {  	_ =	shalt  }
0x49: {  	_ =	shalt  }
0x4a: {  	_ =	shalt  }
0x4b: {  	_ =	shalt  }
0x4c: {  	_ =	shalt  }
0x4d: {  	_ =	shalt  }
0x4e: {  	_ =	shalt  }
0x4f: {  	_ =	shalt  }
0x50: {  	_ =	shalt  }
0x51: {  	_ =	shalt  }
0x52: {  	_ =	shalt  }
0x53: {  	_ =	shalt  }
0x54: {  	_ =	shalt  }
0x55: {  	_ =	shalt  }
0x56: {  	_ =	shalt  }
0x57: {  	_ =	shalt  }
0x58: {  	_ =	shalt  }
0x59: {  	_ =	shalt  }
0x5a: {  	_ =	shalt  }
0x5b: {  	_ =	shalt  }
0x5c: {  	_ =	shalt  }
0x5d: {  	_ =	shalt  }
0x5e: {  	_ =	shalt  }
0x5f: {  	_ =	shalt  }
0x60: {  	_ =	shalt  }
0x61: {  	_ =	shalt  }
0x62: {  	_ =	shalt  }
0x63: {  	_ =	shalt  }
0x64: {  	_ =	shalt  }
0x65: {  	_ =	shalt  }
0x66: {  	_ =	shalt  }
0x67: {  	_ =	shalt  }
0x68: {  	_ =	shalt  }
0x69: {  	_ =	shalt  }
0x6a: {  	_ =	shalt  }
0x6b: {  	_ =	shalt  }
0x6c: {  	_ =	shalt  }
0x6d: {  	_ =	shalt  }
0x6e: {  	_ =	shalt  }
0x6f: {  	_ =	shalt  }
0x70: {  	_ =	shalt  }
0x71: {  	_ =	shalt  }
0x72: {  	_ =	shalt  }
0x73: {  	_ =	shalt  }
0x74: {  	_ =	shalt  }
0x75: {  	_ =	shalt  }
0x76: {  	_ =	shalt  }
0x77: {  	_ =	shalt  }
0x78: {  	_ =	shalt  }
0x79: {  	_ =	shalt  }
0x7a: {  	_ =	shalt  }
0x7b: {  	_ =	shalt  }
0x7c: {  	_ =	shalt  }
0x7d: {  	_ =	shalt  }
0x7e: {  	_ =	shalt  }
0x7f: {  	_ =	shalt  }
0x80: {  	_ =	shalt  }
0x81: {  	_ =	shalt  }
0x82: {  	_ =	shalt  }
0x83: {  	_ =	shalt  }
0x84: {  	_ =	shalt  }
0x85: {  	_ =	shalt  }
0x86: {  	_ =	shalt  }
0x87: {  	_ =	shalt  }
.Lfunc_end0:
.L_simem_size_0:
called_computation_lowered:
.L_overlay_start_0:
0x88: {  	s2 =	sld [smem:$0x3FD9]  }
0x89: {  	s3 =	sld [smem:$0x3FFE];
	_ =	sdelay $0x1  }
0x8a: {  	s1 =	srdreg.scid  }
0x8b: {  	s0 =	sand.u32 $0x1, s1  }
0x8c: {  	s16 =	sshll.u32 s0, $0xA;
	s2 =	sadd.s32 s3, s2  }
0x8d: {  	s2 =	sadd.s32 s2, s16  }
0x8e: {  	[smem:$0x3FBD] =	sst s2  }
0x8f: {  	_ = 	snop  }
0x90: {  	(tm) =	ssettm $0x1  }
0x91: {  	s17 =	sld [smem:$0x3FFB];
	_ =	sdelay $0x3  }
0x92: {  	_ =	strace s17  }
0x93: {  	s2 =	sld [smem:$0x3FFC];
	_ =	sdelay $0x3  }
0x94: {  	_ =	strace s2  }
0x95: {  	s2 =	sld [smem:$0x3FFD];
	_ =	sdelay $0x3  }
0x96: {  	_ =	strace s2  }
0x97: {  	_ =	strace $0x8FFFFFFF  }
0x98: {  	s18 =	sld [smem:$0x3FDB];
	_ =	sdelay $0x1  }
0x99: {  	s19 =	simm.s32 $_scs_section_size  }
0x9a: {  	s4 =	simm.s32 $_size__tile_overlayer_lowered;
	s5 =	simm.s32 $_tile_overlayer_lowered  }
0x9b: {  	s22 =	simm.s32 $0x1BFF;
	s21 =	sshll.u32 s5, $0x1;
	s2 =	sadd.s32 s19, s18  }
0x9c: {  	s6 =	simm.s32 $0x0;
	s20 =	sshll.u32 s4, $0x1;
	s4 =	sadd.s32 s21, s2  }
0x9d: {  	[timem:s6], [sflag:s22] =	dma.local [hbm:s4], s20  }
0x9e: {  	_ =	swait.ge [sflag:s22], s20  }
0x9f: {  	s3 =	ssub.s32 $0x0, s20;
	[sflag:s22] =	ssyncset.done $0x0  }
0xa0: {  	[sflag:s22] =	ssyncadd.s32 s3;
	_ =	sdelay $0x1  }
0xa1: {  	s23 =	simm.s32 $0x1B8B  }
0xa2: {  	_ =	swait.ge [sflag:s23], $0x1  }
0xa3: {  	[sflag:s23] =	ssyncset.done $0x0  }
0xa4: {  	s25 =	simm.s32 $0x1B8E;
	s24 =	sld [smem:$0x3FFE];
	[sflag:s23] =	ssyncadd.s32 $0xFFFFFFFF  }
0xa5: {  	s26 =	simm.s32 $execute0_lowered;
	[smem:$0x3FD2] =	sst s25  }
0xa6: {  	s4 =	sshll.u32 s26, $0x1;
	_ =	strace $0x80000046;
	[dreg:$0x1] =	wrdreg $0xFFFFFFFF  }
0xa7: {  	s28 =	simm.s32 $_size_execute0_lowered;
	s2 =	sadd.s32 s2, s4;
	[dreg:$0x0] =	wrdreg $0x0  }
0xa8: {  	s4 =	sshll.u32 s28, $0x1;
	[dreg:$0x2] =	wrdreg s2  }
0xa9: {  	[dreg:$0x3] =	wrdreg s4  }
0xaa: {  	[dreg:$0x4] =	wrdreg $0xC0  }
0xab: {  	_ =	task [dreg:s6], $0x5FFFF  }
0xac: {  	[dreg:$0x1] =	wrdreg $0xFFFFFFFF  }
0xad: {  	[dreg:$0x0] =	wrdreg $0x60  }
0xae: {  	[dreg:$0x2] =	wrdreg s24  }
0xaf: {  	[dreg:$0x3] =	wrdreg $0x9  }
0xb0: {  	_ =	task.clear_ibuf [dreg:s6], $0x4FFFF;
	_ =	strace $0x90000046  }
0xb1: {  	s29 =	simm.s32 $0x9;
	_ =	strace $0x80000048  }
0xb2: {  	_ =	swait.ge [sflag:s29], $0x1  }
0xb3: {  	[sflag:s29] =	ssyncadd.s32 $0xFFFFFFFF  }
0xb4: {  	_ =	strace $0x90000048  }
0xb5: {  	_ =	sfence  }
0xb6: {  	s30 =	sld [smem:$0x0];
	_ =	sdelay $0x2  }
0xb7: {  	s31 =	sshll.u32 s1, $0xD;
	s1 =	sshrl.u32 s1, $0x2  }
0xb8: {  	s3 =	sand.u32 $0x4000, s31;
	s1 =	sadd.s32 s1, s30  }
0xb9: {  	s0 =	sor.u32 s3, s0;
	s1 =	sshll.u32 s1, $0x11  }
0xba: {  	s0 =	sor.u32 s1, s0  }
0xbb: {  	s0 =	sadd.s32 $0x8F2B, s0  }
0xbc: {  	[sflag:s0] =	ssyncadd.remote.s32 $0x1  }
0xbd: {  	_ =	sfence.sel $0xFFFF  }
0xbe: {  	[dreg:$0x0] =	wrdreg $0xFFFFFFFF;
	(pc) =	sbr.abs _section_cstart, $3  }
0xbf: {  	[dreg:$0x1] =	wrdreg $0xFFFFFFFF  }
0xc0: {  	_ =	task.clear_ibuf [dreg:s6], $0x2FFFF;
	_ =	strace $0x9FFFFFFF  }
0xc1: {  	(tm) =	ssettm $0x7FFFFFFF  }
tec
execute0_lowered:
.L_overlay_start_1:
0x0: {  	(tag) =	ssettag $0x1  }
0x1: {  	s1 =	srdreg.scid;
	s0 =	stileid.u32  }
0x2: {  	s3 =	rddreg [dreg:$0x0];
	s8 =	simm.s32 $0x80;
	s9 =	simm.s32 $0x400  }
0x3: {  	s4 =	sand.u32 $0x1, s1;
	s2 =	sshll.u32 s0, $0x1;
	s1 =	rddreg [dreg:$0x1]  }
0x4: {  	s6 =	sshrl.u32 s0, $0x2;
	s5 =	sor.u32 s4, s2;
	s2 =	simm.s32 $0x0  }
0x5: {  	s6 =	smul.u32 $0x13C00, s6;
	s4 =	ssub.s32 $0x2, s4;
	s7 =	sshll.u32 s5, $0x7  }
0x6: {  	[smem:$0x7FF] =	sst s2;
	s5 =	smul.u32 $0x500, s5;
	s7 =	sand.u32 $0x380, s7  }
0x7: {  	s31 =	sshrl.u32 s4, $0x1;
	_ =	strace $0x80000047;
	s6 =	sor.u32 s6, s7  }
0x8: {  	s5 =	sadd.s32 s5, s3;
	s7 =	ssub.s32 s4, s31;
	s6 =	sshrl.u32 s6, $0x3  }
0x9: {  	s6 =	sadd.s32 s6, s3;
	s3 =	sadd.s32 $0x2A00, s5;
	s5 =	smax.u32 s7, $0x1  }
0xa: {  	v0 =	vimm.f32 $0.0e+00;
	v1 =	vimm.f32 $1.000000000e+00;
	s7 =	simm.s32 $0x2800;
	s4 =	sadd.s32 $0x16A00, s6;
	s6 =	simm.s32 $0x1  }
.LBB2_1:
0xb: {  	s10 =	simm.s32 $0x40;
	s11 =	simm.s32 $0x0  }
.LBB2_2:
0xc: {  	p0 =	sne.s32 s10, $0x9DC0;
	[tilespmem:s11+$0x2800] =	vst v0;
	s11 =	smov.u32 s10;
	s10 =	sadd.s32 $0x40, s10  }
.Ltmp0:
0xd: {  	(pc) =	sbr.rel @p0 .LBB2_2-.Ltmp0, $2  }
0xe: {  	_ =	sdelay $0x2  }
0xf: {  	s11 =	sshra.s32 s11, $0x2  }
0x10: {  	[tilespmem:s11+$0x2800] =	vst v0;
	s10 =	simm.s32 $0x0  }
0x11: {  	[tilespmem:s10], [sflag:$0x1] =	stream.linear.gather [hbm4b:s3+s10], $0x2800, $0x38;
	[tilespmem:$0x4F80] =	vst v63  }
0x12: {  	_ =	swait.ge [sflag:s6], $0x2800  }
0x13: {  	[sflag:s6] =	ssyncset.done $0x0  }
0x14: {  	s11 =	simm.s32 $0x0;
	s10 =	simm.s32 $0x40;
	[sflag:s6] =	ssyncadd.s32 $0xFFFFD800  }
.LBB2_4:
0x15: {  	p0 =	sne.s32 s10, $0x9FC0;
	v2 =	vld [tilespmem:s11+$0x0];
	_ =	sdelay $0x3  }
.Ltmp1:
0x16: {  	(pc) =	sbr.rel @p0 .LBB2_4-.Ltmp1, $2  }
0x17: {  	_ =	sdelay $0x2  }
0x18: {  	s11 =	sshra.s32 s10, $0x2;
	s10 =	sadd.s32 $0x40, s10;
	[tilespmem:v2+s7+$0x0] =	vst.idx.add.f32.msk $0xffff, v1  }
0x19: {  	v2 =	vld [tilespmem:s11+$0x0];
	_ =	sdelay $0x5  }
0x1a: {  	s2 =	sadd.s32 $0x1, s2  }
0x1b: {  	p0 =	sne.s32 s2, s5  }
.Ltmp2:
0x1c: {  	[tilespmem:v2+s7+$0x0] =	vst.idx.add.f32.msk $0xffff, v1;
	(pc) =	sbr.rel @p0 .LBB2_1-.Ltmp2, $4  }
0x1d: {  	[hbm4b:s4+s8] =	stream.strided.scatter [tilespmem:s7], [sflag:$0x1], $0x2780, s9, s8, $0x38;
	[tilespmem:$0x4F80] =	vst v63  }
0x1e: {  	_ =	swait.ge [sflag:s6], $0x2780  }
0x1f: {  	[sflag:s6] =	ssyncset.done $0x0  }
0x20: {  	[sflag:s6] =	ssyncadd.s32 $0xFFFFD880  }
0x21: {  	_ =	sfence.sel $0x180000  }
0x22: {  	[bflag:$0x0] =	sbarrier.arrive $0xFFFF  }
0x23: {  	p0 =	sne.s32 s0, $0x0;
	_ =	strace $0x90000047  }
0x24: {  	s0 =	sadd.s32 @!p0 $0x100000, s1;
	[bflag:$0x2] =	sbarrier.arrive $0xFFFF  }
0x25: {  	[sflag:s0] =	ssyncadd.tile.s32 @!p0 $0x1;
	_ =	shalt  }
.Lfunc_end2:
_tile_overlayer_lowered:
.L_overlay_start_2:
0x26: {  	(tag) =	ssettag $0x2  }
0x27: {  	s0 =	rddreg [dreg:$0x0];
	s2 =	stileid.u32  }
0x28: {  	s1 =	rddreg [dreg:$0x1];
	p0 =	sne.s32 s2, $0x0  }
0x29: {  	s3 =	rddreg [dreg:$0x2];
	[bflag:$0x3] =	sbarrier.arrive $0xFFFF;
	s2 =	simm.s32 @!p0 $0x1C01  }
0x2a: {  	[timem:s3], [sflag:s2] =	dma.local @!p0 [hbm:s0], s1  }
0x2b: {  	s0 =	simm.s32 @!p0 $0x1  }
0x2c: {  	_ =	swait.ge @!p0 [sflag:s0], s1  }
0x2d: {  	s1 =	ssub.s32 @!p0 $0x0, s1;
	[sflag:s0] =	ssyncset.done @!p0 $0x0  }
0x2e: {  	[sflag:s0] =	ssyncadd.s32 @!p0 s1  }
0x2f: {  	[bflag:$0x3] =	sbarrier.arrive $0xFFFF  }
0x30: {  	_ =	shalt  }

// kernel: sc_scatter.4.cloned.1.call-start
scs
__scs_entry_jumppad:
0x0: {  	(pc) =	sbr.rel $0x88, $3  }
0x1: {  	(tag) =	ssettag $0x0;
	lr =	simm.s32 $0x1  }
0x2: {  	[smem:$0x3F96] =	sst lr;
	_ =	strace $0xD0000000  }
0x3: {  	_ = 	snop  }
0x4: {  	_ = 	snop  }
0x5: {  	_ = 	snop  }
0x6: {  	_ = 	snop  }
0x7: {  	_ = 	snop  }
__scs_overlays_trampoline_lowered:
0x8: {  	[smem:$0x3FA5] =	sst s0  }
0x9: {  	[smem:$0x3FA6] =	sst s1  }
0xa: {  	[smem:$0x3FA7] =	sst s2  }
0xb: {  	[smem:$0x3FA8] =	sst s3  }
0xc: {  	[smem:$0x3FA9] =	sst s4  }
0xd: {  	[smem:$0x3FAA] =	sst s5  }
0xe: {  	[smem:$0x3FAB] =	sst s6  }
0xf: {  	[smem:$0x3FAC] =	sst s7  }
0x10: {  	[smem:$0x3FAD] =	sst s8  }
0x11: {  	[smem:$0x3FAE] =	sst s9;
	s0 =	simm.s32 @!p0 $0x0  }
0x12: {  	s1 =	sld [smem:$0x3F94];
	s0 =	simm.s32 @p0 $0x1  }
0x13: {  	[smem:$0x3FAF] =	sst s0;
	s0 =	simm.s32 @!p1 $0x0  }
0x14: {  	s2 =	sld [smem:$0x3F93];
	s0 =	simm.s32 @p1 $0x1  }
0x15: {  	[smem:$0x3FB0] =	sst s0;
	s0 =	simm.s32 @!p2 $0x0  }
0x16: {  	s3 =	sld [smem:$0x3FDB];
	s0 =	simm.s32 @p2 $0x1  }
0x17: {  	s4 =	simm.s32 $0x1BF5;
	[smem:$0x3FB2] =	sst s0  }
0x18: {  	s0 =	sld [smem:$0x3F95];
	_ =	swait.ge [sflag:s4], $0x0  }
0x19: {  	s7 =	sld [smem:$0x3F96]  }
0x1a: {  	s8 =	sadd.s32 $0xFFFFE003, lr  }
0x1b: {  	s9 =	sadd.s32 $0xFFFFFEF7, lr;
	s5 =	simm.s32 $0xFFFFFFFF;
	p2 =	slt.u32 s8, $0xFFFFF086  }
0x1c: {  	p1 =	slt.u32 s9, $0xF7A;
	s5 =	simm.s32 @!p2 $0x0  }
0x1d: {  	s5 =	simm.s32 @p1 $0x1;
	p0 =	seq.s32 s7, s2  }
0x1e: {  	s7 =	smul.u32 @!p0 $0xF7A, s2;
	p2 =	seq.s32 @!p0 s5, $0x0  }
0x1f: {  	s9 =	smul.u32 $0xF7A, s1;
	s8 =	simm.s32 @!p0 $0x1BF5;
	p2 =	por !p2, p0  }
0x20: {  	[sflag:s8] =	ssyncset.s32 @!p0 $0xFFFFF086;
	s6 =	sadd.s32 @!p0 s3, s7;
	s7 =	simm.s32 @!p0 $0x108  }
0x21: {  	s3 =	sadd.s32 s3, s9;
	s6 =	sadd.s32 @!p0 $0x88, s6;
	s7 =	simm.s32 @p2 $0x1082  }
0x22: {  	[simem:s7], [sflag:s8] =	dma.local @!p0 [hbm:s6], $0xF7A  }
0x23: {  	s9 =	sor.u32 $0xD0000000, s2;
	s6 =	simm.s32 $0x108;
	_ =	swait.ge @!p0 [sflag:s8], $0x0  }
0x24: {  	s3 =	sadd.s32 $0x88, s3;
	s6 =	simm.s32 @!p1 $0x1082;
	[sflag:s4] =	ssyncset.s32 $0xFFFFF086  }
0x25: {  	[simem:s6], [sflag:s4] =	dma.local [hbm:s3], $0xF7A  }
0x26: {  	[smem:$0x3F96] =	sst s1;
	(tag) =	ssettag s2;
	_ =	strace s9  }
0x27: {  	s1 =	sld [smem:$0x3FA6]  }
0x28: {  	s2 =	sld [smem:$0x3FA7]  }
0x29: {  	s4 =	sld [smem:$0x3FA9]  }
0x2a: {  	p0 =	seq.s32 s5, $0x0;
	s5 =	sld [smem:$0x3FAA]  }
0x2b: {  	s6 =	sld [smem:$0x3FAB]  }
0x2c: {  	s7 =	sld [smem:$0x3FAC]  }
0x2d: {  	s3 =	simm.s32 $0x108;
	s8 =	sld [smem:$0x3FAD]  }
0x2e: {  	s3 =	simm.s32 @!p0 $0x1082;
	s9 =	sld [smem:$0x3FAE]  }
0x2f: {  	lr =	sadd.s32 s0, s3;
	s0 =	sld [smem:$0x3FA5]  }
0x30: {  	s3 =	sld [smem:$0x3FA8]  }
0x31: {  	[smem:$0x3FB1] =	sst s10  }
0x32: {  	s10 =	sld [smem:$0x3FAF];
	_ =	sdelay $0x3  }
0x33: {  	p0 =	seq.s32 s10, $0x1;
	s10 =	sld [smem:$0x3FB1];
	_ =	sdelay $0x3  }
0x34: {  	[smem:$0x3FB1] =	sst s10  }
0x35: {  	s10 =	sld [smem:$0x3FB0];
	_ =	sdelay $0x3  }
0x36: {  	p1 =	seq.s32 s10, $0x1;
	s10 =	sld [smem:$0x3FB1];
	_ =	sdelay $0x3  }
0x37: {  	[smem:$0x3FB1] =	sst s10  }
0x38: {  	s10 =	sld [smem:$0x3FB2]  }
0x39: {  	_ = 	snop;
	(pc) =	sbr.ind lr, $3  }
0x3a: {  	_ = 	snop  }
0x3b: {  	_ = 	snop  }
0x3c: {  	p2 =	seq.s32 s10, $0x1;
	s10 =	sld [smem:$0x3FB1]  }
0x3d: {  	_ =	shalt  }
0x3e: {  	_ =	shalt  }
0x3f: {  	_ =	shalt  }
0x40: {  	_ =	shalt  }
0x41: {  	_ =	shalt  }
0x42: {  	_ =	shalt  }
0x43: {  	_ =	shalt  }
0x44: {  	_ =	shalt  }
0x45: {  	_ =	shalt  }
0x46: {  	_ =	shalt  }
0x47: {  	_ =	shalt  }
0x48: {  	_ =	shalt  }
0x49: {  	_ =	shalt  }
0x4a: {  	_ =	shalt  }
0x4b: {  	_ =	shalt  }
0x4c: {  	_ =	shalt  }
0x4d: {  	_ =	shalt  }
0x4e: {  	_ =	shalt  }
0x4f: {  	_ =	shalt  }
0x50: {  	_ =	shalt  }
0x51: {  	_ =	shalt  }
0x52: {  	_ =	shalt  }
0x53: {  	_ =	shalt  }
0x54: {  	_ =	shalt  }
0x55: {  	_ =	shalt  }
0x56: {  	_ =	shalt  }
0x57: {  	_ =	shalt  }
0x58: {  	_ =	shalt  }
0x59: {  	_ =	shalt  }
0x5a: {  	_ =	shalt  }
0x5b: {  	_ =	shalt  }
0x5c: {  	_ =	shalt  }
0x5d: {  	_ =	shalt  }
0x5e: {  	_ =	shalt  }
0x5f: {  	_ =	shalt  }
0x60: {  	_ =	shalt  }
0x61: {  	_ =	shalt  }
0x62: {  	_ =	shalt  }
0x63: {  	_ =	shalt  }
0x64: {  	_ =	shalt  }
0x65: {  	_ =	shalt  }
0x66: {  	_ =	shalt  }
0x67: {  	_ =	shalt  }
0x68: {  	_ =	shalt  }
0x69: {  	_ =	shalt  }
0x6a: {  	_ =	shalt  }
0x6b: {  	_ =	shalt  }
0x6c: {  	_ =	shalt  }
0x6d: {  	_ =	shalt  }
0x6e: {  	_ =	shalt  }
0x6f: {  	_ =	shalt  }
0x70: {  	_ =	shalt  }
0x71: {  	_ =	shalt  }
0x72: {  	_ =	shalt  }
0x73: {  	_ =	shalt  }
0x74: {  	_ =	shalt  }
0x75: {  	_ =	shalt  }
0x76: {  	_ =	shalt  }
0x77: {  	_ =	shalt  }
0x78: {  	_ =	shalt  }
0x79: {  	_ =	shalt  }
0x7a: {  	_ =	shalt  }
0x7b: {  	_ =	shalt  }
0x7c: {  	_ =	shalt  }
0x7d: {  	_ =	shalt  }
0x7e: {  	_ =	shalt  }
0x7f: {  	_ =	shalt  }
0x80: {  	_ =	shalt  }
0x81: {  	_ =	shalt  }
0x82: {  	_ =	shalt  }
0x83: {  	_ =	shalt  }
0x84: {  	_ =	shalt  }
0x85: {  	_ =	shalt  }
0x86: {  	_ =	shalt  }
0x87: {  	_ =	shalt  }
.Lfunc_end0:
.L_simem_size_0:
called_computation.1_lowered:
.L_overlay_start_0:
0x88: {  	s2 =	sld [smem:$0x3FD9]  }
0x89: {  	s3 =	sld [smem:$0x3FFE];
	_ =	sdelay $0x1  }
0x8a: {  	s1 =	srdreg.scid  }
0x8b: {  	s0 =	sand.u32 $0x1, s1  }
0x8c: {  	s16 =	sshll.u32 s0, $0xA;
	s2 =	sadd.s32 s3, s2  }
0x8d: {  	s2 =	sadd.s32 s2, s16  }
0x8e: {  	[smem:$0x3FBD] =	sst s2  }
0x8f: {  	_ = 	snop  }
0x90: {  	(tm) =	ssettm $0x1  }
0x91: {  	s17 =	sld [smem:$0x3FFB];
	_ =	sdelay $0x3  }
0x92: {  	_ =	strace s17  }
0x93: {  	s2 =	sld [smem:$0x3FFC];
	_ =	sdelay $0x3  }
0x94: {  	_ =	strace s2  }
0x95: {  	s2 =	sld [smem:$0x3FFD];
	_ =	sdelay $0x3  }
0x96: {  	_ =	strace s2  }
0x97: {  	_ =	strace $0x8FFFFFFF  }
0x98: {  	s18 =	sld [smem:$0x3FDB];
	_ =	sdelay $0x1  }
0x99: {  	s19 =	simm.s32 $_scs_section_size  }
0x9a: {  	s4 =	simm.s32 $_size__tile_overlayer_lowered;
	s5 =	simm.s32 $_tile_overlayer_lowered  }
0x9b: {  	s22 =	simm.s32 $0x1BFF;
	s21 =	sshll.u32 s5, $0x1;
	s2 =	sadd.s32 s19, s18  }
0x9c: {  	s6 =	simm.s32 $0x0;
	s20 =	sshll.u32 s4, $0x1;
	s4 =	sadd.s32 s21, s2  }
0x9d: {  	[timem:s6], [sflag:s22] =	dma.local [hbm:s4], s20  }
0x9e: {  	_ =	swait.ge [sflag:s22], s20  }
0x9f: {  	s3 =	ssub.s32 $0x0, s20;
	[sflag:s22] =	ssyncset.done $0x0  }
0xa0: {  	[sflag:s22] =	ssyncadd.s32 s3;
	_ =	sdelay $0x1  }
0xa1: {  	s23 =	simm.s32 $0x1B8B  }
0xa2: {  	_ =	swait.ge [sflag:s23], $0x1  }
0xa3: {  	[sflag:s23] =	ssyncset.done $0x0  }
0xa4: {  	s25 =	simm.s32 $0x1B8E;
	s24 =	sld [smem:$0x3FFE];
	[sflag:s23] =	ssyncadd.s32 $0xFFFFFFFF  }
0xa5: {  	s26 =	simm.s32 $execute0_lowered;
	[smem:$0x3FD2] =	sst s25  }
0xa6: {  	s4 =	sshll.u32 s26, $0x1;
	_ =	strace $0x80000049;
	[dreg:$0x1] =	wrdreg $0xFFFFFFFF  }
0xa7: {  	s28 =	simm.s32 $_size_execute0_lowered;
	s2 =	sadd.s32 s2, s4;
	[dreg:$0x0] =	wrdreg $0x0  }
0xa8: {  	s4 =	sshll.u32 s28, $0x1;
	[dreg:$0x2] =	wrdreg s2  }
0xa9: {  	[dreg:$0x3] =	wrdreg s4  }
0xaa: {  	[dreg:$0x4] =	wrdreg $0xC0  }
0xab: {  	_ =	task [dreg:s6], $0x5FFFF  }
0xac: {  	[dreg:$0x1] =	wrdreg $0xFFFFFFFF  }
0xad: {  	[dreg:$0x0] =	wrdreg $0x60  }
0xae: {  	[dreg:$0x2] =	wrdreg s24  }
0xaf: {  	[dreg:$0x3] =	wrdreg $0xA9800  }
0xb0: {  	[dreg:$0x4] =	wrdreg $0x9  }
0xb1: {  	_ =	task.clear_ibuf [dreg:s6], $0x5FFFF;
	_ =	strace $0x90000049  }
0xb2: {  	s29 =	simm.s32 $0x9;
	_ =	strace $0x8000004B  }
0xb3: {  	_ =	swait.ge [sflag:s29], $0x1  }
0xb4: {  	[sflag:s29] =	ssyncadd.s32 $0xFFFFFFFF  }
0xb5: {  	_ =	strace $0x9000004B  }
0xb6: {  	_ =	sfence  }
0xb7: {  	s30 =	sld [smem:$0x0];
	_ =	sdelay $0x2  }
0xb8: {  	s31 =	sshll.u32 s1, $0xD;
	s1 =	sshrl.u32 s1, $0x2  }
0xb9: {  	s3 =	sand.u32 $0x4000, s31;
	s1 =	sadd.s32 s1, s30  }
0xba: {  	s0 =	sor.u32 s3, s0;
	s1 =	sshll.u32 s1, $0x11  }
0xbb: {  	s0 =	sor.u32 s1, s0  }
0xbc: {  	s0 =	sadd.s32 $0x8F2B, s0  }
0xbd: {  	[sflag:s0] =	ssyncadd.remote.s32 $0x1  }
0xbe: {  	_ =	sfence.sel $0xFFFF  }
0xbf: {  	[dreg:$0x0] =	wrdreg $0xFFFFFFFF;
	(pc) =	sbr.abs _section_cstart, $3  }
0xc0: {  	[dreg:$0x1] =	wrdreg $0xFFFFFFFF  }
0xc1: {  	_ =	task.clear_ibuf [dreg:s6], $0x2FFFF;
	_ =	strace $0x9FFFFFFF  }
0xc2: {  	(tm) =	ssettm $0x7FFFFFFF  }
0xc3: {  	_ =	shalt  }
tec
execute0_lowered:
.L_overlay_start_1:
0x0: {  	(tag) =	ssettag $0x1  }
0x1: {  	s5 =	rddreg [dreg:$0x0]  }
0x2: {  	s2 =	rddreg [dreg:$0x1]  }
0x3: {  	s0 =	rddreg [dreg:$0x2];
	s3 =	simm.s32 $0x0  }
0x4: {  	s1 =	stileid.u32;
	s4 =	srdreg.scid;
	s17 =	simm.s32 $0x2800  }
0x5: {  	s18 =	simm.s32 $0x2980;
	s19 =	simm.s32 $0x1;
	s20 =	simm.s32 $0x2880  }
0x6: {  	s21 =	simm.s32 $0x6980;
	s22 =	simm.s32 $0x2900;
	s23 =	simm.s32 $0x2  }
0x7: {  	s24 =	simm.s32 $0x0;
	[smem:$0x7FF] =	sst s3;
	s6 =	smul.u32 $0x13C00, s1  }
0x8: {  	s7 =	sand.u32 $0x1, s4;
	s9 =	sadd.s32 $0x20800, s5;
	s11 =	sadd.s32 $0xCA00, s5  }
0x9: {  	s4 =	sadd.s32 $0x2A800, s5;
	s25 =	sshll.u32 s1, $0x1;
	s12 =	smul.u32 $0x4F000, s1  }
0xa: {  	s28 =	sshll.u32 s1, $0x6;
	_ =	strace $0x8000004A;
	s10 =	smul.u32 $0x13C000, s7  }
0xb: {  	s13 =	ssub.s32 $0x2, s7;
	s7 =	sor.u32 s7, s25;
	s8 =	sshrl.u32 s6, $0x3  }
0xc: {  	s26 =	sshrl.u32 s13, $0x1;
	s12 =	sshrl.u32 s12, $0x2;
	s14 =	smul.u32 $0x2800, s7  }
0xd: {  	s29 =	smul.u32 $0x500, s7;
	s8 =	sadd.s32 s8, s5;
	s6 =	sadd.s32 s6, s10  }
0xe: {  	s13 =	ssub.s32 s13, s26;
	s16 =	sadd.s32 s12, s2;
	s6 =	sshrl.u32 s6, $0x3  }
0xf: {  	s30 =	sshrl.u32 s14, $0x3;
	s7 =	sadd.s32 s9, s29;
	s12 =	smax.u32 s13, $0x1  }
0x10: {  	s13 =	sshrl.u32 s16, $0x3;
	s14 =	simm.s32 $0x3;
	s16 =	simm.s32 $0x80  }
0x11: {  	s15 =	sadd.s32 s6, s5;
	s5 =	sadd.s32 $0x51A00, s8;
	s31 =	sadd.s32 $0x280, s30  }
0x12: {  	s6 =	sor.u32 $0x1C03, s28;
	s8 =	sadd.s32 s11, s29;
	s9 =	sadd.s32 s9, s31  }
0x13: {  	s10 =	sadd.s32 s11, s31;
	s11 =	sadd.s32 $0x79200, s15;
	s15 =	simm.s32 $0x1400  }
.LBB2_1:
0x14: {  	[spmem:s13], [sflag:s6] =	dma.local [hbm:s5], $0x2780  }
0x15: {  	_ =	swait.ge [sflag:s14], $0x2780  }
0x16: {  	[sflag:s14] =	ssyncset.done $0x0  }
0x17: {  	[sflag:s14] =	ssyncadd.s32 $0xFFFFD880  }
0x18: {  	[bflag:$0x0] =	sbarrier.arrive $0xFFFF  }
0x19: {  	[tilespmem:s3], [sflag:$0x3] =	stream.linear.gather [hbm4b:s7+s3], $0x1400, $0x38;
	[tilespmem:$0x1E580] =	vst v63  }
0x1a: {  	_ =	swait.ge [sflag:s14], $0x1400  }
0x1b: {  	[sflag:s14] =	ssyncset.done $0x0  }
0x1c: {  	[sflag:s14] =	ssyncadd.s32 $0xFFFFEC00  }
0x1d: {  	[tilespmem:s15], [sflag:$0x3] =	stream.linear.gather [hbm4b:s8+s3], $0x1400, $0x38;
	[tilespmem:$0x1E580] =	vst v63  }
0x1e: {  	_ =	swait.ge [sflag:s14], $0x1400  }
0x1f: {  	[sflag:s14] =	ssyncset.done $0x0  }
0x20: {  	[sflag:s14] =	ssyncadd.s32 $0xFFFFEC00  }
0x21: {  	v0 =	vld [tilespmem:$0x0]  }
0x22: {  	v1 =	vld [tilespmem:$0x10]  }
0x23: {  	v2 =	vld [tilespmem:$0x20]  }
0x24: {  	v3 =	vld [tilespmem:$0x30]  }
0x25: {  	v4 =	vld [tilespmem:$0x40]  }
0x26: {  	v58 =	vld [tilespmem:$0x50];
	[tilespmem:$0x2800] =	vst v0  }
0x27: {  	v59 =	vld [tilespmem:$0x60];
	[tilespmem:$0x2810] =	vst v1  }
0x28: {  	v60 =	vld [tilespmem:$0x70];
	[tilespmem:$0x2820] =	vst v2  }
0x29: {  	[tilespmem:$0x2830] =	vst v3  }
0x2a: {  	[tilespmem:$0x2840] =	vst v4  }
0x2b: {  	[tilespmem:$0x2850] =	vst v58  }
0x2c: {  	[tilespmem:$0x2860] =	vst v59  }
0x2d: {  	s25 =	simm.s32 $0xF0;
	[tilespmem:$0x2870] =	vst v60  }
0x2e: {  	[tilespmem:s18], [sflag:$0x1] =	stream.indirect.gather [hbm4b:s4+s16], $0x80, s17, s16, $0xb8;
	[tilespmem:$0x1E580] =	vst v63  }
0x2f: {  	v0 =	vld [tilespmem:s25+$0xFFFFFF90];
	_ =	sdelay $0x4  }
0x30: {  	[tilespmem:$0x2880] =	vst v0  }
0x31: {  	v0 =	vld [tilespmem:s25+$0xFFFFFFA0];
	_ =	sdelay $0x4  }
0x32: {  	[tilespmem:$0x2890] =	vst v0  }
0x33: {  	v0 =	vld [tilespmem:s25+$0xFFFFFFB0];
	_ =	sdelay $0x4  }
0x34: {  	[tilespmem:$0x28A0] =	vst v0  }
0x35: {  	v0 =	vld [tilespmem:s25+$0xFFFFFFC0];
	_ =	sdelay $0x4  }
0x36: {  	[tilespmem:$0x28B0] =	vst v0  }
0x37: {  	v0 =	vld [tilespmem:s25+$0xFFFFFFD0];
	_ =	sdelay $0x4  }
0x38: {  	[tilespmem:$0x28C0] =	vst v0  }
0x39: {  	v0 =	vld [tilespmem:s25+$0xFFFFFFE0];
	_ =	sdelay $0x4  }
0x3a: {  	[tilespmem:$0x28D0] =	vst v0  }
0x3b: {  	v0 =	vld [tilespmem:s25+$0xFFFFFFF0];
	_ =	sdelay $0x4  }
0x3c: {  	[tilespmem:$0x28E0] =	vst v0  }
0x3d: {  	v0 =	vld [tilespmem:s25+$0x0];
	_ =	sdelay $0x4  }
0x3e: {  	[tilespmem:$0x28F0] =	vst v0  }
0x3f: {  	_ =	swait.ge [sflag:s19], $0x4000  }
0x40: {  	[sflag:s19] =	ssyncset.done $0x0  }
0x41: {  	s26 =	simm.s32 $0x1480;
	[sflag:s19] =	ssyncadd.s32 $0xFFFFC000  }
0x42: {  	[tilespmem:s21], [sflag:$0x2] =	stream.indirect.gather [hbm4b:s4+s16], $0x80, s20, s16, $0xb8;
	[tilespmem:$0x1E580] =	vst v63  }
0x43: {  	v61 =	vld [tilespmem:s26+$0xFFFFFF80];
	_ =	sdelay $0x4  }
0x44: {  	[tilespmem:$0x2900] =	vst v61  }
0x45: {  	v0 =	vld [tilespmem:s26+$0xFFFFFF90];
	_ =	sdelay $0x4  }
0x46: {  	[tilespmem:$0x2910] =	vst v0  }
0x47: {  	v0 =	vld [tilespmem:s26+$0xFFFFFFA0];
	_ =	sdelay $0x4  }
0x48: {  	[tilespmem:$0x2920] =	vst v0  }
0x49: {  	v0 =	vld [tilespmem:s26+$0xFFFFFFB0];
	_ =	sdelay $0x4  }
0x4a: {  	[tilespmem:$0x2930] =	vst v0  }
0x4b: {  	v0 =	vld [tilespmem:s26+$0xFFFFFFC0];
	_ =	sdelay $0x4  }
0x4c: {  	[tilespmem:$0x2940] =	vst v0  }
0x4d: {  	v0 =	vld [tilespmem:s26+$0xFFFFFFD0];
	_ =	sdelay $0x4  }
0x4e: {  	[tilespmem:$0x2950] =	vst v0  }
0x4f: {  	v0 =	vld [tilespmem:s26+$0xFFFFFFE0];
	_ =	sdelay $0x4  }
0x50: {  	[tilespmem:$0x2960] =	vst v0  }
0x51: {  	v0 =	vld [tilespmem:s26+$0xFFFFFFF0];
	_ =	sdelay $0x4  }
0x52: {  	[tilespmem:$0x2970] =	vst v0  }
0x53: {  	[spmem:s2] =	stream.indirect.scatter.add.f32 [tilespmem:s18], [sflag:$0x3], $0x80, s22, s16, $0xb8;
	[tilespmem:$0x1E580] =	vst v63  }
0x54: {  	_ =	swait.ge [sflag:s14], $0x4000  }
0x55: {  	s28 =	smin.u32 s3, $0x25;
	[sflag:s14] =	ssyncset.done $0x0  }
0x56: {  	s28 =	sshll.u32 s28, $0x7;
	[sflag:s14] =	ssyncadd.s32 $0xFFFFC000  }
0x57: {  	v62 =	vld [tilespmem:s28+$0x100];
	_ =	sdelay $0x4  }
0x58: {  	[tilespmem:$0x2800] =	vst v62  }
0x59: {  	v0 =	vld [tilespmem:s28+$0x110];
	_ =	sdelay $0x4  }
0x5a: {  	[tilespmem:$0x2810] =	vst v0  }
0x5b: {  	v0 =	vld [tilespmem:s28+$0x120];
	_ =	sdelay $0x4  }
0x5c: {  	[tilespmem:$0x2820] =	vst v0  }
0x5d: {  	v0 =	vld [tilespmem:s28+$0x130];
	_ =	sdelay $0x4  }
0x5e: {  	[tilespmem:$0x2830] =	vst v0  }
0x5f: {  	v0 =	vld [tilespmem:s28+$0x140];
	_ =	sdelay $0x4  }
0x60: {  	[tilespmem:$0x2840] =	vst v0  }
0x61: {  	v0 =	vld [tilespmem:s28+$0x150];
	_ =	sdelay $0x4  }
0x62: {  	[tilespmem:$0x2850] =	vst v0  }
0x63: {  	v0 =	vld [tilespmem:s28+$0x160];
	_ =	sdelay $0x4  }
0x64: {  	[tilespmem:$0x2860] =	vst v0  }
0x65: {  	v0 =	vld [tilespmem:s28+$0x170];
	_ =	sdelay $0x4  }
0x66: {  	[tilespmem:$0x2870] =	vst v0  }
0x67: {  	_ =	swait.ge [sflag:s23], $0x4000  }
0x68: {  	[sflag:s23] =	ssyncset.done $0x0  }
0x69: {  	[sflag:s23] =	ssyncadd.s32 $0xFFFFC000  }
0x6a: {  	[tilespmem:s18], [sflag:$0x1] =	stream.indirect.gather [hbm4b:s4+s16], $0x80, s17, s16, $0xb8;
	[tilespmem:$0x1E580] =	vst v63  }
0x6b: {  	v63 =	vld [tilespmem:s26+$0x0];
	_ =	sdelay $0x4  }
0x6c: {  	[tilespmem:$0x2900] =	vst v63  }
0x6d: {  	v0 =	vld [tilespmem:s26+$0x10];
	_ =	sdelay $0x4  }
0x6e: {  	[tilespmem:$0x2910] =	vst v0  }
0x6f: {  	v0 =	vld [tilespmem:s26+$0x20];
	_ =	sdelay $0x4  }
0x70: {  	[tilespmem:$0x2920] =	vst v0  }
0x71: {  	v0 =	vld [tilespmem:s26+$0x30];
	_ =	sdelay $0x4  }
0x72: {  	[tilespmem:$0x2930] =	vst v0  }
0x73: {  	v0 =	vld [tilespmem:s26+$0x40];
	_ =	sdelay $0x4  }
0x74: {  	[tilespmem:$0x2940] =	vst v0  }
0x75: {  	v0 =	vld [tilespmem:s26+$0x50];
	_ =	sdelay $0x4  }
0x76: {  	[tilespmem:$0x2950] =	vst v0  }
0x77: {  	v0 =	vld [tilespmem:s26+$0x60];
	_ =	sdelay $0x4  }
0x78: {  	[tilespmem:$0x2960] =	vst v0  }
0x79: {  	v0 =	vld [tilespmem:s26+$0x70];
	_ =	sdelay $0x4  }
0x7a: {  	[tilespmem:$0x2970] =	vst v0  }
0x7b: {  	[spmem:s2] =	stream.indirect.scatter.add.f32 [tilespmem:s21], [sflag:$0x3], $0x80, s22, s16, $0xb8;
	[tilespmem:$0x1E580] =	vst v63  }
0x7c: {  	_ =	swait.ge [sflag:s14], $0x4000  }
0x7d: {  	s28 =	simm.s32 $0x2;
	[sflag:s14] =	ssyncset.done $0x0  }
.LBB2_2:
0x7e: {  	[sflag:s14] =	ssyncadd.s32 $0xFFFFC000;
	s26 =	sadd.s32 $0x100, s26;
	s25 =	sadd.s32 $0x100, s25  }
0x7f: {  	p0 =	sne.s32 s28, $0x26;
	s29 =	smov.u32 s28;
	s28 =	sadd.s32 $0x2, s28;
	v0 =	vld [tilespmem:s25+$0xFFFFFF90]  }
0x80: {  	_ =	sdelay $0x3  }
0x81: {  	[tilespmem:$0x2880] =	vst v0  }
0x82: {  	v0 =	vld [tilespmem:s25+$0xFFFFFFA0];
	_ =	sdelay $0x4  }
0x83: {  	[tilespmem:$0x2890] =	vst v0  }
0x84: {  	v0 =	vld [tilespmem:s25+$0xFFFFFFB0];
	_ =	sdelay $0x4  }
0x85: {  	[tilespmem:$0x28A0] =	vst v0  }
0x86: {  	v0 =	vld [tilespmem:s25+$0xFFFFFFC0];
	_ =	sdelay $0x4  }
0x87: {  	[tilespmem:$0x28B0] =	vst v0  }
0x88: {  	v0 =	vld [tilespmem:s25+$0xFFFFFFD0];
	_ =	sdelay $0x4  }
0x89: {  	[tilespmem:$0x28C0] =	vst v0  }
0x8a: {  	v0 =	vld [tilespmem:s25+$0xFFFFFFE0];
	_ =	sdelay $0x4  }
0x8b: {  	[tilespmem:$0x28D0] =	vst v0  }
0x8c: {  	v0 =	vld [tilespmem:s25+$0xFFFFFFF0];
	_ =	sdelay $0x4  }
0x8d: {  	[tilespmem:$0x28E0] =	vst v0  }
0x8e: {  	v0 =	vld [tilespmem:s25+$0x0];
	_ =	sdelay $0x4  }
0x8f: {  	[tilespmem:$0x28F0] =	vst v0  }
0x90: {  	_ =	swait.ge [sflag:s19], $0x4000  }
0x91: {  	[sflag:s19] =	ssyncset.done $0x0  }
0x92: {  	[sflag:s19] =	ssyncadd.s32 $0xFFFFC000  }
0x93: {  	[tilespmem:s21], [sflag:$0x2] =	stream.indirect.gather [hbm4b:s4+s16], $0x80, s20, s16, $0xb8;
	[tilespmem:$0x1E580] =	vst v63  }
0x94: {  	v0 =	vld [tilespmem:s26+$0xFFFFFF80];
	_ =	sdelay $0x4  }
0x95: {  	[tilespmem:$0x2900] =	vst v0  }
0x96: {  	v0 =	vld [tilespmem:s26+$0xFFFFFF90];
	_ =	sdelay $0x4  }
0x97: {  	[tilespmem:$0x2910] =	vst v0  }
0x98: {  	v0 =	vld [tilespmem:s26+$0xFFFFFFA0];
	_ =	sdelay $0x4  }
0x99: {  	[tilespmem:$0x2920] =	vst v0  }
0x9a: {  	v0 =	vld [tilespmem:s26+$0xFFFFFFB0];
	_ =	sdelay $0x4  }
0x9b: {  	[tilespmem:$0x2930] =	vst v0  }
0x9c: {  	v0 =	vld [tilespmem:s26+$0xFFFFFFC0];
	_ =	sdelay $0x4  }
0x9d: {  	[tilespmem:$0x2940] =	vst v0  }
0x9e: {  	v0 =	vld [tilespmem:s26+$0xFFFFFFD0];
	_ =	sdelay $0x4  }
0x9f: {  	[tilespmem:$0x2950] =	vst v0  }
0xa0: {  	v0 =	vld [tilespmem:s26+$0xFFFFFFE0];
	_ =	sdelay $0x4  }
0xa1: {  	[tilespmem:$0x2960] =	vst v0  }
0xa2: {  	v0 =	vld [tilespmem:s26+$0xFFFFFFF0];
	_ =	sdelay $0x4  }
0xa3: {  	[tilespmem:$0x2970] =	vst v0  }
0xa4: {  	[spmem:s2] =	stream.indirect.scatter.add.f32 [tilespmem:s18], [sflag:$0x3], $0x80, s22, s16, $0xb8;
	[tilespmem:$0x1E580] =	vst v63  }
0xa5: {  	_ =	swait.ge [sflag:s14], $0x4000  }
0xa6: {  	s29 =	smin.u32 s29, $0x25;
	[sflag:s14] =	ssyncset.done $0x0  }
0xa7: {  	s29 =	sshll.u32 s29, $0x7;
	[sflag:s14] =	ssyncadd.s32 $0xFFFFC000  }
0xa8: {  	v0 =	vld [tilespmem:s29+$0x100];
	_ =	sdelay $0x4  }
0xa9: {  	[tilespmem:$0x2800] =	vst v0  }
0xaa: {  	v0 =	vld [tilespmem:s29+$0x110];
	_ =	sdelay $0x4  }
0xab: {  	[tilespmem:$0x2810] =	vst v0  }
0xac: {  	v0 =	vld [tilespmem:s29+$0x120];
	_ =	sdelay $0x4  }
0xad: {  	[tilespmem:$0x2820] =	vst v0  }
0xae: {  	v0 =	vld [tilespmem:s29+$0x130];
	_ =	sdelay $0x4  }
0xaf: {  	[tilespmem:$0x2830] =	vst v0  }
0xb0: {  	v0 =	vld [tilespmem:s29+$0x140];
	_ =	sdelay $0x4  }
0xb1: {  	[tilespmem:$0x2840] =	vst v0  }
0xb2: {  	v0 =	vld [tilespmem:s29+$0x150];
	_ =	sdelay $0x4  }
0xb3: {  	[tilespmem:$0x2850] =	vst v0  }
0xb4: {  	v0 =	vld [tilespmem:s29+$0x160];
	_ =	sdelay $0x4  }
0xb5: {  	[tilespmem:$0x2860] =	vst v0  }
0xb6: {  	v0 =	vld [tilespmem:s29+$0x170];
	_ =	sdelay $0x4  }
0xb7: {  	[tilespmem:$0x2870] =	vst v0  }
0xb8: {  	_ =	swait.ge [sflag:s23], $0x4000  }
0xb9: {  	[sflag:s23] =	ssyncset.done $0x0  }
0xba: {  	[sflag:s23] =	ssyncadd.s32 $0xFFFFC000  }
0xbb: {  	[tilespmem:s18], [sflag:$0x1] =	stream.indirect.gather [hbm4b:s4+s16], $0x80, s17, s16, $0xb8;
	[tilespmem:$0x1E580] =	vst v63  }
0xbc: {  	v0 =	vld [tilespmem:s26+$0x0];
	_ =	sdelay $0x4  }
0xbd: {  	[tilespmem:$0x2900] =	vst v0  }
0xbe: {  	v0 =	vld [tilespmem:s26+$0x10];
	_ =	sdelay $0x4  }
0xbf: {  	[tilespmem:$0x2910] =	vst v0  }
0xc0: {  	v0 =	vld [tilespmem:s26+$0x20];
	_ =	sdelay $0x4  }
0xc1: {  	[tilespmem:$0x2920] =	vst v0  }
0xc2: {  	v0 =	vld [tilespmem:s26+$0x30];
	_ =	sdelay $0x4  }
0xc3: {  	[tilespmem:$0x2930] =	vst v0  }
0xc4: {  	v0 =	vld [tilespmem:s26+$0x40];
	_ =	sdelay $0x4  }
0xc5: {  	[tilespmem:$0x2940] =	vst v0  }
0xc6: {  	v0 =	vld [tilespmem:s26+$0x50];
	_ =	sdelay $0x4  }
0xc7: {  	[tilespmem:$0x2950] =	vst v0  }
0xc8: {  	v0 =	vld [tilespmem:s26+$0x60];
	_ =	sdelay $0x4  }
0xc9: {  	[tilespmem:$0x2960] =	vst v0  }
0xca: {  	v0 =	vld [tilespmem:s26+$0x70];
	_ =	sdelay $0x3  }
.Ltmp0:
0xcb: {  	(pc) =	sbr.rel @p0 .LBB2_2-.Ltmp0, $4  }
0xcc: {  	[tilespmem:$0x2970] =	vst v0  }
0xcd: {  	[spmem:s2] =	stream.indirect.scatter.add.f32 [tilespmem:s21], [sflag:$0x3], $0x80, s22, s16, $0xb8;
	[tilespmem:$0x1E580] =	vst v63  }
0xce: {  	_ =	swait.ge [sflag:s14], $0x4000  }
0xcf: {  	[sflag:s14] =	ssyncset.done $0x0  }
0xd0: {  	[sflag:s14] =	ssyncadd.s32 $0xFFFFC000  }
0xd1: {  	_ =	swait.ge [sflag:s19], $0x4000  }
0xd2: {  	[sflag:s19] =	ssyncset.done $0x0  }
0xd3: {  	s28 =	simm.s32 $0x0;
	[sflag:s19] =	ssyncadd.s32 $0xFFFFC000  }
0xd4: {  	[tilespmem:s28], [sflag:$0x3] =	stream.linear.gather [hbm4b:s9+s28], $0x1400, $0x38;
	[tilespmem:$0x1E580] =	vst v63  }
0xd5: {  	_ =	swait.ge [sflag:s14], $0x1400  }
0xd6: {  	[sflag:s14] =	ssyncset.done $0x0  }
0xd7: {  	[sflag:s14] =	ssyncadd.s32 $0xFFFFEC00  }
0xd8: {  	[tilespmem:s15], [sflag:$0x3] =	stream.linear.gather [hbm4b:s10+s28], $0x1400, $0x38;
	[tilespmem:$0x1E580] =	vst v63  }
0xd9: {  	_ =	swait.ge [sflag:s14], $0x1400  }
0xda: {  	[sflag:s14] =	ssyncset.done $0x0  }
0xdb: {  	[sflag:s14] =	ssyncadd.s32 $0xFFFFEC00  }
0xdc: {  	v0 =	vld [tilespmem:$0x0]  }
0xdd: {  	v1 =	vld [tilespmem:$0x10]  }
0xde: {  	v2 =	vld [tilespmem:$0x20]  }
0xdf: {  	v3 =	vld [tilespmem:$0x30]  }
0xe0: {  	v4 =	vld [tilespmem:$0x40]  }
0xe1: {  	v58 =	vld [tilespmem:$0x50];
	[tilespmem:$0x2800] =	vst v0  }
0xe2: {  	v59 =	vld [tilespmem:$0x60];
	[tilespmem:$0x2810] =	vst v1  }
0xe3: {  	v60 =	vld [tilespmem:$0x70];
	[tilespmem:$0x2820] =	vst v2  }
0xe4: {  	[tilespmem:$0x2830] =	vst v3  }
0xe5: {  	[tilespmem:$0x2840] =	vst v4  }
0xe6: {  	[tilespmem:$0x2850] =	vst v58  }
0xe7: {  	[tilespmem:$0x2860] =	vst v59  }
0xe8: {  	s25 =	simm.s32 $0xF0;
	[tilespmem:$0x2870] =	vst v60  }
0xe9: {  	[tilespmem:s18], [sflag:$0x1] =	stream.indirect.gather [hbm4b:s4+s16], $0x80, s17, s16, $0xb8;
	[tilespmem:$0x1E580] =	vst v63  }
0xea: {  	v0 =	vld [tilespmem:s25+$0xFFFFFF90];
	_ =	sdelay $0x4  }
0xeb: {  	[tilespmem:$0x2880] =	vst v0  }
0xec: {  	v0 =	vld [tilespmem:s25+$0xFFFFFFA0];
	_ =	sdelay $0x4  }
0xed: {  	[tilespmem:$0x2890] =	vst v0  }
0xee: {  	v0 =	vld [tilespmem:s25+$0xFFFFFFB0];
	_ =	sdelay $0x4  }
0xef: {  	[tilespmem:$0x28A0] =	vst v0  }
0xf0: {  	v0 =	vld [tilespmem:s25+$0xFFFFFFC0];
	_ =	sdelay $0x4  }
0xf1: {  	[tilespmem:$0x28B0] =	vst v0  }
0xf2: {  	v0 =	vld [tilespmem:s25+$0xFFFFFFD0];
	_ =	sdelay $0x4  }
0xf3: {  	[tilespmem:$0x28C0] =	vst v0  }
0xf4: {  	v0 =	vld [tilespmem:s25+$0xFFFFFFE0];
	_ =	sdelay $0x4  }
0xf5: {  	[tilespmem:$0x28D0] =	vst v0  }
0xf6: {  	v0 =	vld [tilespmem:s25+$0xFFFFFFF0];
	_ =	sdelay $0x4  }
0xf7: {  	[tilespmem:$0x28E0] =	vst v0  }
0xf8: {  	v0 =	vld [tilespmem:s25+$0x0];
	_ =	sdelay $0x4  }
0xf9: {  	[tilespmem:$0x28F0] =	vst v0  }
0xfa: {  	_ =	swait.ge [sflag:s19], $0x4000  }
0xfb: {  	[sflag:s19] =	ssyncset.done $0x0  }
0xfc: {  	s26 =	simm.s32 $0x1480;
	[sflag:s19] =	ssyncadd.s32 $0xFFFFC000  }
0xfd: {  	[tilespmem:s21], [sflag:$0x2] =	stream.indirect.gather [hbm4b:s4+s16], $0x80, s20, s16, $0xb8;
	[tilespmem:$0x1E580] =	vst v63  }
0xfe: {  	v61 =	vld [tilespmem:s26+$0xFFFFFF80];
	_ =	sdelay $0x4  }
0xff: {  	[tilespmem:$0x2900] =	vst v61  }
0x100: {  	v0 =	vld [tilespmem:s26+$0xFFFFFF90];
	_ =	sdelay $0x4  }
0x101: {  	[tilespmem:$0x2910] =	vst v0  }
0x102: {  	v0 =	vld [tilespmem:s26+$0xFFFFFFA0];
	_ =	sdelay $0x4  }
0x103: {  	[tilespmem:$0x2920] =	vst v0  }
0x104: {  	v0 =	vld [tilespmem:s26+$0xFFFFFFB0];
	_ =	sdelay $0x4  }
0x105: {  	[tilespmem:$0x2930] =	vst v0  }
0x106: {  	v0 =	vld [tilespmem:s26+$0xFFFFFFC0];
	_ =	sdelay $0x4  }
0x107: {  	[tilespmem:$0x2940] =	vst v0  }
0x108: {  	v0 =	vld [tilespmem:s26+$0xFFFFFFD0];
	_ =	sdelay $0x4  }
0x109: {  	[tilespmem:$0x2950] =	vst v0  }
0x10a: {  	v0 =	vld [tilespmem:s26+$0xFFFFFFE0];
	_ =	sdelay $0x4  }
0x10b: {  	[tilespmem:$0x2960] =	vst v0  }
0x10c: {  	v0 =	vld [tilespmem:s26+$0xFFFFFFF0];
	_ =	sdelay $0x4  }
0x10d: {  	[tilespmem:$0x2970] =	vst v0  }
0x10e: {  	[spmem:s2] =	stream.indirect.scatter.add.f32 [tilespmem:s18], [sflag:$0x3], $0x80, s22, s16, $0xb8;
	[tilespmem:$0x1E580] =	vst v63  }
0x10f: {  	_ =	swait.ge [sflag:s14], $0x4000  }
0x110: {  	s28 =	smin.u32 s28, $0x25;
	[sflag:s14] =	ssyncset.done $0x0  }
0x111: {  	s28 =	sshll.u32 s28, $0x7;
	[sflag:s14] =	ssyncadd.s32 $0xFFFFC000  }
0x112: {  	v62 =	vld [tilespmem:s28+$0x100];
	_ =	sdelay $0x4  }
0x113: {  	[tilespmem:$0x2800] =	vst v62  }
0x114: {  	v0 =	vld [tilespmem:s28+$0x110];
	_ =	sdelay $0x4  }
0x115: {  	[tilespmem:$0x2810] =	vst v0  }
0x116: {  	v0 =	vld [tilespmem:s28+$0x120];
	_ =	sdelay $0x4  }
0x117: {  	[tilespmem:$0x2820] =	vst v0  }
0x118: {  	v0 =	vld [tilespmem:s28+$0x130];
	_ =	sdelay $0x4  }
0x119: {  	[tilespmem:$0x2830] =	vst v0  }
0x11a: {  	v0 =	vld [tilespmem:s28+$0x140];
	_ =	sdelay $0x4  }
0x11b: {  	[tilespmem:$0x2840] =	vst v0  }
0x11c: {  	v0 =	vld [tilespmem:s28+$0x150];
	_ =	sdelay $0x4  }
0x11d: {  	[tilespmem:$0x2850] =	vst v0  }
0x11e: {  	v0 =	vld [tilespmem:s28+$0x160];
	_ =	sdelay $0x4  }
0x11f: {  	[tilespmem:$0x2860] =	vst v0  }
0x120: {  	v0 =	vld [tilespmem:s28+$0x170];
	_ =	sdelay $0x4  }
0x121: {  	[tilespmem:$0x2870] =	vst v0  }
0x122: {  	_ =	swait.ge [sflag:s23], $0x4000  }
0x123: {  	[sflag:s23] =	ssyncset.done $0x0  }
0x124: {  	[sflag:s23] =	ssyncadd.s32 $0xFFFFC000  }
0x125: {  	[tilespmem:s18], [sflag:$0x1] =	stream.indirect.gather [hbm4b:s4+s16], $0x80, s17, s16, $0xb8;
	[tilespmem:$0x1E580] =	vst v63  }
0x126: {  	v63 =	vld [tilespmem:s26+$0x0];
	_ =	sdelay $0x4  }
0x127: {  	[tilespmem:$0x2900] =	vst v63  }
0x128: {  	v0 =	vld [tilespmem:s26+$0x10];
	_ =	sdelay $0x4  }
0x129: {  	[tilespmem:$0x2910] =	vst v0  }
0x12a: {  	v0 =	vld [tilespmem:s26+$0x20];
	_ =	sdelay $0x4  }
0x12b: {  	[tilespmem:$0x2920] =	vst v0  }
0x12c: {  	v0 =	vld [tilespmem:s26+$0x30];
	_ =	sdelay $0x4  }
0x12d: {  	[tilespmem:$0x2930] =	vst v0  }
0x12e: {  	v0 =	vld [tilespmem:s26+$0x40];
	_ =	sdelay $0x4  }
0x12f: {  	[tilespmem:$0x2940] =	vst v0  }
0x130: {  	v0 =	vld [tilespmem:s26+$0x50];
	_ =	sdelay $0x4  }
0x131: {  	[tilespmem:$0x2950] =	vst v0  }
0x132: {  	v0 =	vld [tilespmem:s26+$0x60];
	_ =	sdelay $0x4  }
0x133: {  	[tilespmem:$0x2960] =	vst v0  }
0x134: {  	v0 =	vld [tilespmem:s26+$0x70];
	_ =	sdelay $0x4  }
0x135: {  	[tilespmem:$0x2970] =	vst v0  }
0x136: {  	[spmem:s2] =	stream.indirect.scatter.add.f32 [tilespmem:s21], [sflag:$0x3], $0x80, s22, s16, $0xb8;
	[tilespmem:$0x1E580] =	vst v63  }
0x137: {  	_ =	swait.ge [sflag:s14], $0x4000  }
0x138: {  	s28 =	simm.s32 $0x2;
	[sflag:s14] =	ssyncset.done $0x0  }
.LBB2_4:
0x139: {  	[sflag:s14] =	ssyncadd.s32 $0xFFFFC000;
	s26 =	sadd.s32 $0x100, s26;
	s25 =	sadd.s32 $0x100, s25  }
0x13a: {  	p0 =	sne.s32 s28, $0x26;
	s29 =	smov.u32 s28;
	s28 =	sadd.s32 $0x2, s28;
	v0 =	vld [tilespmem:s25+$0xFFFFFF90]  }
0x13b: {  	_ =	sdelay $0x3  }
0x13c: {  	[tilespmem:$0x2880] =	vst v0  }
0x13d: {  	v0 =	vld [tilespmem:s25+$0xFFFFFFA0];
	_ =	sdelay $0x4  }
0x13e: {  	[tilespmem:$0x2890] =	vst v0  }
0x13f: {  	v0 =	vld [tilespmem:s25+$0xFFFFFFB0];
	_ =	sdelay $0x4  }
0x140: {  	[tilespmem:$0x28A0] =	vst v0  }
0x141: {  	v0 =	vld [tilespmem:s25+$0xFFFFFFC0];
	_ =	sdelay $0x4  }
0x142: {  	[tilespmem:$0x28B0] =	vst v0  }
0x143: {  	v0 =	vld [tilespmem:s25+$0xFFFFFFD0];
	_ =	sdelay $0x4  }
0x144: {  	[tilespmem:$0x28C0] =	vst v0  }
0x145: {  	v0 =	vld [tilespmem:s25+$0xFFFFFFE0];
	_ =	sdelay $0x4  }
0x146: {  	[tilespmem:$0x28D0] =	vst v0  }
0x147: {  	v0 =	vld [tilespmem:s25+$0xFFFFFFF0];
	_ =	sdelay $0x4  }
0x148: {  	[tilespmem:$0x28E0] =	vst v0  }
0x149: {  	v0 =	vld [tilespmem:s25+$0x0];
	_ =	sdelay $0x4  }
0x14a: {  	[tilespmem:$0x28F0] =	vst v0  }
0x14b: {  	_ =	swait.ge [sflag:s19], $0x4000  }
0x14c: {  	[sflag:s19] =	ssyncset.done $0x0  }
0x14d: {  	[sflag:s19] =	ssyncadd.s32 $0xFFFFC000  }
0x14e: {  	[tilespmem:s21], [sflag:$0x2] =	stream.indirect.gather [hbm4b:s4+s16], $0x80, s20, s16, $0xb8;
	[tilespmem:$0x1E580] =	vst v63  }
0x14f: {  	v0 =	vld [tilespmem:s26+$0xFFFFFF80];
	_ =	sdelay $0x4  }
0x150: {  	[tilespmem:$0x2900] =	vst v0  }
0x151: {  	v0 =	vld [tilespmem:s26+$0xFFFFFF90];
	_ =	sdelay $0x4  }
0x152: {  	[tilespmem:$0x2910] =	vst v0  }
0x153: {  	v0 =	vld [tilespmem:s26+$0xFFFFFFA0];
	_ =	sdelay $0x4  }
0x154: {  	[tilespmem:$0x2920] =	vst v0  }
0x155: {  	v0 =	vld [tilespmem:s26+$0xFFFFFFB0];
	_ =	sdelay $0x4  }
0x156: {  	[tilespmem:$0x2930] =	vst v0  }
0x157: {  	v0 =	vld [tilespmem:s26+$0xFFFFFFC0];
	_ =	sdelay $0x4  }
0x158: {  	[tilespmem:$0x2940] =	vst v0  }
0x159: {  	v0 =	vld [tilespmem:s26+$0xFFFFFFD0];
	_ =	sdelay $0x4  }
0x15a: {  	[tilespmem:$0x2950] =	vst v0  }
0x15b: {  	v0 =	vld [tilespmem:s26+$0xFFFFFFE0];
	_ =	sdelay $0x4  }
0x15c: {  	[tilespmem:$0x2960] =	vst v0  }
0x15d: {  	v0 =	vld [tilespmem:s26+$0xFFFFFFF0];
	_ =	sdelay $0x4  }
0x15e: {  	[tilespmem:$0x2970] =	vst v0  }
0x15f: {  	[spmem:s2] =	stream.indirect.scatter.add.f32 [tilespmem:s18], [sflag:$0x3], $0x80, s22, s16, $0xb8;
	[tilespmem:$0x1E580] =	vst v63  }
0x160: {  	_ =	swait.ge [sflag:s14], $0x4000  }
0x161: {  	s29 =	smin.u32 s29, $0x25;
	[sflag:s14] =	ssyncset.done $0x0  }
0x162: {  	s29 =	sshll.u32 s29, $0x7;
	[sflag:s14] =	ssyncadd.s32 $0xFFFFC000  }
0x163: {  	v0 =	vld [tilespmem:s29+$0x100];
	_ =	sdelay $0x4  }
0x164: {  	[tilespmem:$0x2800] =	vst v0  }
0x165: {  	v0 =	vld [tilespmem:s29+$0x110];
	_ =	sdelay $0x4  }
0x166: {  	[tilespmem:$0x2810] =	vst v0  }
0x167: {  	v0 =	vld [tilespmem:s29+$0x120];
	_ =	sdelay $0x4  }
0x168: {  	[tilespmem:$0x2820] =	vst v0  }
0x169: {  	v0 =	vld [tilespmem:s29+$0x130];
	_ =	sdelay $0x4  }
0x16a: {  	[tilespmem:$0x2830] =	vst v0  }
0x16b: {  	v0 =	vld [tilespmem:s29+$0x140];
	_ =	sdelay $0x4  }
0x16c: {  	[tilespmem:$0x2840] =	vst v0  }
0x16d: {  	v0 =	vld [tilespmem:s29+$0x150];
	_ =	sdelay $0x4  }
0x16e: {  	[tilespmem:$0x2850] =	vst v0  }
0x16f: {  	v0 =	vld [tilespmem:s29+$0x160];
	_ =	sdelay $0x4  }
0x170: {  	[tilespmem:$0x2860] =	vst v0  }
0x171: {  	v0 =	vld [tilespmem:s29+$0x170];
	_ =	sdelay $0x4  }
0x172: {  	[tilespmem:$0x2870] =	vst v0  }
0x173: {  	_ =	swait.ge [sflag:s23], $0x4000  }
0x174: {  	[sflag:s23] =	ssyncset.done $0x0  }
0x175: {  	[sflag:s23] =	ssyncadd.s32 $0xFFFFC000  }
0x176: {  	[tilespmem:s18], [sflag:$0x1] =	stream.indirect.gather [hbm4b:s4+s16], $0x80, s17, s16, $0xb8;
	[tilespmem:$0x1E580] =	vst v63  }
0x177: {  	v0 =	vld [tilespmem:s26+$0x0];
	_ =	sdelay $0x4  }
0x178: {  	[tilespmem:$0x2900] =	vst v0  }
0x179: {  	v0 =	vld [tilespmem:s26+$0x10];
	_ =	sdelay $0x4  }
0x17a: {  	[tilespmem:$0x2910] =	vst v0  }
0x17b: {  	v0 =	vld [tilespmem:s26+$0x20];
	_ =	sdelay $0x4  }
0x17c: {  	[tilespmem:$0x2920] =	vst v0  }
0x17d: {  	v0 =	vld [tilespmem:s26+$0x30];
	_ =	sdelay $0x4  }
0x17e: {  	[tilespmem:$0x2930] =	vst v0  }
0x17f: {  	v0 =	vld [tilespmem:s26+$0x40];
	_ =	sdelay $0x4  }
0x180: {  	[tilespmem:$0x2940] =	vst v0  }
0x181: {  	v0 =	vld [tilespmem:s26+$0x50];
	_ =	sdelay $0x4  }
0x182: {  	[tilespmem:$0x2950] =	vst v0  }
0x183: {  	v0 =	vld [tilespmem:s26+$0x60];
	_ =	sdelay $0x4  }
0x184: {  	[tilespmem:$0x2960] =	vst v0  }
0x185: {  	v0 =	vld [tilespmem:s26+$0x70];
	_ =	sdelay $0x3  }
.Ltmp1:
0x186: {  	(pc) =	sbr.rel @p0 .LBB2_4-.Ltmp1, $4  }
0x187: {  	[tilespmem:$0x2970] =	vst v0  }
0x188: {  	[spmem:s2] =	stream.indirect.scatter.add.f32 [tilespmem:s21], [sflag:$0x3], $0x80, s22, s16, $0xb8;
	[tilespmem:$0x1E580] =	vst v63  }
0x189: {  	_ =	swait.ge [sflag:s14], $0x4000  }
0x18a: {  	[sflag:s14] =	ssyncset.done $0x0  }
0x18b: {  	[sflag:s14] =	ssyncadd.s32 $0xFFFFC000  }
0x18c: {  	_ =	swait.ge [sflag:s19], $0x4000  }
0x18d: {  	s24 =	sadd.s32 $0x1, s24;
	[sflag:s19] =	ssyncset.done $0x0  }
0x18e: {  	p0 =	sne.s32 s24, s12;
	[sflag:s19] =	ssyncadd.s32 $0xFFFFC000  }
.Ltmp2:
0x18f: {  	[bflag:$0x0] =	sbarrier.arrive $0xFFFF;
	(pc) =	sbr.rel @p0 .LBB2_1-.Ltmp2, $4  }
0x190: {  	[hbm:s11], [sflag:s6] =	dma.local [spmem:s13], $0x2780  }
0x191: {  	_ =	swait.ge [sflag:s14], $0x2780  }
0x192: {  	[sflag:s14] =	ssyncset.done $0x0  }
0x193: {  	[sflag:s14] =	ssyncadd.s32 $0xFFFFD880  }
0x194: {  	_ =	sfence.sel $0x180000  }
0x195: {  	[bflag:$0x0] =	sbarrier.arrive $0xFFFF  }
0x196: {  	p0 =	sne.s32 s1, $0x0;
	_ =	strace $0x9000004A  }
0x197: {  	s0 =	sadd.s32 @!p0 $0x100000, s0;
	[bflag:$0x2] =	sbarrier.arrive $0xFFFF  }
0x198: {  	[sflag:s0] =	ssyncadd.tile.s32 @!p0 $0x1;
	_ =	shalt  }
.Lfunc_end2:
_tile_overlayer_lowered:
.L_overlay_start_2:
0x199: {  	(tag) =	ssettag $0x2  }
0x19a: {  	s0 =	rddreg [dreg:$0x0];
	s2 =	stileid.u32  }
0x19b: {  	s1 =	rddreg [dreg:$0x1];
	p0 =	sne.s32 s2, $0x0  }
0x19c: {  	s3 =	rddreg [dreg:$0x2];
	[bflag:$0x3] =	sbarrier.arrive $0xFFFF;
	s2 =	simm.s32 @!p0 $0x1C03  }
0x19d: {  	[timem:s3], [sflag:s2] =	dma.local @!p0 [hbm:s0], s1  }
0x19e: {  	s0 =	simm.s32 @!p0 $0x3  }
0x19f: {  	_ =	swait.ge @!p0 [sflag:s0], s1  }
0x1a0: {  	s1 =	ssub.s32 @!p0 $0x0, s1;
	[sflag:s0] =	ssyncset.done @!p0 $0x0  }
0x1a1: {  	[sflag:s0] =	ssyncadd.s32 @!p0 s1  }
0x1a2: {  	[bflag:$0x3] =	sbarrier.arrive $0xFFFF  }
0x1a3: {  	_ =	shalt  }

// kernel: sc_scatter.7.cloned.1.call-start
scs
__scs_entry_jumppad:
0x0: {  	(pc) =	sbr.rel $0x88, $3  }
0x1: {  	(tag) =	ssettag $0x0;
	lr =	simm.s32 $0x1  }
0x2: {  	[smem:$0x3F96] =	sst lr;
	_ =	strace $0xD0000000  }
0x3: {  	_ = 	snop  }
0x4: {  	_ = 	snop  }
0x5: {  	_ = 	snop  }
0x6: {  	_ = 	snop  }
0x7: {  	_ = 	snop  }
__scs_overlays_trampoline_lowered:
0x8: {  	[smem:$0x3FA5] =	sst s0  }
0x9: {  	[smem:$0x3FA6] =	sst s1  }
0xa: {  	[smem:$0x3FA7] =	sst s2  }
0xb: {  	[smem:$0x3FA8] =	sst s3  }
0xc: {  	[smem:$0x3FA9] =	sst s4  }
0xd: {  	[smem:$0x3FAA] =	sst s5  }
0xe: {  	[smem:$0x3FAB] =	sst s6  }
0xf: {  	[smem:$0x3FAC] =	sst s7  }
0x10: {  	[smem:$0x3FAD] =	sst s8  }
0x11: {  	[smem:$0x3FAE] =	sst s9;
	s0 =	simm.s32 @!p0 $0x0  }
0x12: {  	s1 =	sld [smem:$0x3F94];
	s0 =	simm.s32 @p0 $0x1  }
0x13: {  	[smem:$0x3FAF] =	sst s0;
	s0 =	simm.s32 @!p1 $0x0  }
0x14: {  	s2 =	sld [smem:$0x3F93];
	s0 =	simm.s32 @p1 $0x1  }
0x15: {  	[smem:$0x3FB0] =	sst s0;
	s0 =	simm.s32 @!p2 $0x0  }
0x16: {  	s3 =	sld [smem:$0x3FDB];
	s0 =	simm.s32 @p2 $0x1  }
0x17: {  	s4 =	simm.s32 $0x1BF5;
	[smem:$0x3FB2] =	sst s0  }
0x18: {  	s0 =	sld [smem:$0x3F95];
	_ =	swait.ge [sflag:s4], $0x0  }
0x19: {  	s7 =	sld [smem:$0x3F96]  }
0x1a: {  	s8 =	sadd.s32 $0xFFFFE003, lr  }
0x1b: {  	s9 =	sadd.s32 $0xFFFFFEF7, lr;
	s5 =	simm.s32 $0xFFFFFFFF;
	p2 =	slt.u32 s8, $0xFFFFF086  }
0x1c: {  	p1 =	slt.u32 s9, $0xF7A;
	s5 =	simm.s32 @!p2 $0x0  }
0x1d: {  	s5 =	simm.s32 @p1 $0x1;
	p0 =	seq.s32 s7, s2  }
0x1e: {  	s7 =	smul.u32 @!p0 $0xF7A, s2;
	p2 =	seq.s32 @!p0 s5, $0x0  }
0x1f: {  	s9 =	smul.u32 $0xF7A, s1;
	s8 =	simm.s32 @!p0 $0x1BF5;
	p2 =	por !p2, p0  }
0x20: {  	[sflag:s8] =	ssyncset.s32 @!p0 $0xFFFFF086;
	s6 =	sadd.s32 @!p0 s3, s7;
	s7 =	simm.s32 @!p0 $0x108  }
0x21: {  	s3 =	sadd.s32 s3, s9;
	s6 =	sadd.s32 @!p0 $0x88, s6;
	s7 =	simm.s32 @p2 $0x1082  }
0x22: {  	[simem:s7], [sflag:s8] =	dma.local @!p0 [hbm:s6], $0xF7A  }
0x23: {  	s9 =	sor.u32 $0xD0000000, s2;
	s6 =	simm.s32 $0x108;
	_ =	swait.ge @!p0 [sflag:s8], $0x0  }
0x24: {  	s3 =	sadd.s32 $0x88, s3;
	s6 =	simm.s32 @!p1 $0x1082;
	[sflag:s4] =	ssyncset.s32 $0xFFFFF086  }
0x25: {  	[simem:s6], [sflag:s4] =	dma.local [hbm:s3], $0xF7A  }
0x26: {  	[smem:$0x3F96] =	sst s1;
	(tag) =	ssettag s2;
	_ =	strace s9  }
0x27: {  	s1 =	sld [smem:$0x3FA6]  }
0x28: {  	s2 =	sld [smem:$0x3FA7]  }
0x29: {  	s4 =	sld [smem:$0x3FA9]  }
0x2a: {  	p0 =	seq.s32 s5, $0x0;
	s5 =	sld [smem:$0x3FAA]  }
0x2b: {  	s6 =	sld [smem:$0x3FAB]  }
0x2c: {  	s7 =	sld [smem:$0x3FAC]  }
0x2d: {  	s3 =	simm.s32 $0x108;
	s8 =	sld [smem:$0x3FAD]  }
0x2e: {  	s3 =	simm.s32 @!p0 $0x1082;
	s9 =	sld [smem:$0x3FAE]  }
0x2f: {  	lr =	sadd.s32 s0, s3;
	s0 =	sld [smem:$0x3FA5]  }
0x30: {  	s3 =	sld [smem:$0x3FA8]  }
0x31: {  	[smem:$0x3FB1] =	sst s10  }
0x32: {  	s10 =	sld [smem:$0x3FAF];
	_ =	sdelay $0x3  }
0x33: {  	p0 =	seq.s32 s10, $0x1;
	s10 =	sld [smem:$0x3FB1];
	_ =	sdelay $0x3  }
0x34: {  	[smem:$0x3FB1] =	sst s10  }
0x35: {  	s10 =	sld [smem:$0x3FB0];
	_ =	sdelay $0x3  }
0x36: {  	p1 =	seq.s32 s10, $0x1;
	s10 =	sld [smem:$0x3FB1];
	_ =	sdelay $0x3  }
0x37: {  	[smem:$0x3FB1] =	sst s10  }
0x38: {  	s10 =	sld [smem:$0x3FB2]  }
0x39: {  	_ = 	snop;
	(pc) =	sbr.ind lr, $3  }
0x3a: {  	_ = 	snop  }
0x3b: {  	_ = 	snop  }
0x3c: {  	p2 =	seq.s32 s10, $0x1;
	s10 =	sld [smem:$0x3FB1]  }
0x3d: {  	_ =	shalt  }
0x3e: {  	_ =	shalt  }
0x3f: {  	_ =	shalt  }
0x40: {  	_ =	shalt  }
0x41: {  	_ =	shalt  }
0x42: {  	_ =	shalt  }
0x43: {  	_ =	shalt  }
0x44: {  	_ =	shalt  }
0x45: {  	_ =	shalt  }
0x46: {  	_ =	shalt  }
0x47: {  	_ =	shalt  }
0x48: {  	_ =	shalt  }
0x49: {  	_ =	shalt  }
0x4a: {  	_ =	shalt  }
0x4b: {  	_ =	shalt  }
0x4c: {  	_ =	shalt  }
0x4d: {  	_ =	shalt  }
0x4e: {  	_ =	shalt  }
0x4f: {  	_ =	shalt  }
0x50: {  	_ =	shalt  }
0x51: {  	_ =	shalt  }
0x52: {  	_ =	shalt  }
0x53: {  	_ =	shalt  }
0x54: {  	_ =	shalt  }
0x55: {  	_ =	shalt  }
0x56: {  	_ =	shalt  }
0x57: {  	_ =	shalt  }
0x58: {  	_ =	shalt  }
0x59: {  	_ =	shalt  }
0x5a: {  	_ =	shalt  }
0x5b: {  	_ =	shalt  }
0x5c: {  	_ =	shalt  }
0x5d: {  	_ =	shalt  }
0x5e: {  	_ =	shalt  }
0x5f: {  	_ =	shalt  }
0x60: {  	_ =	shalt  }
0x61: {  	_ =	shalt  }
0x62: {  	_ =	shalt  }
0x63: {  	_ =	shalt  }
0x64: {  	_ =	shalt  }
0x65: {  	_ =	shalt  }
0x66: {  	_ =	shalt  }
0x67: {  	_ =	shalt  }
0x68: {  	_ =	shalt  }
0x69: {  	_ =	shalt  }
0x6a: {  	_ =	shalt  }
0x6b: {  	_ =	shalt  }
0x6c: {  	_ =	shalt  }
0x6d: {  	_ =	shalt  }
0x6e: {  	_ =	shalt  }
0x6f: {  	_ =	shalt  }
0x70: {  	_ =	shalt  }
0x71: {  	_ =	shalt  }
0x72: {  	_ =	shalt  }
0x73: {  	_ =	shalt  }
0x74: {  	_ =	shalt  }
0x75: {  	_ =	shalt  }
0x76: {  	_ =	shalt  }
0x77: {  	_ =	shalt  }
0x78: {  	_ =	shalt  }
0x79: {  	_ =	shalt  }
0x7a: {  	_ =	shalt  }
0x7b: {  	_ =	shalt  }
0x7c: {  	_ =	shalt  }
0x7d: {  	_ =	shalt  }
0x7e: {  	_ =	shalt  }
0x7f: {  	_ =	shalt  }
0x80: {  	_ =	shalt  }
0x81: {  	_ =	shalt  }
0x82: {  	_ =	shalt  }
0x83: {  	_ =	shalt  }
0x84: {  	_ =	shalt  }
0x85: {  	_ =	shalt  }
0x86: {  	_ =	shalt  }
0x87: {  	_ =	shalt  }
.Lfunc_end0:
.L_simem_size_0:
called_computation.2_lowered:
.L_overlay_start_0:
0x88: {  	s2 =	sld [smem:$0x3FD9]  }
0x89: {  	s3 =	sld [smem:$0x3FFE];
	_ =	sdelay $0x1  }
0x8a: {  	s1 =	srdreg.scid  }
0x8b: {  	s0 =	sand.u32 $0x1, s1  }
0x8c: {  	s16 =	sshll.u32 s0, $0xA;
	s2 =	sadd.s32 s3, s2  }
0x8d: {  	s2 =	sadd.s32 s2, s16  }
0x8e: {  	[smem:$0x3FBD] =	sst s2  }
0x8f: {  	_ = 	snop  }
0x90: {  	(tm) =	ssettm $0x1  }
0x91: {  	s17 =	sld [smem:$0x3FFB];
	_ =	sdelay $0x3  }
0x92: {  	_ =	strace s17  }
0x93: {  	s2 =	sld [smem:$0x3FFC];
	_ =	sdelay $0x3  }
0x94: {  	_ =	strace s2  }
0x95: {  	s2 =	sld [smem:$0x3FFD];
	_ =	sdelay $0x3  }
0x96: {  	_ =	strace s2  }
0x97: {  	_ =	strace $0x8FFFFFFF  }
0x98: {  	s18 =	sld [smem:$0x3FDB];
	_ =	sdelay $0x1  }
0x99: {  	s19 =	simm.s32 $_scs_section_size  }
0x9a: {  	s4 =	simm.s32 $_size__tile_overlayer_lowered;
	s5 =	simm.s32 $_tile_overlayer_lowered  }
0x9b: {  	s22 =	simm.s32 $0x1BFF;
	s21 =	sshll.u32 s5, $0x1;
	s2 =	sadd.s32 s19, s18  }
0x9c: {  	s6 =	simm.s32 $0x0;
	s20 =	sshll.u32 s4, $0x1;
	s4 =	sadd.s32 s21, s2  }
0x9d: {  	[timem:s6], [sflag:s22] =	dma.local [hbm:s4], s20  }
0x9e: {  	_ =	swait.ge [sflag:s22], s20  }
0x9f: {  	s3 =	ssub.s32 $0x0, s20;
	[sflag:s22] =	ssyncset.done $0x0  }
0xa0: {  	[sflag:s22] =	ssyncadd.s32 s3;
	_ =	sdelay $0x1  }
0xa1: {  	s23 =	simm.s32 $0x1B8B  }
0xa2: {  	_ =	swait.ge [sflag:s23], $0x1  }
0xa3: {  	[sflag:s23] =	ssyncset.done $0x0  }
0xa4: {  	s25 =	simm.s32 $0x1B8E;
	s24 =	sld [smem:$0x3FFE];
	[sflag:s23] =	ssyncadd.s32 $0xFFFFFFFF  }
0xa5: {  	s26 =	simm.s32 $execute0_lowered;
	[smem:$0x3FD2] =	sst s25  }
0xa6: {  	s4 =	sshll.u32 s26, $0x1;
	_ =	strace $0x8000004C;
	[dreg:$0x1] =	wrdreg $0xFFFFFFFF  }
0xa7: {  	s28 =	simm.s32 $_size_execute0_lowered;
	s2 =	sadd.s32 s2, s4;
	[dreg:$0x0] =	wrdreg $0x0  }
0xa8: {  	s4 =	sshll.u32 s28, $0x1;
	[dreg:$0x2] =	wrdreg s2  }
0xa9: {  	[dreg:$0x3] =	wrdreg s4  }
0xaa: {  	[dreg:$0x4] =	wrdreg $0xC0  }
0xab: {  	_ =	task [dreg:s6], $0x5FFFF  }
0xac: {  	[dreg:$0x1] =	wrdreg $0xFFFFFFFF  }
0xad: {  	[dreg:$0x0] =	wrdreg $0x60  }
0xae: {  	[dreg:$0x2] =	wrdreg s24  }
0xaf: {  	[dreg:$0x3] =	wrdreg $0xA9800  }
0xb0: {  	[dreg:$0x4] =	wrdreg $0x9  }
0xb1: {  	_ =	task.clear_ibuf [dreg:s6], $0x5FFFF;
	_ =	strace $0x9000004C  }
0xb2: {  	s29 =	simm.s32 $0x9;
	_ =	strace $0x8000004E  }
0xb3: {  	_ =	swait.ge [sflag:s29], $0x1  }
0xb4: {  	[sflag:s29] =	ssyncadd.s32 $0xFFFFFFFF  }
0xb5: {  	_ =	strace $0x9000004E  }
0xb6: {  	_ =	sfence  }
0xb7: {  	s30 =	sld [smem:$0x0];
	_ =	sdelay $0x2  }
0xb8: {  	s31 =	sshll.u32 s1, $0xD;
	s1 =	sshrl.u32 s1, $0x2  }
0xb9: {  	s3 =	sand.u32 $0x4000, s31;
	s1 =	sadd.s32 s1, s30  }
0xba: {  	s0 =	sor.u32 s3, s0;
	s1 =	sshll.u32 s1, $0x11  }
0xbb: {  	s0 =	sor.u32 s1, s0  }
0xbc: {  	s0 =	sadd.s32 $0x8F2B, s0  }
0xbd: {  	[sflag:s0] =	ssyncadd.remote.s32 $0x1  }
0xbe: {  	_ =	sfence.sel $0xFFFF  }
0xbf: {  	[dreg:$0x0] =	wrdreg $0xFFFFFFFF;
	(pc) =	sbr.abs _section_cstart, $3  }
0xc0: {  	[dreg:$0x1] =	wrdreg $0xFFFFFFFF  }
0xc1: {  	_ =	task.clear_ibuf [dreg:s6], $0x2FFFF;
	_ =	strace $0x9FFFFFFF  }
0xc2: {  	(tm) =	ssettm $0x7FFFFFFF  }
0xc3: {  	_ =	shalt  }
tec
execute0_lowered:
.L_overlay_start_1:
0x0: {  	(tag) =	ssettag $0x1  }
0x1: {  	s5 =	rddreg [dreg:$0x0]  }
0x2: {  	s2 =	rddreg [dreg:$0x1]  }
0x3: {  	s0 =	rddreg [dreg:$0x2];
	s3 =	simm.s32 $0x0  }
0x4: {  	s1 =	stileid.u32;
	s4 =	srdreg.scid;
	s17 =	simm.s32 $0x2800  }
0x5: {  	s18 =	simm.s32 $0x2980;
	s19 =	simm.s32 $0x1;
	s20 =	simm.s32 $0x2880  }
0x6: {  	s21 =	simm.s32 $0x6980;
	s22 =	simm.s32 $0x2900;
	s23 =	simm.s32 $0x2  }
0x7: {  	s24 =	simm.s32 $0x0;
	[smem:$0x7FF] =	sst s3;
	s6 =	smul.u32 $0x13C00, s1  }
0x8: {  	s7 =	sand.u32 $0x1, s4;
	s9 =	sadd.s32 $0x20800, s5;
	s11 =	sadd.s32 $0xCA00, s5  }
0x9: {  	s4 =	sadd.s32 $0x2A800, s5;
	s25 =	sshll.u32 s1, $0x1;
	s12 =	smul.u32 $0x4F000, s1  }
0xa: {  	s28 =	sshll.u32 s1, $0x6;
	_ =	strace $0x8000004D;
	s10 =	smul.u32 $0x13C000, s7  }
0xb: {  	s13 =	ssub.s32 $0x2, s7;
	s7 =	sor.u32 s7, s25;
	s8 =	sshrl.u32 s6, $0x3  }
0xc: {  	s26 =	sshrl.u32 s13, $0x1;
	s12 =	sshrl.u32 s12, $0x2;
	s14 =	smul.u32 $0x2800, s7  }
0xd: {  	s29 =	smul.u32 $0x500, s7;
	s8 =	sadd.s32 s8, s5;
	s6 =	sadd.s32 s6, s10  }
0xe: {  	s13 =	ssub.s32 s13, s26;
	s16 =	sadd.s32 s12, s2;
	s6 =	sshrl.u32 s6, $0x3  }
0xf: {  	s30 =	sshrl.u32 s14, $0x3;
	s7 =	sadd.s32 s9, s29;
	s12 =	smax.u32 s13, $0x1  }
0x10: {  	s13 =	sshrl.u32 s16, $0x3;
	s14 =	simm.s32 $0x3;
	s16 =	simm.s32 $0x80  }
0x11: {  	s15 =	sadd.s32 s6, s5;
	s5 =	sadd.s32 $0x51A00, s8;
	s31 =	sadd.s32 $0x280, s30  }
0x12: {  	s6 =	sor.u32 $0x1C03, s28;
	s8 =	sadd.s32 s11, s29;
	s9 =	sadd.s32 s9, s31  }
0x13: {  	s10 =	sadd.s32 s11, s31;
	s11 =	sadd.s32 $0x79200, s15;
	s15 =	simm.s32 $0x1400  }
.LBB2_1:
0x14: {  	[spmem:s13], [sflag:s6] =	dma.local [hbm:s5], $0x2780  }
0x15: {  	_ =	swait.ge [sflag:s14], $0x2780  }
0x16: {  	[sflag:s14] =	ssyncset.done $0x0  }
0x17: {  	[sflag:s14] =	ssyncadd.s32 $0xFFFFD880  }
0x18: {  	[bflag:$0x0] =	sbarrier.arrive $0xFFFF  }
0x19: {  	[tilespmem:s3], [sflag:$0x3] =	stream.linear.gather [hbm4b:s7+s3], $0x1400, $0x38;
	[tilespmem:$0x1E580] =	vst v63  }
0x1a: {  	_ =	swait.ge [sflag:s14], $0x1400  }
0x1b: {  	[sflag:s14] =	ssyncset.done $0x0  }
0x1c: {  	[sflag:s14] =	ssyncadd.s32 $0xFFFFEC00  }
0x1d: {  	[tilespmem:s15], [sflag:$0x3] =	stream.linear.gather [hbm4b:s8+s3], $0x1400, $0x38;
	[tilespmem:$0x1E580] =	vst v63  }
0x1e: {  	_ =	swait.ge [sflag:s14], $0x1400  }
0x1f: {  	[sflag:s14] =	ssyncset.done $0x0  }
0x20: {  	[sflag:s14] =	ssyncadd.s32 $0xFFFFEC00  }
0x21: {  	v0 =	vld [tilespmem:$0x0]  }
0x22: {  	v1 =	vld [tilespmem:$0x10]  }
0x23: {  	v2 =	vld [tilespmem:$0x20]  }
0x24: {  	v3 =	vld [tilespmem:$0x30]  }
0x25: {  	v4 =	vld [tilespmem:$0x40]  }
0x26: {  	v58 =	vld [tilespmem:$0x50];
	[tilespmem:$0x2800] =	vst v0  }
0x27: {  	v59 =	vld [tilespmem:$0x60];
	[tilespmem:$0x2810] =	vst v1  }
0x28: {  	v60 =	vld [tilespmem:$0x70];
	[tilespmem:$0x2820] =	vst v2  }
0x29: {  	[tilespmem:$0x2830] =	vst v3  }
0x2a: {  	[tilespmem:$0x2840] =	vst v4  }
0x2b: {  	[tilespmem:$0x2850] =	vst v58  }
0x2c: {  	[tilespmem:$0x2860] =	vst v59  }
0x2d: {  	s25 =	simm.s32 $0xF0;
	[tilespmem:$0x2870] =	vst v60  }
0x2e: {  	[tilespmem:s18], [sflag:$0x1] =	stream.indirect.gather [hbm4b:s4+s16], $0x80, s17, s16, $0xb8;
	[tilespmem:$0x1E580] =	vst v63  }
0x2f: {  	v0 =	vld [tilespmem:s25+$0xFFFFFF90];
	_ =	sdelay $0x4  }
0x30: {  	[tilespmem:$0x2880] =	vst v0  }
0x31: {  	v0 =	vld [tilespmem:s25+$0xFFFFFFA0];
	_ =	sdelay $0x4  }
0x32: {  	[tilespmem:$0x2890] =	vst v0  }
0x33: {  	v0 =	vld [tilespmem:s25+$0xFFFFFFB0];
	_ =	sdelay $0x4  }
0x34: {  	[tilespmem:$0x28A0] =	vst v0  }
0x35: {  	v0 =	vld [tilespmem:s25+$0xFFFFFFC0];
	_ =	sdelay $0x4  }
0x36: {  	[tilespmem:$0x28B0] =	vst v0  }
0x37: {  	v0 =	vld [tilespmem:s25+$0xFFFFFFD0];
	_ =	sdelay $0x4  }
0x38: {  	[tilespmem:$0x28C0] =	vst v0  }
0x39: {  	v0 =	vld [tilespmem:s25+$0xFFFFFFE0];
	_ =	sdelay $0x4  }
0x3a: {  	[tilespmem:$0x28D0] =	vst v0  }
0x3b: {  	v0 =	vld [tilespmem:s25+$0xFFFFFFF0];
	_ =	sdelay $0x4  }
0x3c: {  	[tilespmem:$0x28E0] =	vst v0  }
0x3d: {  	v0 =	vld [tilespmem:s25+$0x0];
	_ =	sdelay $0x4  }
0x3e: {  	[tilespmem:$0x28F0] =	vst v0  }
0x3f: {  	_ =	swait.ge [sflag:s19], $0x4000  }
0x40: {  	[sflag:s19] =	ssyncset.done $0x0  }
0x41: {  	s26 =	simm.s32 $0x1480;
	[sflag:s19] =	ssyncadd.s32 $0xFFFFC000  }
0x42: {  	[tilespmem:s21], [sflag:$0x2] =	stream.indirect.gather [hbm4b:s4+s16], $0x80, s20, s16, $0xb8;
	[tilespmem:$0x1E580] =	vst v63  }
0x43: {  	v61 =	vld [tilespmem:s26+$0xFFFFFF80];
	_ =	sdelay $0x4  }
0x44: {  	[tilespmem:$0x2900] =	vst v61  }
0x45: {  	v0 =	vld [tilespmem:s26+$0xFFFFFF90];
	_ =	sdelay $0x4  }
0x46: {  	[tilespmem:$0x2910] =	vst v0  }
0x47: {  	v0 =	vld [tilespmem:s26+$0xFFFFFFA0];
	_ =	sdelay $0x4  }
0x48: {  	[tilespmem:$0x2920] =	vst v0  }
0x49: {  	v0 =	vld [tilespmem:s26+$0xFFFFFFB0];
	_ =	sdelay $0x4  }
0x4a: {  	[tilespmem:$0x2930] =	vst v0  }
0x4b: {  	v0 =	vld [tilespmem:s26+$0xFFFFFFC0];
	_ =	sdelay $0x4  }
0x4c: {  	[tilespmem:$0x2940] =	vst v0  }
0x4d: {  	v0 =	vld [tilespmem:s26+$0xFFFFFFD0];
	_ =	sdelay $0x4  }
0x4e: {  	[tilespmem:$0x2950] =	vst v0  }
0x4f: {  	v0 =	vld [tilespmem:s26+$0xFFFFFFE0];
	_ =	sdelay $0x4  }
0x50: {  	[tilespmem:$0x2960] =	vst v0  }
0x51: {  	v0 =	vld [tilespmem:s26+$0xFFFFFFF0];
	_ =	sdelay $0x4  }
0x52: {  	[tilespmem:$0x2970] =	vst v0  }
0x53: {  	[spmem:s2] =	stream.indirect.scatter.add.f32 [tilespmem:s18], [sflag:$0x3], $0x80, s22, s16, $0xb8;
	[tilespmem:$0x1E580] =	vst v63  }
0x54: {  	_ =	swait.ge [sflag:s14], $0x4000  }
0x55: {  	s28 =	smin.u32 s3, $0x25;
	[sflag:s14] =	ssyncset.done $0x0  }
0x56: {  	s28 =	sshll.u32 s28, $0x7;
	[sflag:s14] =	ssyncadd.s32 $0xFFFFC000  }
0x57: {  	v62 =	vld [tilespmem:s28+$0x100];
	_ =	sdelay $0x4  }
0x58: {  	[tilespmem:$0x2800] =	vst v62  }
0x59: {  	v0 =	vld [tilespmem:s28+$0x110];
	_ =	sdelay $0x4  }
0x5a: {  	[tilespmem:$0x2810] =	vst v0  }
0x5b: {  	v0 =	vld [tilespmem:s28+$0x120];
	_ =	sdelay $0x4  }
0x5c: {  	[tilespmem:$0x2820] =	vst v0  }
0x5d: {  	v0 =	vld [tilespmem:s28+$0x130];
	_ =	sdelay $0x4  }
0x5e: {  	[tilespmem:$0x2830] =	vst v0  }
0x5f: {  	v0 =	vld [tilespmem:s28+$0x140];
	_ =	sdelay $0x4  }
0x60: {  	[tilespmem:$0x2840] =	vst v0  }
0x61: {  	v0 =	vld [tilespmem:s28+$0x150];
	_ =	sdelay $0x4  }
0x62: {  	[tilespmem:$0x2850] =	vst v0  }
0x63: {  	v0 =	vld [tilespmem:s28+$0x160];
	_ =	sdelay $0x4  }
0x64: {  	[tilespmem:$0x2860] =	vst v0  }
0x65: {  	v0 =	vld [tilespmem:s28+$0x170];
	_ =	sdelay $0x4  }
0x66: {  	[tilespmem:$0x2870] =	vst v0  }
0x67: {  	_ =	swait.ge [sflag:s23], $0x4000  }
0x68: {  	[sflag:s23] =	ssyncset.done $0x0  }
0x69: {  	[sflag:s23] =	ssyncadd.s32 $0xFFFFC000  }
0x6a: {  	[tilespmem:s18], [sflag:$0x1] =	stream.indirect.gather [hbm4b:s4+s16], $0x80, s17, s16, $0xb8;
	[tilespmem:$0x1E580] =	vst v63  }
0x6b: {  	v63 =	vld [tilespmem:s26+$0x0];
	_ =	sdelay $0x4  }
0x6c: {  	[tilespmem:$0x2900] =	vst v63  }
0x6d: {  	v0 =	vld [tilespmem:s26+$0x10];
	_ =	sdelay $0x4  }
0x6e: {  	[tilespmem:$0x2910] =	vst v0  }
0x6f: {  	v0 =	vld [tilespmem:s26+$0x20];
	_ =	sdelay $0x4  }
0x70: {  	[tilespmem:$0x2920] =	vst v0  }
0x71: {  	v0 =	vld [tilespmem:s26+$0x30];
	_ =	sdelay $0x4  }
0x72: {  	[tilespmem:$0x2930] =	vst v0  }
0x73: {  	v0 =	vld [tilespmem:s26+$0x40];
	_ =	sdelay $0x4  }
0x74: {  	[tilespmem:$0x2940] =	vst v0  }
0x75: {  	v0 =	vld [tilespmem:s26+$0x50];
	_ =	sdelay $0x4  }
0x76: {  	[tilespmem:$0x2950] =	vst v0  }
0x77: {  	v0 =	vld [tilespmem:s26+$0x60];
	_ =	sdelay $0x4  }
0x78: {  	[tilespmem:$0x2960] =	vst v0  }
0x79: {  	v0 =	vld [tilespmem:s26+$0x70];
	_ =	sdelay $0x4  }
0x7a: {  	[tilespmem:$0x2970] =	vst v0  }
0x7b: {  	[spmem:s2] =	stream.indirect.scatter.add.f32 [tilespmem:s21], [sflag:$0x3], $0x80, s22, s16, $0xb8;
	[tilespmem:$0x1E580] =	vst v63  }
0x7c: {  	_ =	swait.ge [sflag:s14], $0x4000  }
0x7d: {  	s28 =	simm.s32 $0x2;
	[sflag:s14] =	ssyncset.done $0x0  }
.LBB2_2:
0x7e: {  	[sflag:s14] =	ssyncadd.s32 $0xFFFFC000;
	s26 =	sadd.s32 $0x100, s26;
	s25 =	sadd.s32 $0x100, s25  }
0x7f: {  	p0 =	sne.s32 s28, $0x26;
	s29 =	smov.u32 s28;
	s28 =	sadd.s32 $0x2, s28;
	v0 =	vld [tilespmem:s25+$0xFFFFFF90]  }
0x80: {  	_ =	sdelay $0x3  }
0x81: {  	[tilespmem:$0x2880] =	vst v0  }
0x82: {  	v0 =	vld [tilespmem:s25+$0xFFFFFFA0];
	_ =	sdelay $0x4  }
0x83: {  	[tilespmem:$0x2890] =	vst v0  }
0x84: {  	v0 =	vld [tilespmem:s25+$0xFFFFFFB0];
	_ =	sdelay $0x4  }
0x85: {  	[tilespmem:$0x28A0] =	vst v0  }
0x86: {  	v0 =	vld [tilespmem:s25+$0xFFFFFFC0];
	_ =	sdelay $0x4  }
0x87: {  	[tilespmem:$0x28B0] =	vst v0  }
0x88: {  	v0 =	vld [tilespmem:s25+$0xFFFFFFD0];
	_ =	sdelay $0x4  }
0x89: {  	[tilespmem:$0x28C0] =	vst v0  }
0x8a: {  	v0 =	vld [tilespmem:s25+$0xFFFFFFE0];
	_ =	sdelay $0x4  }
0x8b: {  	[tilespmem:$0x28D0] =	vst v0  }
0x8c: {  	v0 =	vld [tilespmem:s25+$0xFFFFFFF0];
	_ =	sdelay $0x4  }
0x8d: {  	[tilespmem:$0x28E0] =	vst v0  }
0x8e: {  	v0 =	vld [tilespmem:s25+$0x0];
	_ =	sdelay $0x4  }
0x8f: {  	[tilespmem:$0x28F0] =	vst v0  }
0x90: {  	_ =	swait.ge [sflag:s19], $0x4000  }
0x91: {  	[sflag:s19] =	ssyncset.done $0x0  }
0x92: {  	[sflag:s19] =	ssyncadd.s32 $0xFFFFC000  }
0x93: {  	[tilespmem:s21], [sflag:$0x2] =	stream.indirect.gather [hbm4b:s4+s16], $0x80, s20, s16, $0xb8;
	[tilespmem:$0x1E580] =	vst v63  }
0x94: {  	v0 =	vld [tilespmem:s26+$0xFFFFFF80];
	_ =	sdelay $0x4  }
0x95: {  	[tilespmem:$0x2900] =	vst v0  }
0x96: {  	v0 =	vld [tilespmem:s26+$0xFFFFFF90];
	_ =	sdelay $0x4  }
0x97: {  	[tilespmem:$0x2910] =	vst v0  }
0x98: {  	v0 =	vld [tilespmem:s26+$0xFFFFFFA0];
	_ =	sdelay $0x4  }
0x99: {  	[tilespmem:$0x2920] =	vst v0  }
0x9a: {  	v0 =	vld [tilespmem:s26+$0xFFFFFFB0];
	_ =	sdelay $0x4  }
0x9b: {  	[tilespmem:$0x2930] =	vst v0  }
0x9c: {  	v0 =	vld [tilespmem:s26+$0xFFFFFFC0];
	_ =	sdelay $0x4  }
0x9d: {  	[tilespmem:$0x2940] =	vst v0  }
0x9e: {  	v0 =	vld [tilespmem:s26+$0xFFFFFFD0];
	_ =	sdelay $0x4  }
0x9f: {  	[tilespmem:$0x2950] =	vst v0  }
0xa0: {  	v0 =	vld [tilespmem:s26+$0xFFFFFFE0];
	_ =	sdelay $0x4  }
0xa1: {  	[tilespmem:$0x2960] =	vst v0  }
0xa2: {  	v0 =	vld [tilespmem:s26+$0xFFFFFFF0];
	_ =	sdelay $0x4  }
0xa3: {  	[tilespmem:$0x2970] =	vst v0  }
0xa4: {  	[spmem:s2] =	stream.indirect.scatter.add.f32 [tilespmem:s18], [sflag:$0x3], $0x80, s22, s16, $0xb8;
	[tilespmem:$0x1E580] =	vst v63  }
0xa5: {  	_ =	swait.ge [sflag:s14], $0x4000  }
0xa6: {  	s29 =	smin.u32 s29, $0x25;
	[sflag:s14] =	ssyncset.done $0x0  }
0xa7: {  	s29 =	sshll.u32 s29, $0x7;
	[sflag:s14] =	ssyncadd.s32 $0xFFFFC000  }
0xa8: {  	v0 =	vld [tilespmem:s29+$0x100];
	_ =	sdelay $0x4  }
0xa9: {  	[tilespmem:$0x2800] =	vst v0  }
0xaa: {  	v0 =	vld [tilespmem:s29+$0x110];
	_ =	sdelay $0x4  }
0xab: {  	[tilespmem:$0x2810] =	vst v0  }
0xac: {  	v0 =	vld [tilespmem:s29+$0x120];
	_ =	sdelay $0x4  }
0xad: {  	[tilespmem:$0x2820] =	vst v0  }
0xae: {  	v0 =	vld [tilespmem:s29+$0x130];
	_ =	sdelay $0x4  }
0xaf: {  	[tilespmem:$0x2830] =	vst v0  }
0xb0: {  	v0 =	vld [tilespmem:s29+$0x140];
	_ =	sdelay $0x4  }
0xb1: {  	[tilespmem:$0x2840] =	vst v0  }
0xb2: {  	v0 =	vld [tilespmem:s29+$0x150];
	_ =	sdelay $0x4  }
0xb3: {  	[tilespmem:$0x2850] =	vst v0  }
0xb4: {  	v0 =	vld [tilespmem:s29+$0x160];
	_ =	sdelay $0x4  }
0xb5: {  	[tilespmem:$0x2860] =	vst v0  }
0xb6: {  	v0 =	vld [tilespmem:s29+$0x170];
	_ =	sdelay $0x4  }
0xb7: {  	[tilespmem:$0x2870] =	vst v0  }
0xb8: {  	_ =	swait.ge [sflag:s23], $0x4000  }
0xb9: {  	[sflag:s23] =	ssyncset.done $0x0  }
0xba: {  	[sflag:s23] =	ssyncadd.s32 $0xFFFFC000  }
0xbb: {  	[tilespmem:s18], [sflag:$0x1] =	stream.indirect.gather [hbm4b:s4+s16], $0x80, s17, s16, $0xb8;
	[tilespmem:$0x1E580] =	vst v63  }
0xbc: {  	v0 =	vld [tilespmem:s26+$0x0];
	_ =	sdelay $0x4  }
0xbd: {  	[tilespmem:$0x2900] =	vst v0  }
0xbe: {  	v0 =	vld [tilespmem:s26+$0x10];
	_ =	sdelay $0x4  }
0xbf: {  	[tilespmem:$0x2910] =	vst v0  }
0xc0: {  	v0 =	vld [tilespmem:s26+$0x20];
	_ =	sdelay $0x4  }
0xc1: {  	[tilespmem:$0x2920] =	vst v0  }
0xc2: {  	v0 =	vld [tilespmem:s26+$0x30];
	_ =	sdelay $0x4  }
0xc3: {  	[tilespmem:$0x2930] =	vst v0  }
0xc4: {  	v0 =	vld [tilespmem:s26+$0x40];
	_ =	sdelay $0x4  }
0xc5: {  	[tilespmem:$0x2940] =	vst v0  }
0xc6: {  	v0 =	vld [tilespmem:s26+$0x50];
	_ =	sdelay $0x4  }
0xc7: {  	[tilespmem:$0x2950] =	vst v0  }
0xc8: {  	v0 =	vld [tilespmem:s26+$0x60];
	_ =	sdelay $0x4  }
0xc9: {  	[tilespmem:$0x2960] =	vst v0  }
0xca: {  	v0 =	vld [tilespmem:s26+$0x70];
	_ =	sdelay $0x3  }
.Ltmp0:
0xcb: {  	(pc) =	sbr.rel @p0 .LBB2_2-.Ltmp0, $4  }
0xcc: {  	[tilespmem:$0x2970] =	vst v0  }
0xcd: {  	[spmem:s2] =	stream.indirect.scatter.add.f32 [tilespmem:s21], [sflag:$0x3], $0x80, s22, s16, $0xb8;
	[tilespmem:$0x1E580] =	vst v63  }
0xce: {  	_ =	swait.ge [sflag:s14], $0x4000  }
0xcf: {  	[sflag:s14] =	ssyncset.done $0x0  }
0xd0: {  	[sflag:s14] =	ssyncadd.s32 $0xFFFFC000  }
0xd1: {  	_ =	swait.ge [sflag:s19], $0x4000  }
0xd2: {  	[sflag:s19] =	ssyncset.done $0x0  }
0xd3: {  	s28 =	simm.s32 $0x0;
	[sflag:s19] =	ssyncadd.s32 $0xFFFFC000  }
0xd4: {  	[tilespmem:s28], [sflag:$0x3] =	stream.linear.gather [hbm4b:s9+s28], $0x1400, $0x38;
	[tilespmem:$0x1E580] =	vst v63  }
0xd5: {  	_ =	swait.ge [sflag:s14], $0x1400  }
0xd6: {  	[sflag:s14] =	ssyncset.done $0x0  }
0xd7: {  	[sflag:s14] =	ssyncadd.s32 $0xFFFFEC00  }
0xd8: {  	[tilespmem:s15], [sflag:$0x3] =	stream.linear.gather [hbm4b:s10+s28], $0x1400, $0x38;
	[tilespmem:$0x1E580] =	vst v63  }
0xd9: {  	_ =	swait.ge [sflag:s14], $0x1400  }
0xda: {  	[sflag:s14] =	ssyncset.done $0x0  }
0xdb: {  	[sflag:s14] =	ssyncadd.s32 $0xFFFFEC00  }
0xdc: {  	v0 =	vld [tilespmem:$0x0]  }
0xdd: {  	v1 =	vld [tilespmem:$0x10]  }
0xde: {  	v2 =	vld [tilespmem:$0x20]  }
0xdf: {  	v3 =	vld [tilespmem:$0x30]  }
0xe0: {  	v4 =	vld [tilespmem:$0x40]  }
0xe1: {  	v58 =	vld [tilespmem:$0x50];
	[tilespmem:$0x2800] =	vst v0  }
0xe2: {  	v59 =	vld [tilespmem:$0x60];
	[tilespmem:$0x2810] =	vst v1  }
0xe3: {  	v60 =	vld [tilespmem:$0x70];
	[tilespmem:$0x2820] =	vst v2  }
0xe4: {  	[tilespmem:$0x2830] =	vst v3  }
0xe5: {  	[tilespmem:$0x2840] =	vst v4  }
0xe6: {  	[tilespmem:$0x2850] =	vst v58  }
0xe7: {  	[tilespmem:$0x2860] =	vst v59  }
0xe8: {  	s25 =	simm.s32 $0xF0;
	[tilespmem:$0x2870] =	vst v60  }
0xe9: {  	[tilespmem:s18], [sflag:$0x1] =	stream.indirect.gather [hbm4b:s4+s16], $0x80, s17, s16, $0xb8;
	[tilespmem:$0x1E580] =	vst v63  }
0xea: {  	v0 =	vld [tilespmem:s25+$0xFFFFFF90];
	_ =	sdelay $0x4  }
0xeb: {  	[tilespmem:$0x2880] =	vst v0  }
0xec: {  	v0 =	vld [tilespmem:s25+$0xFFFFFFA0];
	_ =	sdelay $0x4  }
0xed: {  	[tilespmem:$0x2890] =	vst v0  }
0xee: {  	v0 =	vld [tilespmem:s25+$0xFFFFFFB0];
	_ =	sdelay $0x4  }
0xef: {  	[tilespmem:$0x28A0] =	vst v0  }
0xf0: {  	v0 =	vld [tilespmem:s25+$0xFFFFFFC0];
	_ =	sdelay $0x4  }
0xf1: {  	[tilespmem:$0x28B0] =	vst v0  }
0xf2: {  	v0 =	vld [tilespmem:s25+$0xFFFFFFD0];
	_ =	sdelay $0x4  }
0xf3: {  	[tilespmem:$0x28C0] =	vst v0  }
0xf4: {  	v0 =	vld [tilespmem:s25+$0xFFFFFFE0];
	_ =	sdelay $0x4  }
0xf5: {  	[tilespmem:$0x28D0] =	vst v0  }
0xf6: {  	v0 =	vld [tilespmem:s25+$0xFFFFFFF0];
	_ =	sdelay $0x4  }
0xf7: {  	[tilespmem:$0x28E0] =	vst v0  }
0xf8: {  	v0 =	vld [tilespmem:s25+$0x0];
	_ =	sdelay $0x4  }
0xf9: {  	[tilespmem:$0x28F0] =	vst v0  }
0xfa: {  	_ =	swait.ge [sflag:s19], $0x4000  }
0xfb: {  	[sflag:s19] =	ssyncset.done $0x0  }
0xfc: {  	s26 =	simm.s32 $0x1480;
	[sflag:s19] =	ssyncadd.s32 $0xFFFFC000  }
0xfd: {  	[tilespmem:s21], [sflag:$0x2] =	stream.indirect.gather [hbm4b:s4+s16], $0x80, s20, s16, $0xb8;
	[tilespmem:$0x1E580] =	vst v63  }
0xfe: {  	v61 =	vld [tilespmem:s26+$0xFFFFFF80];
	_ =	sdelay $0x4  }
0xff: {  	[tilespmem:$0x2900] =	vst v61  }
0x100: {  	v0 =	vld [tilespmem:s26+$0xFFFFFF90];
	_ =	sdelay $0x4  }
0x101: {  	[tilespmem:$0x2910] =	vst v0  }
0x102: {  	v0 =	vld [tilespmem:s26+$0xFFFFFFA0];
	_ =	sdelay $0x4  }
0x103: {  	[tilespmem:$0x2920] =	vst v0  }
0x104: {  	v0 =	vld [tilespmem:s26+$0xFFFFFFB0];
	_ =	sdelay $0x4  }
0x105: {  	[tilespmem:$0x2930] =	vst v0  }
0x106: {  	v0 =	vld [tilespmem:s26+$0xFFFFFFC0];
	_ =	sdelay $0x4  }
0x107: {  	[tilespmem:$0x2940] =	vst v0  }
0x108: {  	v0 =	vld [tilespmem:s26+$0xFFFFFFD0];
	_ =	sdelay $0x4  }
0x109: {  	[tilespmem:$0x2950] =	vst v0  }
0x10a: {  	v0 =	vld [tilespmem:s26+$0xFFFFFFE0];
	_ =	sdelay $0x4  }
0x10b: {  	[tilespmem:$0x2960] =	vst v0  }
0x10c: {  	v0 =	vld [tilespmem:s26+$0xFFFFFFF0];
	_ =	sdelay $0x4  }
0x10d: {  	[tilespmem:$0x2970] =	vst v0  }
0x10e: {  	[spmem:s2] =	stream.indirect.scatter.add.f32 [tilespmem:s18], [sflag:$0x3], $0x80, s22, s16, $0xb8;
	[tilespmem:$0x1E580] =	vst v63  }
0x10f: {  	_ =	swait.ge [sflag:s14], $0x4000  }
0x110: {  	s28 =	smin.u32 s28, $0x25;
	[sflag:s14] =	ssyncset.done $0x0  }
0x111: {  	s28 =	sshll.u32 s28, $0x7;
	[sflag:s14] =	ssyncadd.s32 $0xFFFFC000  }
0x112: {  	v62 =	vld [tilespmem:s28+$0x100];
	_ =	sdelay $0x4  }
0x113: {  	[tilespmem:$0x2800] =	vst v62  }
0x114: {  	v0 =	vld [tilespmem:s28+$0x110];
	_ =	sdelay $0x4  }
0x115: {  	[tilespmem:$0x2810] =	vst v0  }
0x116: {  	v0 =	vld [tilespmem:s28+$0x120];
	_ =	sdelay $0x4  }
0x117: {  	[tilespmem:$0x2820] =	vst v0  }
0x118: {  	v0 =	vld [tilespmem:s28+$0x130];
	_ =	sdelay $0x4  }
0x119: {  	[tilespmem:$0x2830] =	vst v0  }
0x11a: {  	v0 =	vld [tilespmem:s28+$0x140];
	_ =	sdelay $0x4  }
0x11b: {  	[tilespmem:$0x2840] =	vst v0  }
0x11c: {  	v0 =	vld [tilespmem:s28+$0x150];
	_ =	sdelay $0x4  }
0x11d: {  	[tilespmem:$0x2850] =	vst v0  }
0x11e: {  	v0 =	vld [tilespmem:s28+$0x160];
	_ =	sdelay $0x4  }
0x11f: {  	[tilespmem:$0x2860] =	vst v0  }
0x120: {  	v0 =	vld [tilespmem:s28+$0x170];
	_ =	sdelay $0x4  }
0x121: {  	[tilespmem:$0x2870] =	vst v0  }
0x122: {  	_ =	swait.ge [sflag:s23], $0x4000  }
0x123: {  	[sflag:s23] =	ssyncset.done $0x0  }
0x124: {  	[sflag:s23] =	ssyncadd.s32 $0xFFFFC000  }
0x125: {  	[tilespmem:s18], [sflag:$0x1] =	stream.indirect.gather [hbm4b:s4+s16], $0x80, s17, s16, $0xb8;
	[tilespmem:$0x1E580] =	vst v63  }
0x126: {  	v63 =	vld [tilespmem:s26+$0x0];
	_ =	sdelay $0x4  }
0x127: {  	[tilespmem:$0x2900] =	vst v63  }
0x128: {  	v0 =	vld [tilespmem:s26+$0x10];
	_ =	sdelay $0x4  }
0x129: {  	[tilespmem:$0x2910] =	vst v0  }
0x12a: {  	v0 =	vld [tilespmem:s26+$0x20];
	_ =	sdelay $0x4  }
0x12b: {  	[tilespmem:$0x2920] =	vst v0  }
0x12c: {  	v0 =	vld [tilespmem:s26+$0x30];
	_ =	sdelay $0x4  }
0x12d: {  	[tilespmem:$0x2930] =	vst v0  }
0x12e: {  	v0 =	vld [tilespmem:s26+$0x40];
	_ =	sdelay $0x4  }
0x12f: {  	[tilespmem:$0x2940] =	vst v0  }
0x130: {  	v0 =	vld [tilespmem:s26+$0x50];
	_ =	sdelay $0x4  }
0x131: {  	[tilespmem:$0x2950] =	vst v0  }
0x132: {  	v0 =	vld [tilespmem:s26+$0x60];
	_ =	sdelay $0x4  }
0x133: {  	[tilespmem:$0x2960] =	vst v0  }
0x134: {  	v0 =	vld [tilespmem:s26+$0x70];
	_ =	sdelay $0x4  }
0x135: {  	[tilespmem:$0x2970] =	vst v0  }
0x136: {  	[spmem:s2] =	stream.indirect.scatter.add.f32 [tilespmem:s21], [sflag:$0x3], $0x80, s22, s16, $0xb8;
	[tilespmem:$0x1E580] =	vst v63  }
0x137: {  	_ =	swait.ge [sflag:s14], $0x4000  }
0x138: {  	s28 =	simm.s32 $0x2;
	[sflag:s14] =	ssyncset.done $0x0  }
.LBB2_4:
0x139: {  	[sflag:s14] =	ssyncadd.s32 $0xFFFFC000;
	s26 =	sadd.s32 $0x100, s26;
	s25 =	sadd.s32 $0x100, s25  }
0x13a: {  	p0 =	sne.s32 s28, $0x26;
	s29 =	smov.u32 s28;
	s28 =	sadd.s32 $0x2, s28;
	v0 =	vld [tilespmem:s25+$0xFFFFFF90]  }
0x13b: {  	_ =	sdelay $0x3  }
0x13c: {  	[tilespmem:$0x2880] =	vst v0  }
0x13d: {  	v0 =	vld [tilespmem:s25+$0xFFFFFFA0];
	_ =	sdelay $0x4  }
0x13e: {  	[tilespmem:$0x2890] =	vst v0  }
0x13f: {  	v0 =	vld [tilespmem:s25+$0xFFFFFFB0];
	_ =	sdelay $0x4  }
0x140: {  	[tilespmem:$0x28A0] =	vst v0  }
0x141: {  	v0 =	vld [tilespmem:s25+$0xFFFFFFC0];
	_ =	sdelay $0x4  }
0x142: {  	[tilespmem:$0x28B0] =	vst v0  }
0x143: {  	v0 =	vld [tilespmem:s25+$0xFFFFFFD0];
	_ =	sdelay $0x4  }
0x144: {  	[tilespmem:$0x28C0] =	vst v0  }
0x145: {  	v0 =	vld [tilespmem:s25+$0xFFFFFFE0];
	_ =	sdelay $0x4  }
0x146: {  	[tilespmem:$0x28D0] =	vst v0  }
0x147: {  	v0 =	vld [tilespmem:s25+$0xFFFFFFF0];
	_ =	sdelay $0x4  }
0x148: {  	[tilespmem:$0x28E0] =	vst v0  }
0x149: {  	v0 =	vld [tilespmem:s25+$0x0];
	_ =	sdelay $0x4  }
0x14a: {  	[tilespmem:$0x28F0] =	vst v0  }
0x14b: {  	_ =	swait.ge [sflag:s19], $0x4000  }
0x14c: {  	[sflag:s19] =	ssyncset.done $0x0  }
0x14d: {  	[sflag:s19] =	ssyncadd.s32 $0xFFFFC000  }
0x14e: {  	[tilespmem:s21], [sflag:$0x2] =	stream.indirect.gather [hbm4b:s4+s16], $0x80, s20, s16, $0xb8;
	[tilespmem:$0x1E580] =	vst v63  }
0x14f: {  	v0 =	vld [tilespmem:s26+$0xFFFFFF80];
	_ =	sdelay $0x4  }
0x150: {  	[tilespmem:$0x2900] =	vst v0  }
0x151: {  	v0 =	vld [tilespmem:s26+$0xFFFFFF90];
	_ =	sdelay $0x4  }
0x152: {  	[tilespmem:$0x2910] =	vst v0  }
0x153: {  	v0 =	vld [tilespmem:s26+$0xFFFFFFA0];
	_ =	sdelay $0x4  }
0x154: {  	[tilespmem:$0x2920] =	vst v0  }
0x155: {  	v0 =	vld [tilespmem:s26+$0xFFFFFFB0];
	_ =	sdelay $0x4  }
0x156: {  	[tilespmem:$0x2930] =	vst v0  }
0x157: {  	v0 =	vld [tilespmem:s26+$0xFFFFFFC0];
	_ =	sdelay $0x4  }
0x158: {  	[tilespmem:$0x2940] =	vst v0  }
0x159: {  	v0 =	vld [tilespmem:s26+$0xFFFFFFD0];
	_ =	sdelay $0x4  }
0x15a: {  	[tilespmem:$0x2950] =	vst v0  }
0x15b: {  	v0 =	vld [tilespmem:s26+$0xFFFFFFE0];
	_ =	sdelay $0x4  }
0x15c: {  	[tilespmem:$0x2960] =	vst v0  }
0x15d: {  	v0 =	vld [tilespmem:s26+$0xFFFFFFF0];
	_ =	sdelay $0x4  }
0x15e: {  	[tilespmem:$0x2970] =	vst v0  }
0x15f: {  	[spmem:s2] =	stream.indirect.scatter.add.f32 [tilespmem:s18], [sflag:$0x3], $0x80, s22, s16, $0xb8;
	[tilespmem:$0x1E580] =	vst v63  }
0x160: {  	_ =	swait.ge [sflag:s14], $0x4000  }
0x161: {  	s29 =	smin.u32 s29, $0x25;
	[sflag:s14] =	ssyncset.done $0x0  }
0x162: {  	s29 =	sshll.u32 s29, $0x7;
	[sflag:s14] =	ssyncadd.s32 $0xFFFFC000  }
0x163: {  	v0 =	vld [tilespmem:s29+$0x100];
	_ =	sdelay $0x4  }
0x164: {  	[tilespmem:$0x2800] =	vst v0  }
0x165: {  	v0 =	vld [tilespmem:s29+$0x110];
	_ =	sdelay $0x4  }
0x166: {  	[tilespmem:$0x2810] =	vst v0  }
0x167: {  	v0 =	vld [tilespmem:s29+$0x120];
	_ =	sdelay $0x4  }
0x168: {  	[tilespmem:$0x2820] =	vst v0  }
0x169: {  	v0 =	vld [tilespmem:s29+$0x130];
	_ =	sdelay $0x4  }
0x16a: {  	[tilespmem:$0x2830] =	vst v0  }
0x16b: {  	v0 =	vld [tilespmem:s29+$0x140];
	_ =	sdelay $0x4  }
0x16c: {  	[tilespmem:$0x2840] =	vst v0  }
0x16d: {  	v0 =	vld [tilespmem:s29+$0x150];
	_ =	sdelay $0x4  }
0x16e: {  	[tilespmem:$0x2850] =	vst v0  }
0x16f: {  	v0 =	vld [tilespmem:s29+$0x160];
	_ =	sdelay $0x4  }
0x170: {  	[tilespmem:$0x2860] =	vst v0  }
0x171: {  	v0 =	vld [tilespmem:s29+$0x170];
	_ =	sdelay $0x4  }
0x172: {  	[tilespmem:$0x2870] =	vst v0  }
0x173: {  	_ =	swait.ge [sflag:s23], $0x4000  }
0x174: {  	[sflag:s23] =	ssyncset.done $0x0  }
0x175: {  	[sflag:s23] =	ssyncadd.s32 $0xFFFFC000  }
0x176: {  	[tilespmem:s18], [sflag:$0x1] =	stream.indirect.gather [hbm4b:s4+s16], $0x80, s17, s16, $0xb8;
	[tilespmem:$0x1E580] =	vst v63  }
0x177: {  	v0 =	vld [tilespmem:s26+$0x0];
	_ =	sdelay $0x4  }
0x178: {  	[tilespmem:$0x2900] =	vst v0  }
0x179: {  	v0 =	vld [tilespmem:s26+$0x10];
	_ =	sdelay $0x4  }
0x17a: {  	[tilespmem:$0x2910] =	vst v0  }
0x17b: {  	v0 =	vld [tilespmem:s26+$0x20];
	_ =	sdelay $0x4  }
0x17c: {  	[tilespmem:$0x2920] =	vst v0  }
0x17d: {  	v0 =	vld [tilespmem:s26+$0x30];
	_ =	sdelay $0x4  }
0x17e: {  	[tilespmem:$0x2930] =	vst v0  }
0x17f: {  	v0 =	vld [tilespmem:s26+$0x40];
	_ =	sdelay $0x4  }
0x180: {  	[tilespmem:$0x2940] =	vst v0  }
0x181: {  	v0 =	vld [tilespmem:s26+$0x50];
	_ =	sdelay $0x4  }
0x182: {  	[tilespmem:$0x2950] =	vst v0  }
0x183: {  	v0 =	vld [tilespmem:s26+$0x60];
	_ =	sdelay $0x4  }
0x184: {  	[tilespmem:$0x2960] =	vst v0  }
0x185: {  	v0 =	vld [tilespmem:s26+$0x70];
	_ =	sdelay $0x3  }
.Ltmp1:
0x186: {  	(pc) =	sbr.rel @p0 .LBB2_4-.Ltmp1, $4  }
0x187: {  	[tilespmem:$0x2970] =	vst v0  }
0x188: {  	[spmem:s2] =	stream.indirect.scatter.add.f32 [tilespmem:s21], [sflag:$0x3], $0x80, s22, s16, $0xb8;
	[tilespmem:$0x1E580] =	vst v63  }
0x189: {  	_ =	swait.ge [sflag:s14], $0x4000  }
0x18a: {  	[sflag:s14] =	ssyncset.done $0x0  }
0x18b: {  	[sflag:s14] =	ssyncadd.s32 $0xFFFFC000  }
0x18c: {  	_ =	swait.ge [sflag:s19], $0x4000  }
0x18d: {  	s24 =	sadd.s32 $0x1, s24;
	[sflag:s19] =	ssyncset.done $0x0  }
0x18e: {  	p0 =	sne.s32 s24, s12;
	[sflag:s19] =	ssyncadd.s32 $0xFFFFC000  }
.Ltmp2:
0x18f: {  	[bflag:$0x0] =	sbarrier.arrive $0xFFFF;
	(pc) =	sbr.rel @p0 .LBB2_1-.Ltmp2, $4  }
0x190: {  	[hbm:s11], [sflag:s6] =	dma.local [spmem:s13], $0x2780  }
0x191: {  	_ =	swait.ge [sflag:s14], $0x2780  }
0x192: {  	[sflag:s14] =	ssyncset.done $0x0  }
0x193: {  	[sflag:s14] =	ssyncadd.s32 $0xFFFFD880  }
0x194: {  	_ =	sfence.sel $0x180000  }
0x195: {  	[bflag:$0x0] =	sbarrier.arrive $0xFFFF  }
0x196: {  	p0 =	sne.s32 s1, $0x0;
	_ =	strace $0x9000004D  }
0x197: {  	s0 =	sadd.s32 @!p0 $0x100000, s0;
	[bflag:$0x2] =	sbarrier.arrive $0xFFFF  }
0x198: {  	[sflag:s0] =	ssyncadd.tile.s32 @!p0 $0x1;
	_ =	shalt  }
.Lfunc_end2:
_tile_overlayer_lowered:
.L_overlay_start_2:
0x199: {  	(tag) =	ssettag $0x2  }
0x19a: {  	s0 =	rddreg [dreg:$0x0];
	s2 =	stileid.u32  }
0x19b: {  	s1 =	rddreg [dreg:$0x1];
	p0 =	sne.s32 s2, $0x0  }
0x19c: {  	s3 =	rddreg [dreg:$0x2];
	[bflag:$0x3] =	sbarrier.arrive $0xFFFF;
	s2 =	simm.s32 @!p0 $0x1C03  }
0x19d: {  	[timem:s3], [sflag:s2] =	dma.local @!p0 [hbm:s0], s1  }
0x19e: {  	s0 =	simm.s32 @!p0 $0x3  }
0x19f: {  	_ =	swait.ge @!p0 [sflag:s0], s1  }
0x1a0: {  	s1 =	ssub.s32 @!p0 $0x0, s1;
	[sflag:s0] =	ssyncset.done @!p0 $0x0  }
0x1a1: {  	[sflag:s0] =	ssyncadd.s32 @!p0 s1  }
0x1a2: {  	[bflag:$0x3] =	sbarrier.arrive $0xFFFF  }
0x1a3: {  	_ =	shalt  }

</sc_bundles>
